<compile_context>
chip_gen: v7x
topology: tpu7x:2x2x1
jax: 0.10.2.dev20260603
libtpu: 0.0.44.dev20260713+nightly
codegen_flags: <defaults>
</compile_context>

<pallas_src>
import functools

import jax
import jax.numpy as jnp
from jax import lax
from jax.experimental import pallas as pl
from jax.experimental.pallas import tpu as pltpu
from jax.experimental.pallas import tpu_sc as plsc

_INFO = plsc.get_sparse_core_info()
NC = _INFO.num_cores
NS = _INFO.num_subcores
NW = NC * NS
SUB = 64
K = 8
HC = 256


def _gather_body(n_per_w, table, ids1d, out, idx_v, rows_v, sem):
    cid = lax.axis_index("c")
    sid = lax.axis_index("s")
    wid = sid * NC + cid
    pltpu.sync_copy(ids1d.at[pl.ds(wid * n_per_w, n_per_w)], idx_v)
    pltpu.async_copy(table.at[idx_v], rows_v, sem).wait()
    pltpu.sync_copy(rows_v, out.at[pl.ds(wid * n_per_w, n_per_w)])


def _sc_gather(table, ids_pad):
    npad = ids_pad.shape[0]
    d = table.shape[1]
    n_per_w = npad // NW
    mesh = plsc.VectorSubcoreMesh(core_axis_name="c", subcore_axis_name="s")
    return pl.kernel(
        functools.partial(_gather_body, n_per_w),
        out_type=jax.ShapeDtypeStruct((npad, d), jnp.float32),
        mesh=mesh,
        scratch_types=[
            pltpu.VMEM((n_per_w,), jnp.int32),
            pltpu.VMEM((n_per_w, d), jnp.float32),
            pltpu.SemaphoreType.DMA,
        ],
    )(table, ids_pad)


def _edge_body(npad, nch, d, hwf, gidx1, dst1, aridx, zrow, agg_out,
               idx_a, idx_b, dst_a, dst_b, rows_a, rows_b,
               agg_sh, gsem, ssem):
    cid = lax.axis_index("c")
    sid = lax.axis_index("s")
    wid = sid * NC + cid
    seg = npad // NS
    nq = seg // SUB

    pltpu.sync_copy(zrow, rows_a)
    for q in range(nq):
        pltpu.sync_copy(aridx.at[pl.ds(sid * seg + q * SUB, SUB)], dst_a)
        pltpu.async_copy(rows_a, agg_sh.at[dst_a], ssem).wait()
    plsc.subcore_barrier()

    def fire_gather(blk, g, buf, dbuf, ibuf):
        pltpu.sync_copy(dst1.at[pl.ds((blk * K + g) * SUB, SUB)], dbuf)
        pltpu.sync_copy(gidx1.at[pl.ds((blk * K + g) * SUB, SUB)], ibuf)
        return pltpu.async_copy(hwf.at[ibuf], buf, gsem)

    def chunk(c, carry):
        blk = wid * nch + c
        bufs = (rows_a, rows_b)
        dsts = (dst_a, dst_b)
        idxs = (idx_a, idx_b)
        cp = fire_gather(blk, 0, bufs[0], dsts[0], idxs[0])
        sprev = None
        for g in range(K):
            cp.wait()
            if sprev is not None:
                sprev.wait()
            if g + 1 < K:
                cp = fire_gather(blk, g + 1, bufs[(g + 1) % 2],
                                 dsts[(g + 1) % 2], idxs[(g + 1) % 2])
            sprev = pltpu.async_copy(bufs[g % 2], agg_sh.at[dsts[g % 2]],
                                     ssem, add=True)
        sprev.wait()
        return carry

    lax.fori_loop(0, nch, chunk, 0)
    plsc.subcore_barrier()

    for q in range(nq):
        pltpu.sync_copy(aridx.at[pl.ds(sid * seg + q * SUB, SUB)], dst_a)
        pltpu.async_copy(agg_sh.at[dst_a], rows_a, gsem).wait()
        pltpu.sync_copy(rows_a, agg_out.at[cid, pl.ds(sid * seg + q * SUB, SUB)])


def _sc_edges(hwf, gidx, dst, npad):
    e = gidx.shape[0]
    d = hwf.shape[1]
    assert e % (NW * K * SUB) == 0 and npad % (NS * SUB) == 0
    nch = e // (NW * K * SUB)
    aridx = jnp.arange(npad, dtype=jnp.int32)
    zrow = jnp.zeros((SUB, d), jnp.float32)
    mesh = plsc.VectorSubcoreMesh(core_axis_name="c", subcore_axis_name="s")
    return pl.kernel(
        functools.partial(_edge_body, npad, nch, d),
        out_type=jax.ShapeDtypeStruct((NC, npad, d), jnp.float32),
        mesh=mesh,
        scratch_types=[
            pltpu.VMEM((SUB,), jnp.int32),
            pltpu.VMEM((SUB,), jnp.int32),
            pltpu.VMEM((SUB,), jnp.int32),
            pltpu.VMEM((SUB,), jnp.int32),
            pltpu.VMEM((SUB, d), jnp.float32),
            pltpu.VMEM((SUB, d), jnp.float32),
            pltpu.VMEM_SHARED((npad, d), jnp.float32),
            pltpu.SemaphoreType.DMA,
            pltpu.SemaphoreType.DMA,
        ],
    )(hwf, gidx, dst, aridx, zrow)


def _count_body(npad, epw, dst1, zhist, cnt_out, dbuf, hist):
    cid = lax.axis_index("c")
    sid = lax.axis_index("s")
    wid = sid * NC + cid
    pltpu.sync_copy(zhist, hist)
    pltpu.sync_copy(dst1.at[pl.ds(wid * epw, epw)], dbuf)
    one16 = jnp.ones((16,), jnp.float32)
    unroll = 8

    def grp(i, carry):
        base = i * (16 * unroll)
        for j in range(unroll):
            dv = dbuf[pl.ds(base + j * 16, 16)]
            rowv = lax.shift_right_logical(dv, HC.bit_length() - 1)
            colv = lax.bitwise_and(dv, HC - 1)
            plsc.addupdate_scatter(hist, [rowv, colv], one16)
        return carry

    lax.fori_loop(0, epw // (16 * unroll), grp, 0)
    pltpu.sync_copy(hist, cnt_out.at[wid])


def _sc_counts(dst, npad):
    e = dst.shape[0]
    epw = e // NW
    assert e % (NW * 16 * 8) == 0 and npad % HC == 0
    zhist = jnp.zeros((npad // HC, HC), jnp.float32)
    mesh = plsc.VectorSubcoreMesh(core_axis_name="c", subcore_axis_name="s")
    return pl.kernel(
        functools.partial(_count_body, npad, epw),
        out_type=jax.ShapeDtypeStruct((NW, npad // HC, HC), jnp.float32),
        mesh=mesh,
        compiler_params=pltpu.CompilerParams(needs_layout_passes=False),
        scratch_types=[
            pltpu.VMEM((epw,), jnp.int32),
            pltpu.VMEM((npad // HC, HC), jnp.float32),
        ],
    )(dst, zhist)


def _mm_body(h_ref, w_ref, o_ref):
    o_ref[0] = jnp.dot(h_ref[...], w_ref[0], preferred_element_type=jnp.float32)


def _tc_relation_matmuls(h, weight):
    npad, d = h.shape
    r = weight.shape[0]
    bn = 512
    return pl.pallas_call(
        _mm_body,
        grid=(r, npad // bn),
        in_specs=[
            pl.BlockSpec((bn, d), lambda ri, nb: (nb, 0)),
            pl.BlockSpec((1, d, d), lambda ri, nb: (ri, 0, 0)),
        ],
        out_specs=pl.BlockSpec((1, bn, d), lambda ri, nb: (ri, nb, 0)),
        out_shape=jax.ShapeDtypeStruct((r, npad, d), jnp.float32),
    )(h, weight)


def _fin_body(agg_ref, cnt_ref, w_ref, b_ref, o_ref):
    a = agg_ref[0] + agg_ref[1]
    c = jnp.sum(cnt_ref[...], axis=1, keepdims=True)
    h = a / jnp.maximum(c, 1.0)
    y = jnp.dot(h, w_ref[...], preferred_element_type=jnp.float32) + b_ref[...]
    o_ref[...] = jax.nn.sigmoid(y)


def _tc_finish(agg_part, cnt_nw, fc_w_pad, fc_b_pad, n):
    d = agg_part.shape[2]
    bn = 400
    return pl.pallas_call(
        _fin_body,
        grid=(n // bn,),
        in_specs=[
            pl.BlockSpec((2, bn, d), lambda nb: (0, nb, 0)),
            pl.BlockSpec((bn, NW), lambda nb: (nb, 0)),
            pl.BlockSpec((d, 128), lambda nb: (0, 0)),
            pl.BlockSpec((1, 128), lambda nb: (0, 0)),
        ],
        out_specs=pl.BlockSpec((bn, 128), lambda nb: (nb, 0)),
        out_shape=jax.ShapeDtypeStruct((n, 128), jnp.float32),
    )(agg_part, cnt_nw, fc_w_pad, fc_b_pad)


def kernel(node_ids, edge_index, etype, entity, weight, fc_w, fc_b):
    n = node_ids.shape[0]
    t = fc_w.shape[1]
    e = etype.shape[0]

    npad = -(-n // (NW * SUB)) * (NW * SUB)
    assert n < npad
    ids_pad = jnp.pad(node_ids.astype(jnp.int32), (0, npad - n))
    h = _sc_gather(entity, ids_pad)

    hw = _tc_relation_matmuls(h, weight)
    hwf = hw.reshape(weight.shape[0] * npad, h.shape[1])

    egrp = NW * K * SUB
    epad = -(-e // egrp) * egrp
    src = edge_index[0].astype(jnp.int32)
    dst = edge_index[1].astype(jnp.int32)
    gidx = jnp.pad(etype.astype(jnp.int32) * npad + src, (0, epad - e))
    dstp = jnp.pad(dst, (0, epad - e), constant_values=npad - 1)
    agg_part = _sc_edges(hwf, gidx, dstp, npad)
    cnt_part = _sc_counts(dstp, npad)

    cnt_nw = jnp.transpose(cnt_part.reshape(NW, npad))
    fc_w_pad = jnp.pad(fc_w, ((0, 0), (0, 128 - t)))
    fc_b_pad = jnp.pad(fc_b, (0, 128 - t)).reshape(1, 128)
    out_pad = _tc_finish(agg_part, cnt_nw, fc_w_pad, fc_b_pad, n)
    return out_pad[:, :t]

# --- scband reference (transcript-rebuilt; emitter-appended) ---
"""Pipeline reference for scband-rgcn-37263136260546 (READ-ONLY COPY).

The authoritative reference and input builder live on the scoring server;
editing this copy changes nothing except your own understanding.
"""

import jax, jax.numpy as jnp
import numpy as np

N_TABLE = 100000   # num_nodes in entity table
N = 10000          # nodes in the sampled block (src == dst set)
E = 320000         # edges
D = 128            # embedding_dim
R = 8              # 2 * num_rels
NUM_TYPES = 16


def setup_inputs(seed: int = 0) -> dict:
    key = jax.random.key(seed)
    ks = jax.random.split(key, 8)
    node_ids = jax.random.randint(ks[0], (N,), 0, N_TABLE)
    edge_index = jax.random.randint(ks[1], (2, E), 0, N)
    etype = jax.random.randint(ks[2], (E,), 0, R)
    # learned parameters
    entity = jax.random.uniform(ks[3], (N_TABLE, D), dtype=jnp.float32,
                                minval=-10.0 / D, maxval=10.0 / D)
    weight = jax.random.normal(ks[4], (R, D, D), dtype=jnp.float32)
    fc_w = jax.random.normal(ks[5], (D, NUM_TYPES), dtype=jnp.float32) / np.sqrt(D)
    fc_b = jnp.zeros((NUM_TYPES,), dtype=jnp.float32)
    return {"node_ids": node_ids, "edge_index": edge_index, "etype": etype,
            "entity": entity, "weight": weight, "fc_w": fc_w, "fc_b": fc_b}


def reference(node_ids, edge_index, etype, entity, weight, fc_w, fc_b):
    # h = torch.index_select(self.entity, 0, blocks[0].srcdata['id'])
    h = jnp.take(entity, node_ids, axis=0)                    # [N, D]
    src = edge_index[0]
    dst = edge_index[1]
    # bias_message_func: msg_e = h[src_e] @ weight[etype_e]
    # computed equivalently (same math) as per-relation transform then edge gather
    hw = jnp.einsum('nd,rde->rne', h, weight)                 # [R, N, D]
    msg = hw[etype, src]                                      # [E, D] gather
    # fn.mean('msg', 'h'): mean-aggregate messages by destination node
    agg = jax.ops.segment_sum(msg, dst, num_segments=N)       # [N, D] scatter-add
    cnt = jax.ops.segment_sum(jnp.ones((E,), dtype=h.dtype), dst, num_segments=N)
    h_out = agg / jnp.maximum(cnt, 1.0)[:, None]
    # activation='none', self_loop=False
    # output = torch.sigmoid(self.fc(h))
    out = jax.nn.sigmoid(h_out @ fc_w + fc_b)                 # [N, NUM_TYPES]
    return out

if __name__ == "__main__":
    import jax
    _d = setup_inputs()
    print(jax.jit(kernel)(*tuple(_d.values())))

</pallas_src>

<mosaic_0001>
#map = affine_map<(d0, d1) -> (0, 0)>
#map1 = affine_map<(d0, d1) -> (0)>
module attributes {stable_mosaic.version = 14 : i64} {
  func.func @_gather_body(%arg0: i32, %arg1: i32, %arg2: memref<100000x128xf32, #tpu.memory_space<hbm>>, %arg3: memref<10240xi32, #tpu.memory_space<hbm>>, %arg4: memref<10240x128xf32, #tpu.memory_space<hbm>>, %arg5: memref<320xi32, #tpu.memory_space<vmem>>, %arg6: memref<320x128xf32, #tpu.memory_space<vmem>>, %arg7: memref<!tpu.dma_semaphore, #tpu.memory_space<semaphore_mem>>) attributes {dimension_semantics = [#tpu.dimension_semantics<core_parallel>, #tpu.dimension_semantics<subcore_parallel>], iteration_bounds = array<i64: 2, 16>, scalar_prefetch = 0 : i64, scratch_operands = 3 : i64, tpu.core_type = #tpu.core_type<sc_vector_subcore>, window_params = [{transform_indices = #map}, {transform_indices = #map1}, {transform_indices = #map}]} {
    %mul3A = arith.constant 2 : i32
    %mul3A_0 = arith.muli %arg1, %mul3A : i32
    %add3A = arith.addi %mul3A_0, %arg0 : i32
    %mul3A_1 = arith.constant 320 : i32
    %mul3A_2 = arith.muli %add3A, %mul3A_1 : i32
    "tpu.region"() ({
      %run_scoped3A = tpu.sem_alloc : memref<!tpu.dma_semaphore, #tpu.memory_space<semaphore_mem>>
      %dma_start3A_9 = tpu.memref_slice %arg3[%mul3A_2] : memref<10240xi32, #tpu.memory_space<hbm>> -> memref<320xi32, #tpu.memory_space<hbm>>
      %dma_start3A_10 = tpu.memref_slice %arg3[%mul3A_2] : memref<10240xi32, #tpu.memory_space<hbm>> -> memref<320xi32, #tpu.memory_space<hbm>>
      tpu.enqueue_dma source(%dma_start3A_10 : memref<320xi32, #tpu.memory_space<hbm>>) target(%arg5 : memref<320xi32, #tpu.memory_space<vmem>>) target_semaphore(%run_scoped3A : memref<!tpu.dma_semaphore, #tpu.memory_space<semaphore_mem>>)
      %dma_wait3A_11 = tpu.memref_slice %arg3[%mul3A_2] : memref<10240xi32, #tpu.memory_space<hbm>> -> memref<320xi32, #tpu.memory_space<hbm>>
      %dma_wait3A_12 = tpu.memref_slice %arg3[%mul3A_2] : memref<10240xi32, #tpu.memory_space<hbm>> -> memref<320xi32, #tpu.memory_space<hbm>>
      tpu.wait_dma2 semaphore(%run_scoped3A : memref<!tpu.dma_semaphore, #tpu.memory_space<semaphore_mem>>) src(%dma_wait3A_12 : memref<320xi32, #tpu.memory_space<hbm>>) dst(%arg5 : memref<320xi32, #tpu.memory_space<vmem>>)
      tpu.yield
    }) : () -> ()
    %dma_start3A = arith.constant 0 : i32
    %dma_start3A_3 = arith.constant 0 : i32
    %dma_start3A_4 = tpu.memref_slice %arg2[%dma_start3A, %dma_start3A_3] : memref<100000x128xf32, #tpu.memory_space<hbm>> -> memref<100000x128xf32, #tpu.memory_space<hbm>>
    tpu.enqueue_indirect_dma source(%dma_start3A_4 : memref<100000x128xf32, #tpu.memory_space<hbm>>) target(%arg6 : memref<320x128xf32, #tpu.memory_space<vmem>>) offsets(%arg5 : memref<320xi32, #tpu.memory_space<vmem>>) semaphore(%arg7 : memref<!tpu.dma_semaphore, #tpu.memory_space<semaphore_mem>>)
    %dma_wait3A = arith.constant 0 : i32
    %dma_wait3A_5 = arith.constant 0 : i32
    %dma_wait3A_6 = tpu.memref_slice %arg2[%dma_wait3A, %dma_wait3A_5] : memref<100000x128xf32, #tpu.memory_space<hbm>> -> memref<100000x128xf32, #tpu.memory_space<hbm>>
    tpu.wait_indirect_dma semaphore(%arg7 : memref<!tpu.dma_semaphore, #tpu.memory_space<semaphore_mem>>) src(%dma_wait3A_6 : memref<100000x128xf32, #tpu.memory_space<hbm>>) dst(%arg6 : memref<320x128xf32, #tpu.memory_space<vmem>>)
    %mul3A_7 = arith.constant 320 : i32
    %mul3A_8 = arith.muli %add3A, %mul3A_7 : i32
    "tpu.region"() ({
      %run_scoped3A = tpu.sem_alloc : memref<!tpu.dma_semaphore, #tpu.memory_space<semaphore_mem>>
      %dma_start3A_9 = arith.constant 0 : i32
      %dma_start3A_10 = tpu.memref_slice %arg4[%mul3A_8, %dma_start3A_9] : memref<10240x128xf32, #tpu.memory_space<hbm>> -> memref<320x128xf32, #tpu.memory_space<hbm>>
      %dma_start3A_11 = arith.constant 0 : i32
      %dma_start3A_12 = tpu.memref_slice %arg4[%mul3A_8, %dma_start3A_11] : memref<10240x128xf32, #tpu.memory_space<hbm>> -> memref<320x128xf32, #tpu.memory_space<hbm>>
      tpu.enqueue_dma source(%arg6 : memref<320x128xf32, #tpu.memory_space<vmem>>) target(%dma_start3A_12 : memref<320x128xf32, #tpu.memory_space<hbm>>) target_semaphore(%run_scoped3A : memref<!tpu.dma_semaphore, #tpu.memory_space<semaphore_mem>>)
      %dma_wait3A_13 = arith.constant 0 : i32
      %dma_wait3A_14 = tpu.memref_slice %arg4[%mul3A_8, %dma_wait3A_13] : memref<10240x128xf32, #tpu.memory_space<hbm>> -> memref<320x128xf32, #tpu.memory_space<hbm>>
      %dma_wait3A_15 = arith.constant 0 : i32
      %dma_wait3A_16 = tpu.memref_slice %arg4[%mul3A_8, %dma_wait3A_15] : memref<10240x128xf32, #tpu.memory_space<hbm>> -> memref<320x128xf32, #tpu.memory_space<hbm>>
      tpu.wait_dma2 semaphore(%run_scoped3A : memref<!tpu.dma_semaphore, #tpu.memory_space<semaphore_mem>>) src(%arg6 : memref<320x128xf32, #tpu.memory_space<vmem>>) dst(%dma_wait3A_16 : memref<320x128xf32, #tpu.memory_space<hbm>>)
      tpu.yield
    }) : () -> ()
    return
  }
}

#map = affine_map<(d0, d1) -> (0, 0)>
#map1 = affine_map<(d0, d1) -> (0)>
#map2 = affine_map<(d0, d1) -> (0, 0, 0)>
module attributes {stable_mosaic.version = 14 : i64} {
  func.func @_edge_body(%arg0: i32, %arg1: i32, %arg2: memref<81920x128xf32, #tpu.memory_space<hbm>>, %arg3: memref<327680xi32, #tpu.memory_space<hbm>>, %arg4: memref<327680xi32, #tpu.memory_space<hbm>>, %arg5: memref<10240xi32, #tpu.memory_space<hbm>>, %arg6: memref<64x128xf32, #tpu.memory_space<hbm>>, %arg7: memref<2x10240x128xf32, #tpu.memory_space<hbm>>, %arg8: memref<64xi32, #tpu.memory_space<vmem>>, %arg9: memref<64xi32, #tpu.memory_space<vmem>>, %arg10: memref<64xi32, #tpu.memory_space<vmem>>, %arg11: memref<64xi32, #tpu.memory_space<vmem>>, %arg12: memref<64x128xf32, #tpu.memory_space<vmem>>, %arg13: memref<64x128xf32, #tpu.memory_space<vmem>>, %arg14: memref<10240x128xf32, #tpu.memory_space<vmem_shared>>, %arg15: memref<!tpu.dma_semaphore, #tpu.memory_space<semaphore_mem>>, %arg16: memref<!tpu.dma_semaphore, #tpu.memory_space<semaphore_mem>>) attributes {dimension_semantics = [#tpu.dimension_semantics<core_parallel>, #tpu.dimension_semantics<subcore_parallel>], iteration_bounds = array<i64: 2, 16>, scalar_prefetch = 0 : i64, scratch_operands = 9 : i64, tpu.core_type = #tpu.core_type<sc_vector_subcore>, window_params = [{transform_indices = #map}, {transform_indices = #map1}, {transform_indices = #map1}, {transform_indices = #map1}, {transform_indices = #map}, {transform_indices = #map2}]} {
    %mul3A = arith.constant 2 : i32
    %mul3A_0 = arith.muli %arg1, %mul3A : i32
    %add3A = arith.addi %mul3A_0, %arg0 : i32
    "tpu.region"() ({
      %run_scoped3A = tpu.sem_alloc : memref<!tpu.dma_semaphore, #tpu.memory_space<semaphore_mem>>
      tpu.enqueue_dma source(%arg6 : memref<64x128xf32, #tpu.memory_space<hbm>>) target(%arg12 : memref<64x128xf32, #tpu.memory_space<vmem>>) target_semaphore(%run_scoped3A : memref<!tpu.dma_semaphore, #tpu.memory_space<semaphore_mem>>)
      tpu.wait_dma2 semaphore(%run_scoped3A : memref<!tpu.dma_semaphore, #tpu.memory_space<semaphore_mem>>) src(%arg6 : memref<64x128xf32, #tpu.memory_space<hbm>>) dst(%arg12 : memref<64x128xf32, #tpu.memory_space<vmem>>)
      tpu.yield
    }) : () -> ()
    %mul3A_1 = arith.constant 640 : i32
    %mul3A_2 = arith.muli %arg1, %mul3A_1 : i32
    %add3A_3 = arith.constant 0 : i32
    %add3A_4 = arith.addi %mul3A_2, %add3A_3 : i32
    "tpu.region"() ({
      %run_scoped3A = tpu.sem_alloc : memref<!tpu.dma_semaphore, #tpu.memory_space<semaphore_mem>>
      %dma_start3A_245 = tpu.memref_slice %arg5[%add3A_4] : memref<10240xi32, #tpu.memory_space<hbm>> -> memref<64xi32, #tpu.memory_space<hbm>>
      %dma_start3A_246 = tpu.memref_slice %arg5[%add3A_4] : memref<10240xi32, #tpu.memory_space<hbm>> -> memref<64xi32, #tpu.memory_space<hbm>>
      tpu.enqueue_dma source(%dma_start3A_246 : memref<64xi32, #tpu.memory_space<hbm>>) target(%arg10 : memref<64xi32, #tpu.memory_space<vmem>>) target_semaphore(%run_scoped3A : memref<!tpu.dma_semaphore, #tpu.memory_space<semaphore_mem>>)
      %dma_wait3A_247 = tpu.memref_slice %arg5[%add3A_4] : memref<10240xi32, #tpu.memory_space<hbm>> -> memref<64xi32, #tpu.memory_space<hbm>>
      %dma_wait3A_248 = tpu.memref_slice %arg5[%add3A_4] : memref<10240xi32, #tpu.memory_space<hbm>> -> memref<64xi32, #tpu.memory_space<hbm>>
      tpu.wait_dma2 semaphore(%run_scoped3A : memref<!tpu.dma_semaphore, #tpu.memory_space<semaphore_mem>>) src(%dma_wait3A_248 : memref<64xi32, #tpu.memory_space<hbm>>) dst(%arg10 : memref<64xi32, #tpu.memory_space<vmem>>)
      tpu.yield
    }) : () -> ()
    %dma_start3A = arith.constant 0 : i32
    %dma_start3A_5 = arith.constant 0 : i32
    %dma_start3A_6 = tpu.memref_slice %arg14[%dma_start3A, %dma_start3A_5] : memref<10240x128xf32, #tpu.memory_space<vmem_shared>> -> memref<10240x128xf32, #tpu.memory_space<vmem_shared>>
    tpu.enqueue_indirect_dma source(%arg12 : memref<64x128xf32, #tpu.memory_space<vmem>>) target(%dma_start3A_6 : memref<10240x128xf32, #tpu.memory_space<vmem_shared>>) offsets(%arg10 : memref<64xi32, #tpu.memory_space<vmem>>) semaphore(%arg16 : memref<!tpu.dma_semaphore, #tpu.memory_space<semaphore_mem>>)
    %dma_wait3A = arith.constant 0 : i32
    %dma_wait3A_7 = arith.constant 0 : i32
    %dma_wait3A_8 = tpu.memref_slice %arg14[%dma_wait3A, %dma_wait3A_7] : memref<10240x128xf32, #tpu.memory_space<vmem_shared>> -> memref<10240x128xf32, #tpu.memory_space<vmem_shared>>
    tpu.wait_indirect_dma semaphore(%arg16 : memref<!tpu.dma_semaphore, #tpu.memory_space<semaphore_mem>>) src(%arg12 : memref<64x128xf32, #tpu.memory_space<vmem>>) dst(%dma_wait3A_8 : memref<10240x128xf32, #tpu.memory_space<vmem_shared>>)
    %mul3A_9 = arith.constant 640 : i32
    %mul3A_10 = arith.muli %arg1, %mul3A_9 : i32
    %add3A_11 = arith.constant 64 : i32
    %add3A_12 = arith.addi %mul3A_10, %add3A_11 : i32
    "tpu.region"() ({
      %run_scoped3A = tpu.sem_alloc : memref<!tpu.dma_semaphore, #tpu.memory_space<semaphore_mem>>
      %dma_start3A_245 = tpu.memref_slice %arg5[%add3A_12] : memref<10240xi32, #tpu.memory_space<hbm>> -> memref<64xi32, #tpu.memory_space<hbm>>
      %dma_start3A_246 = tpu.memref_slice %arg5[%add3A_12] : memref<10240xi32, #tpu.memory_space<hbm>> -> memref<64xi32, #tpu.memory_space<hbm>>
      tpu.enqueue_dma source(%dma_start3A_246 : memref<64xi32, #tpu.memory_space<hbm>>) target(%arg10 : memref<64xi32, #tpu.memory_space<vmem>>) target_semaphore(%run_scoped3A : memref<!tpu.dma_semaphore, #tpu.memory_space<semaphore_mem>>)
      %dma_wait3A_247 = tpu.memref_slice %arg5[%add3A_12] : memref<10240xi32, #tpu.memory_space<hbm>> -> memref<64xi32, #tpu.memory_space<hbm>>
      %dma_wait3A_248 = tpu.memref_slice %arg5[%add3A_12] : memref<10240xi32, #tpu.memory_space<hbm>> -> memref<64xi32, #tpu.memory_space<hbm>>
      tpu.wait_dma2 semaphore(%run_scoped3A : memref<!tpu.dma_semaphore, #tpu.memory_space<semaphore_mem>>) src(%dma_wait3A_248 : memref<64xi32, #tpu.memory_space<hbm>>) dst(%arg10 : memref<64xi32, #tpu.memory_space<vmem>>)
      tpu.yield
    }) : () -> ()
    %dma_start3A_13 = arith.constant 0 : i32
    %dma_start3A_14 = arith.constant 0 : i32
    %dma_start3A_15 = tpu.memref_slice %arg14[%dma_start3A_13, %dma_start3A_14] : memref<10240x128xf32, #tpu.memory_space<vmem_shared>> -> memref<10240x128xf32, #tpu.memory_space<vmem_shared>>
    tpu.enqueue_indirect_dma source(%arg12 : memref<64x128xf32, #tpu.memory_space<vmem>>) target(%dma_start3A_15 : memref<10240x128xf32, #tpu.memory_space<vmem_shared>>) offsets(%arg10 : memref<64xi32, #tpu.memory_space<vmem>>) semaphore(%arg16 : memref<!tpu.dma_semaphore, #tpu.memory_space<semaphore_mem>>)
    %dma_wait3A_16 = arith.constant 0 : i32
    %dma_wait3A_17 = arith.constant 0 : i32
    %dma_wait3A_18 = tpu.memref_slice %arg14[%dma_wait3A_16, %dma_wait3A_17] : memref<10240x128xf32, #tpu.memory_space<vmem_shared>> -> memref<10240x128xf32, #tpu.memory_space<vmem_shared>>
    tpu.wait_indirect_dma semaphore(%arg16 : memref<!tpu.dma_semaphore, #tpu.memory_space<semaphore_mem>>) src(%arg12 : memref<64x128xf32, #tpu.memory_space<vmem>>) dst(%dma_wait3A_18 : memref<10240x128xf32, #tpu.memory_space<vmem_shared>>)
    %mul3A_19 = arith.constant 640 : i32
    %mul3A_20 = arith.muli %arg1, %mul3A_19 : i32
    %add3A_21 = arith.constant 128 : i32
    %add3A_22 = arith.addi %mul3A_20, %add3A_21 : i32
    "tpu.region"() ({
      %run_scoped3A = tpu.sem_alloc : memref<!tpu.dma_semaphore, #tpu.memory_space<semaphore_mem>>
      %dma_start3A_245 = tpu.memref_slice %arg5[%add3A_22] : memref<10240xi32, #tpu.memory_space<hbm>> -> memref<64xi32, #tpu.memory_space<hbm>>
      %dma_start3A_246 = tpu.memref_slice %arg5[%add3A_22] : memref<10240xi32, #tpu.memory_space<hbm>> -> memref<64xi32, #tpu.memory_space<hbm>>
      tpu.enqueue_dma source(%dma_start3A_246 : memref<64xi32, #tpu.memory_space<hbm>>) target(%arg10 : memref<64xi32, #tpu.memory_space<vmem>>) target_semaphore(%run_scoped3A : memref<!tpu.dma_semaphore, #tpu.memory_space<semaphore_mem>>)
      %dma_wait3A_247 = tpu.memref_slice %arg5[%add3A_22] : memref<10240xi32, #tpu.memory_space<hbm>> -> memref<64xi32, #tpu.memory_space<hbm>>
      %dma_wait3A_248 = tpu.memref_slice %arg5[%add3A_22] : memref<10240xi32, #tpu.memory_space<hbm>> -> memref<64xi32, #tpu.memory_space<hbm>>
      tpu.wait_dma2 semaphore(%run_scoped3A : memref<!tpu.dma_semaphore, #tpu.memory_space<semaphore_mem>>) src(%dma_wait3A_248 : memref<64xi32, #tpu.memory_space<hbm>>) dst(%arg10 : memref<64xi32, #tpu.memory_space<vmem>>)
      tpu.yield
    }) : () -> ()
    %dma_start3A_23 = arith.constant 0 : i32
    %dma_start3A_24 = arith.constant 0 : i32
    %dma_start3A_25 = tpu.memref_slice %arg14[%dma_start3A_23, %dma_start3A_24] : memref<10240x128xf32, #tpu.memory_space<vmem_shared>> -> memref<10240x128xf32, #tpu.memory_space<vmem_shared>>
    tpu.enqueue_indirect_dma source(%arg12 : memref<64x128xf32, #tpu.memory_space<vmem>>) target(%dma_start3A_25 : memref<10240x128xf32, #tpu.memory_space<vmem_shared>>) offsets(%arg10 : memref<64xi32, #tpu.memory_space<vmem>>) semaphore(%arg16 : memref<!tpu.dma_semaphore, #tpu.memory_space<semaphore_mem>>)
    %dma_wait3A_26 = arith.constant 0 : i32
    %dma_wait3A_27 = arith.constant 0 : i32
    %dma_wait3A_28 = tpu.memref_slice %arg14[%dma_wait3A_26, %dma_wait3A_27] : memref<10240x128xf32, #tpu.memory_space<vmem_shared>> -> memref<10240x128xf32, #tpu.memory_space<vmem_shared>>
    tpu.wait_indirect_dma semaphore(%arg16 : memref<!tpu.dma_semaphore, #tpu.memory_space<semaphore_mem>>) src(%arg12 : memref<64x128xf32, #tpu.memory_space<vmem>>) dst(%dma_wait3A_28 : memref<10240x128xf32, #tpu.memory_space<vmem_shared>>)
    %mul3A_29 = arith.constant 640 : i32
    %mul3A_30 = arith.muli %arg1, %mul3A_29 : i32
    %add3A_31 = arith.constant 192 : i32
    %add3A_32 = arith.addi %mul3A_30, %add3A_31 : i32
    "tpu.region"() ({
      %run_scoped3A = tpu.sem_alloc : memref<!tpu.dma_semaphore, #tpu.memory_space<semaphore_mem>>
      %dma_start3A_245 = tpu.memref_slice %arg5[%add3A_32] : memref<10240xi32, #tpu.memory_space<hbm>> -> memref<64xi32, #tpu.memory_space<hbm>>
      %dma_start3A_246 = tpu.memref_slice %arg5[%add3A_32] : memref<10240xi32, #tpu.memory_space<hbm>> -> memref<64xi32, #tpu.memory_space<hbm>>
      tpu.enqueue_dma source(%dma_start3A_246 : memref<64xi32, #tpu.memory_space<hbm>>) target(%arg10 : memref<64xi32, #tpu.memory_space<vmem>>) target_semaphore(%run_scoped3A : memref<!tpu.dma_semaphore, #tpu.memory_space<semaphore_mem>>)
      %dma_wait3A_247 = tpu.memref_slice %arg5[%add3A_32] : memref<10240xi32, #tpu.memory_space<hbm>> -> memref<64xi32, #tpu.memory_space<hbm>>
      %dma_wait3A_248 = tpu.memref_slice %arg5[%add3A_32] : memref<10240xi32, #tpu.memory_space<hbm>> -> memref<64xi32, #tpu.memory_space<hbm>>
      tpu.wait_dma2 semaphore(%run_scoped3A : memref<!tpu.dma_semaphore, #tpu.memory_space<semaphore_mem>>) src(%dma_wait3A_248 : memref<64xi32, #tpu.memory_space<hbm>>) dst(%arg10 : memref<64xi32, #tpu.memory_space<vmem>>)
      tpu.yield
    }) : () -> ()
    %dma_start3A_33 = arith.constant 0 : i32
    %dma_start3A_34 = arith.constant 0 : i32
    %dma_start3A_35 = tpu.memref_slice %arg14[%dma_start3A_33, %dma_start3A_34] : memref<10240x128xf32, #tpu.memory_space<vmem_shared>> -> memref<10240x128xf32, #tpu.memory_space<vmem_shared>>
    tpu.enqueue_indirect_dma source(%arg12 : memref<64x128xf32, #tpu.memory_space<vmem>>) target(%dma_start3A_35 : memref<10240x128xf32, #tpu.memory_space<vmem_shared>>) offsets(%arg10 : memref<64xi32, #tpu.memory_space<vmem>>) semaphore(%arg16 : memref<!tpu.dma_semaphore, #tpu.memory_space<semaphore_mem>>)
    %dma_wait3A_36 = arith.constant 0 : i32
    %dma_wait3A_37 = arith.constant 0 : i32
    %dma_wait3A_38 = tpu.memref_slice %arg14[%dma_wait3A_36, %dma_wait3A_37] : memref<10240x128xf32, #tpu.memory_space<vmem_shared>> -> memref<10240x128xf32, #tpu.memory_space<vmem_shared>>
    tpu.wait_indirect_dma semaphore(%arg16 : memref<!tpu.dma_semaphore, #tpu.memory_space<semaphore_mem>>) src(%arg12 : memref<64x128xf32, #tpu.memory_space<vmem>>) dst(%dma_wait3A_38 : memref<10240x128xf32, #tpu.memory_space<vmem_shared>>)
    %mul3A_39 = arith.constant 640 : i32
    %mul3A_40 = arith.muli %arg1, %mul3A_39 : i32
    %add3A_41 = arith.constant 256 : i32
    %add3A_42 = arith.addi %mul3A_40, %add3A_41 : i32
    "tpu.region"() ({
      %run_scoped3A = tpu.sem_alloc : memref<!tpu.dma_semaphore, #tpu.memory_space<semaphore_mem>>
      %dma_start3A_245 = tpu.memref_slice %arg5[%add3A_42] : memref<10240xi32, #tpu.memory_space<hbm>> -> memref<64xi32, #tpu.memory_space<hbm>>
      %dma_start3A_246 = tpu.memref_slice %arg5[%add3A_42] : memref<10240xi32, #tpu.memory_space<hbm>> -> memref<64xi32, #tpu.memory_space<hbm>>
      tpu.enqueue_dma source(%dma_start3A_246 : memref<64xi32, #tpu.memory_space<hbm>>) target(%arg10 : memref<64xi32, #tpu.memory_space<vmem>>) target_semaphore(%run_scoped3A : memref<!tpu.dma_semaphore, #tpu.memory_space<semaphore_mem>>)
      %dma_wait3A_247 = tpu.memref_slice %arg5[%add3A_42] : memref<10240xi32, #tpu.memory_space<hbm>> -> memref<64xi32, #tpu.memory_space<hbm>>
      %dma_wait3A_248 = tpu.memref_slice %arg5[%add3A_42] : memref<10240xi32, #tpu.memory_space<hbm>> -> memref<64xi32, #tpu.memory_space<hbm>>
      tpu.wait_dma2 semaphore(%run_scoped3A : memref<!tpu.dma_semaphore, #tpu.memory_space<semaphore_mem>>) src(%dma_wait3A_248 : memref<64xi32, #tpu.memory_space<hbm>>) dst(%arg10 : memref<64xi32, #tpu.memory_space<vmem>>)
      tpu.yield
    }) : () -> ()
    %dma_start3A_43 = arith.constant 0 : i32
    %dma_start3A_44 = arith.constant 0 : i32
    %dma_start3A_45 = tpu.memref_slice %arg14[%dma_start3A_43, %dma_start3A_44] : memref<10240x128xf32, #tpu.memory_space<vmem_shared>> -> memref<10240x128xf32, #tpu.memory_space<vmem_shared>>
    tpu.enqueue_indirect_dma source(%arg12 : memref<64x128xf32, #tpu.memory_space<vmem>>) target(%dma_start3A_45 : memref<10240x128xf32, #tpu.memory_space<vmem_shared>>) offsets(%arg10 : memref<64xi32, #tpu.memory_space<vmem>>) semaphore(%arg16 : memref<!tpu.dma_semaphore, #tpu.memory_space<semaphore_mem>>)
    %dma_wait3A_46 = arith.constant 0 : i32
    %dma_wait3A_47 = arith.constant 0 : i32
    %dma_wait3A_48 = tpu.memref_slice %arg14[%dma_wait3A_46, %dma_wait3A_47] : memref<10240x128xf32, #tpu.memory_space<vmem_shared>> -> memref<10240x128xf32, #tpu.memory_space<vmem_shared>>
    tpu.wait_indirect_dma semaphore(%arg16 : memref<!tpu.dma_semaphore, #tpu.memory_space<semaphore_mem>>) src(%arg12 : memref<64x128xf32, #tpu.memory_space<vmem>>) dst(%dma_wait3A_48 : memref<10240x128xf32, #tpu.memory_space<vmem_shared>>)
    %mul3A_49 = arith.constant 640 : i32
    %mul3A_50 = arith.muli %arg1, %mul3A_49 : i32
    %add3A_51 = arith.constant 320 : i32
    %add3A_52 = arith.addi %mul3A_50, %add3A_51 : i32
    "tpu.region"() ({
      %run_scoped3A = tpu.sem_alloc : memref<!tpu.dma_semaphore, #tpu.memory_space<semaphore_mem>>
      %dma_start3A_245 = tpu.memref_slice %arg5[%add3A_52] : memref<10240xi32, #tpu.memory_space<hbm>> -> memref<64xi32, #tpu.memory_space<hbm>>
      %dma_start3A_246 = tpu.memref_slice %arg5[%add3A_52] : memref<10240xi32, #tpu.memory_space<hbm>> -> memref<64xi32, #tpu.memory_space<hbm>>
      tpu.enqueue_dma source(%dma_start3A_246 : memref<64xi32, #tpu.memory_space<hbm>>) target(%arg10 : memref<64xi32, #tpu.memory_space<vmem>>) target_semaphore(%run_scoped3A : memref<!tpu.dma_semaphore, #tpu.memory_space<semaphore_mem>>)
      %dma_wait3A_247 = tpu.memref_slice %arg5[%add3A_52] : memref<10240xi32, #tpu.memory_space<hbm>> -> memref<64xi32, #tpu.memory_space<hbm>>
      %dma_wait3A_248 = tpu.memref_slice %arg5[%add3A_52] : memref<10240xi32, #tpu.memory_space<hbm>> -> memref<64xi32, #tpu.memory_space<hbm>>
      tpu.wait_dma2 semaphore(%run_scoped3A : memref<!tpu.dma_semaphore, #tpu.memory_space<semaphore_mem>>) src(%dma_wait3A_248 : memref<64xi32, #tpu.memory_space<hbm>>) dst(%arg10 : memref<64xi32, #tpu.memory_space<vmem>>)
      tpu.yield
    }) : () -> ()
    %dma_start3A_53 = arith.constant 0 : i32
    %dma_start3A_54 = arith.constant 0 : i32
    %dma_start3A_55 = tpu.memref_slice %arg14[%dma_start3A_53, %dma_start3A_54] : memref<10240x128xf32, #tpu.memory_space<vmem_shared>> -> memref<10240x128xf32, #tpu.memory_space<vmem_shared>>
    tpu.enqueue_indirect_dma source(%arg12 : memref<64x128xf32, #tpu.memory_space<vmem>>) target(%dma_start3A_55 : memref<10240x128xf32, #tpu.memory_space<vmem_shared>>) offsets(%arg10 : memref<64xi32, #tpu.memory_space<vmem>>) semaphore(%arg16 : memref<!tpu.dma_semaphore, #tpu.memory_space<semaphore_mem>>)
    %dma_wait3A_56 = arith.constant 0 : i32
    %dma_wait3A_57 = arith.constant 0 : i32
    %dma_wait3A_58 = tpu.memref_slice %arg14[%dma_wait3A_56, %dma_wait3A_57] : memref<10240x128xf32, #tpu.memory_space<vmem_shared>> -> memref<10240x128xf32, #tpu.memory_space<vmem_shared>>
    tpu.wait_indirect_dma semaphore(%arg16 : memref<!tpu.dma_semaphore, #tpu.memory_space<semaphore_mem>>) src(%arg12 : memref<64x128xf32, #tpu.memory_space<vmem>>) dst(%dma_wait3A_58 : memref<10240x128xf32, #tpu.memory_space<vmem_shared>>)
    %mul3A_59 = arith.constant 640 : i32
    %mul3A_60 = arith.muli %arg1, %mul3A_59 : i32
    %add3A_61 = arith.constant 384 : i32
    %add3A_62 = arith.addi %mul3A_60, %add3A_61 : i32
    "tpu.region"() ({
      %run_scoped3A = tpu.sem_alloc : memref<!tpu.dma_semaphore, #tpu.memory_space<semaphore_mem>>
      %dma_start3A_245 = tpu.memref_slice %arg5[%add3A_62] : memref<10240xi32, #tpu.memory_space<hbm>> -> memref<64xi32, #tpu.memory_space<hbm>>
      %dma_start3A_246 = tpu.memref_slice %arg5[%add3A_62] : memref<10240xi32, #tpu.memory_space<hbm>> -> memref<64xi32, #tpu.memory_space<hbm>>
      tpu.enqueue_dma source(%dma_start3A_246 : memref<64xi32, #tpu.memory_space<hbm>>) target(%arg10 : memref<64xi32, #tpu.memory_space<vmem>>) target_semaphore(%run_scoped3A : memref<!tpu.dma_semaphore, #tpu.memory_space<semaphore_mem>>)
      %dma_wait3A_247 = tpu.memref_slice %arg5[%add3A_62] : memref<10240xi32, #tpu.memory_space<hbm>> -> memref<64xi32, #tpu.memory_space<hbm>>
      %dma_wait3A_248 = tpu.memref_slice %arg5[%add3A_62] : memref<10240xi32, #tpu.memory_space<hbm>> -> memref<64xi32, #tpu.memory_space<hbm>>
      tpu.wait_dma2 semaphore(%run_scoped3A : memref<!tpu.dma_semaphore, #tpu.memory_space<semaphore_mem>>) src(%dma_wait3A_248 : memref<64xi32, #tpu.memory_space<hbm>>) dst(%arg10 : memref<64xi32, #tpu.memory_space<vmem>>)
      tpu.yield
    }) : () -> ()
    %dma_start3A_63 = arith.constant 0 : i32
    %dma_start3A_64 = arith.constant 0 : i32
    %dma_start3A_65 = tpu.memref_slice %arg14[%dma_start3A_63, %dma_start3A_64] : memref<10240x128xf32, #tpu.memory_space<vmem_shared>> -> memref<10240x128xf32, #tpu.memory_space<vmem_shared>>
    tpu.enqueue_indirect_dma source(%arg12 : memref<64x128xf32, #tpu.memory_space<vmem>>) target(%dma_start3A_65 : memref<10240x128xf32, #tpu.memory_space<vmem_shared>>) offsets(%arg10 : memref<64xi32, #tpu.memory_space<vmem>>) semaphore(%arg16 : memref<!tpu.dma_semaphore, #tpu.memory_space<semaphore_mem>>)
    %dma_wait3A_66 = arith.constant 0 : i32
    %dma_wait3A_67 = arith.constant 0 : i32
    %dma_wait3A_68 = tpu.memref_slice %arg14[%dma_wait3A_66, %dma_wait3A_67] : memref<10240x128xf32, #tpu.memory_space<vmem_shared>> -> memref<10240x128xf32, #tpu.memory_space<vmem_shared>>
    tpu.wait_indirect_dma semaphore(%arg16 : memref<!tpu.dma_semaphore, #tpu.memory_space<semaphore_mem>>) src(%arg12 : memref<64x128xf32, #tpu.memory_space<vmem>>) dst(%dma_wait3A_68 : memref<10240x128xf32, #tpu.memory_space<vmem_shared>>)
    %mul3A_69 = arith.constant 640 : i32
    %mul3A_70 = arith.muli %arg1, %mul3A_69 : i32
    %add3A_71 = arith.constant 448 : i32
    %add3A_72 = arith.addi %mul3A_70, %add3A_71 : i32
    "tpu.region"() ({
      %run_scoped3A = tpu.sem_alloc : memref<!tpu.dma_semaphore, #tpu.memory_space<semaphore_mem>>
      %dma_start3A_245 = tpu.memref_slice %arg5[%add3A_72] : memref<10240xi32, #tpu.memory_space<hbm>> -> memref<64xi32, #tpu.memory_space<hbm>>
      %dma_start3A_246 = tpu.memref_slice %arg5[%add3A_72] : memref<10240xi32, #tpu.memory_space<hbm>> -> memref<64xi32, #tpu.memory_space<hbm>>
      tpu.enqueue_dma source(%dma_start3A_246 : memref<64xi32, #tpu.memory_space<hbm>>) target(%arg10 : memref<64xi32, #tpu.memory_space<vmem>>) target_semaphore(%run_scoped3A : memref<!tpu.dma_semaphore, #tpu.memory_space<semaphore_mem>>)
      %dma_wait3A_247 = tpu.memref_slice %arg5[%add3A_72] : memref<10240xi32, #tpu.memory_space<hbm>> -> memref<64xi32, #tpu.memory_space<hbm>>
      %dma_wait3A_248 = tpu.memref_slice %arg5[%add3A_72] : memref<10240xi32, #tpu.memory_space<hbm>> -> memref<64xi32, #tpu.memory_space<hbm>>
      tpu.wait_dma2 semaphore(%run_scoped3A : memref<!tpu.dma_semaphore, #tpu.memory_space<semaphore_mem>>) src(%dma_wait3A_248 : memref<64xi32, #tpu.memory_space<hbm>>) dst(%arg10 : memref<64xi32, #tpu.memory_space<vmem>>)
      tpu.yield
    }) : () -> ()
    %dma_start3A_73 = arith.constant 0 : i32
    %dma_start3A_74 = arith.constant 0 : i32
    %dma_start3A_75 = tpu.memref_slice %arg14[%dma_start3A_73, %dma_start3A_74] : memref<10240x128xf32, #tpu.memory_space<vmem_shared>> -> memref<10240x128xf32, #tpu.memory_space<vmem_shared>>
    tpu.enqueue_indirect_dma source(%arg12 : memref<64x128xf32, #tpu.memory_space<vmem>>) target(%dma_start3A_75 : memref<10240x128xf32, #tpu.memory_space<vmem_shared>>) offsets(%arg10 : memref<64xi32, #tpu.memory_space<vmem>>) semaphore(%arg16 : memref<!tpu.dma_semaphore, #tpu.memory_space<semaphore_mem>>)
    %dma_wait3A_76 = arith.constant 0 : i32
    %dma_wait3A_77 = arith.constant 0 : i32
    %dma_wait3A_78 = tpu.memref_slice %arg14[%dma_wait3A_76, %dma_wait3A_77] : memref<10240x128xf32, #tpu.memory_space<vmem_shared>> -> memref<10240x128xf32, #tpu.memory_space<vmem_shared>>
    tpu.wait_indirect_dma semaphore(%arg16 : memref<!tpu.dma_semaphore, #tpu.memory_space<semaphore_mem>>) src(%arg12 : memref<64x128xf32, #tpu.memory_space<vmem>>) dst(%dma_wait3A_78 : memref<10240x128xf32, #tpu.memory_space<vmem_shared>>)
    %mul3A_79 = arith.constant 640 : i32
    %mul3A_80 = arith.muli %arg1, %mul3A_79 : i32
    %add3A_81 = arith.constant 512 : i32
    %add3A_82 = arith.addi %mul3A_80, %add3A_81 : i32
    "tpu.region"() ({
      %run_scoped3A = tpu.sem_alloc : memref<!tpu.dma_semaphore, #tpu.memory_space<semaphore_mem>>
      %dma_start3A_245 = tpu.memref_slice %arg5[%add3A_82] : memref<10240xi32, #tpu.memory_space<hbm>> -> memref<64xi32, #tpu.memory_space<hbm>>
      %dma_start3A_246 = tpu.memref_slice %arg5[%add3A_82] : memref<10240xi32, #tpu.memory_space<hbm>> -> memref<64xi32, #tpu.memory_space<hbm>>
      tpu.enqueue_dma source(%dma_start3A_246 : memref<64xi32, #tpu.memory_space<hbm>>) target(%arg10 : memref<64xi32, #tpu.memory_space<vmem>>) target_semaphore(%run_scoped3A : memref<!tpu.dma_semaphore, #tpu.memory_space<semaphore_mem>>)
      %dma_wait3A_247 = tpu.memref_slice %arg5[%add3A_82] : memref<10240xi32, #tpu.memory_space<hbm>> -> memref<64xi32, #tpu.memory_space<hbm>>
      %dma_wait3A_248 = tpu.memref_slice %arg5[%add3A_82] : memref<10240xi32, #tpu.memory_space<hbm>> -> memref<64xi32, #tpu.memory_space<hbm>>
      tpu.wait_dma2 semaphore(%run_scoped3A : memref<!tpu.dma_semaphore, #tpu.memory_space<semaphore_mem>>) src(%dma_wait3A_248 : memref<64xi32, #tpu.memory_space<hbm>>) dst(%arg10 : memref<64xi32, #tpu.memory_space<vmem>>)
      tpu.yield
    }) : () -> ()
    %dma_start3A_83 = arith.constant 0 : i32
    %dma_start3A_84 = arith.constant 0 : i32
    %dma_start3A_85 = tpu.memref_slice %arg14[%dma_start3A_83, %dma_start3A_84] : memref<10240x128xf32, #tpu.memory_space<vmem_shared>> -> memref<10240x128xf32, #tpu.memory_space<vmem_shared>>
    tpu.enqueue_indirect_dma source(%arg12 : memref<64x128xf32, #tpu.memory_space<vmem>>) target(%dma_start3A_85 : memref<10240x128xf32, #tpu.memory_space<vmem_shared>>) offsets(%arg10 : memref<64xi32, #tpu.memory_space<vmem>>) semaphore(%arg16 : memref<!tpu.dma_semaphore, #tpu.memory_space<semaphore_mem>>)
    %dma_wait3A_86 = arith.constant 0 : i32
    %dma_wait3A_87 = arith.constant 0 : i32
    %dma_wait3A_88 = tpu.memref_slice %arg14[%dma_wait3A_86, %dma_wait3A_87] : memref<10240x128xf32, #tpu.memory_space<vmem_shared>> -> memref<10240x128xf32, #tpu.memory_space<vmem_shared>>
    tpu.wait_indirect_dma semaphore(%arg16 : memref<!tpu.dma_semaphore, #tpu.memory_space<semaphore_mem>>) src(%arg12 : memref<64x128xf32, #tpu.memory_space<vmem>>) dst(%dma_wait3A_88 : memref<10240x128xf32, #tpu.memory_space<vmem_shared>>)
    %mul3A_89 = arith.constant 640 : i32
    %mul3A_90 = arith.muli %arg1, %mul3A_89 : i32
    %add3A_91 = arith.constant 576 : i32
    %add3A_92 = arith.addi %mul3A_90, %add3A_91 : i32
    "tpu.region"() ({
      %run_scoped3A = tpu.sem_alloc : memref<!tpu.dma_semaphore, #tpu.memory_space<semaphore_mem>>
      %dma_start3A_245 = tpu.memref_slice %arg5[%add3A_92] : memref<10240xi32, #tpu.memory_space<hbm>> -> memref<64xi32, #tpu.memory_space<hbm>>
      %dma_start3A_246 = tpu.memref_slice %arg5[%add3A_92] : memref<10240xi32, #tpu.memory_space<hbm>> -> memref<64xi32, #tpu.memory_space<hbm>>
      tpu.enqueue_dma source(%dma_start3A_246 : memref<64xi32, #tpu.memory_space<hbm>>) target(%arg10 : memref<64xi32, #tpu.memory_space<vmem>>) target_semaphore(%run_scoped3A : memref<!tpu.dma_semaphore, #tpu.memory_space<semaphore_mem>>)
      %dma_wait3A_247 = tpu.memref_slice %arg5[%add3A_92] : memref<10240xi32, #tpu.memory_space<hbm>> -> memref<64xi32, #tpu.memory_space<hbm>>
      %dma_wait3A_248 = tpu.memref_slice %arg5[%add3A_92] : memref<10240xi32, #tpu.memory_space<hbm>> -> memref<64xi32, #tpu.memory_space<hbm>>
      tpu.wait_dma2 semaphore(%run_scoped3A : memref<!tpu.dma_semaphore, #tpu.memory_space<semaphore_mem>>) src(%dma_wait3A_248 : memref<64xi32, #tpu.memory_space<hbm>>) dst(%arg10 : memref<64xi32, #tpu.memory_space<vmem>>)
      tpu.yield
    }) : () -> ()
    %dma_start3A_93 = arith.constant 0 : i32
    %dma_start3A_94 = arith.constant 0 : i32
    %dma_start3A_95 = tpu.memref_slice %arg14[%dma_start3A_93, %dma_start3A_94] : memref<10240x128xf32, #tpu.memory_space<vmem_shared>> -> memref<10240x128xf32, #tpu.memory_space<vmem_shared>>
    tpu.enqueue_indirect_dma source(%arg12 : memref<64x128xf32, #tpu.memory_space<vmem>>) target(%dma_start3A_95 : memref<10240x128xf32, #tpu.memory_space<vmem_shared>>) offsets(%arg10 : memref<64xi32, #tpu.memory_space<vmem>>) semaphore(%arg16 : memref<!tpu.dma_semaphore, #tpu.memory_space<semaphore_mem>>)
    %dma_wait3A_96 = arith.constant 0 : i32
    %dma_wait3A_97 = arith.constant 0 : i32
    %dma_wait3A_98 = tpu.memref_slice %arg14[%dma_wait3A_96, %dma_wait3A_97] : memref<10240x128xf32, #tpu.memory_space<vmem_shared>> -> memref<10240x128xf32, #tpu.memory_space<vmem_shared>>
    tpu.wait_indirect_dma semaphore(%arg16 : memref<!tpu.dma_semaphore, #tpu.memory_space<semaphore_mem>>) src(%arg12 : memref<64x128xf32, #tpu.memory_space<vmem>>) dst(%dma_wait3A_98 : memref<10240x128xf32, #tpu.memory_space<vmem_shared>>)
    %barrier3A = arith.constant 0 : index
    tpu.barrier barrier_id(%barrier3A)
    %scan3A = arith.constant 0 : i32
    %scan3A_99 = arith.constant 0 : i32
    %scan3A_100 = arith.constant 20 : i32
    %scan3A_101 = arith.addi %scan3A_99, %scan3A_100 : i32
    %scan3A_102 = arith.constant 1 : i32
    scf.for %scan3A_245 = %scan3A_99 to %scan3A_101 step %scan3A_102  : i32 {
      %mul3A_246 = arith.constant 20 : i32
      %mul3A_247 = arith.muli %add3A, %mul3A_246 : i32
      %add3A_248 = arith.addi %mul3A_247, %scan3A_245 : i32
      %mul3A_249 = arith.constant 8 : i32
      %mul3A_250 = arith.muli %add3A_248, %mul3A_249 : i32
      %add3A_251 = arith.constant 0 : i32
      %add3A_252 = arith.addi %mul3A_250, %add3A_251 : i32
      %mul3A_253 = arith.constant 64 : i32
      %mul3A_254 = arith.muli %add3A_252, %mul3A_253 : i32
      "tpu.region"() ({
        %run_scoped3A = tpu.sem_alloc : memref<!tpu.dma_semaphore, #tpu.memory_space<semaphore_mem>>
        %dma_start3A_441 = tpu.memref_slice %arg4[%mul3A_254] : memref<327680xi32, #tpu.memory_space<hbm>> -> memref<64xi32, #tpu.memory_space<hbm>>
        %dma_start3A_442 = tpu.memref_slice %arg4[%mul3A_254] : memref<327680xi32, #tpu.memory_space<hbm>> -> memref<64xi32, #tpu.memory_space<hbm>>
        tpu.enqueue_dma source(%dma_start3A_442 : memref<64xi32, #tpu.memory_space<hbm>>) target(%arg10 : memref<64xi32, #tpu.memory_space<vmem>>) target_semaphore(%run_scoped3A : memref<!tpu.dma_semaphore, #tpu.memory_space<semaphore_mem>>)
        %dma_wait3A_443 = tpu.memref_slice %arg4[%mul3A_254] : memref<327680xi32, #tpu.memory_space<hbm>> -> memref<64xi32, #tpu.memory_space<hbm>>
        %dma_wait3A_444 = tpu.memref_slice %arg4[%mul3A_254] : memref<327680xi32, #tpu.memory_space<hbm>> -> memref<64xi32, #tpu.memory_space<hbm>>
        tpu.wait_dma2 semaphore(%run_scoped3A : memref<!tpu.dma_semaphore, #tpu.memory_space<semaphore_mem>>) src(%dma_wait3A_444 : memref<64xi32, #tpu.memory_space<hbm>>) dst(%arg10 : memref<64xi32, #tpu.memory_space<vmem>>)
        tpu.yield
      }) : () -> ()
      %mul3A_255 = arith.constant 8 : i32
      %mul3A_256 = arith.muli %add3A_248, %mul3A_255 : i32
      %add3A_257 = arith.constant 0 : i32
      %add3A_258 = arith.addi %mul3A_256, %add3A_257 : i32
      %mul3A_259 = arith.constant 64 : i32
      %mul3A_260 = arith.muli %add3A_258, %mul3A_259 : i32
      "tpu.region"() ({
        %run_scoped3A = tpu.sem_alloc : memref<!tpu.dma_semaphore, #tpu.memory_space<semaphore_mem>>
        %dma_start3A_441 = tpu.memref_slice %arg3[%mul3A_260] : memref<327680xi32, #tpu.memory_space<hbm>> -> memref<64xi32, #tpu.memory_space<hbm>>
        %dma_start3A_442 = tpu.memref_slice %arg3[%mul3A_260] : memref<327680xi32, #tpu.memory_space<hbm>> -> memref<64xi32, #tpu.memory_space<hbm>>
        tpu.enqueue_dma source(%dma_start3A_442 : memref<64xi32, #tpu.memory_space<hbm>>) target(%arg8 : memref<64xi32, #tpu.memory_space<vmem>>) target_semaphore(%run_scoped3A : memref<!tpu.dma_semaphore, #tpu.memory_space<semaphore_mem>>)
        %dma_wait3A_443 = tpu.memref_slice %arg3[%mul3A_260] : memref<327680xi32, #tpu.memory_space<hbm>> -> memref<64xi32, #tpu.memory_space<hbm>>
        %dma_wait3A_444 = tpu.memref_slice %arg3[%mul3A_260] : memref<327680xi32, #tpu.memory_space<hbm>> -> memref<64xi32, #tpu.memory_space<hbm>>
        tpu.wait_dma2 semaphore(%run_scoped3A : memref<!tpu.dma_semaphore, #tpu.memory_space<semaphore_mem>>) src(%dma_wait3A_444 : memref<64xi32, #tpu.memory_space<hbm>>) dst(%arg8 : memref<64xi32, #tpu.memory_space<vmem>>)
        tpu.yield
      }) : () -> ()
      %dma_start3A_261 = arith.constant 0 : i32
      %dma_start3A_262 = arith.constant 0 : i32
      %dma_start3A_263 = tpu.memref_slice %arg2[%dma_start3A_261, %dma_start3A_262] : memref<81920x128xf32, #tpu.memory_space<hbm>> -> memref<81920x128xf32, #tpu.memory_space<hbm>>
      tpu.enqueue_indirect_dma source(%dma_start3A_263 : memref<81920x128xf32, #tpu.memory_space<hbm>>) target(%arg12 : memref<64x128xf32, #tpu.memory_space<vmem>>) offsets(%arg8 : memref<64xi32, #tpu.memory_space<vmem>>) semaphore(%arg15 : memref<!tpu.dma_semaphore, #tpu.memory_space<semaphore_mem>>)
      %dma_wait3A_264 = arith.constant 0 : i32
      %dma_wait3A_265 = arith.constant 0 : i32
      %dma_wait3A_266 = tpu.memref_slice %arg2[%dma_wait3A_264, %dma_wait3A_265] : memref<81920x128xf32, #tpu.memory_space<hbm>> -> memref<81920x128xf32, #tpu.memory_space<hbm>>
      tpu.wait_indirect_dma semaphore(%arg15 : memref<!tpu.dma_semaphore, #tpu.memory_space<semaphore_mem>>) src(%dma_wait3A_266 : memref<81920x128xf32, #tpu.memory_space<hbm>>) dst(%arg12 : memref<64x128xf32, #tpu.memory_space<vmem>>)
      %mul3A_267 = arith.constant 8 : i32
      %mul3A_268 = arith.muli %add3A_248, %mul3A_267 : i32
      %add3A_269 = arith.constant 1 : i32
      %add3A_270 = arith.addi %mul3A_268, %add3A_269 : i32
      %mul3A_271 = arith.constant 64 : i32
      %mul3A_272 = arith.muli %add3A_270, %mul3A_271 : i32
      "tpu.region"() ({
        %run_scoped3A = tpu.sem_alloc : memref<!tpu.dma_semaphore, #tpu.memory_space<semaphore_mem>>
        %dma_start3A_441 = tpu.memref_slice %arg4[%mul3A_272] : memref<327680xi32, #tpu.memory_space<hbm>> -> memref<64xi32, #tpu.memory_space<hbm>>
        %dma_start3A_442 = tpu.memref_slice %arg4[%mul3A_272] : memref<327680xi32, #tpu.memory_space<hbm>> -> memref<64xi32, #tpu.memory_space<hbm>>
        tpu.enqueue_dma source(%dma_start3A_442 : memref<64xi32, #tpu.memory_space<hbm>>) target(%arg11 : memref<64xi32, #tpu.memory_space<vmem>>) target_semaphore(%run_scoped3A : memref<!tpu.dma_semaphore, #tpu.memory_space<semaphore_mem>>)
        %dma_wait3A_443 = tpu.memref_slice %arg4[%mul3A_272] : memref<327680xi32, #tpu.memory_space<hbm>> -> memref<64xi32, #tpu.memory_space<hbm>>
        %dma_wait3A_444 = tpu.memref_slice %arg4[%mul3A_272] : memref<327680xi32, #tpu.memory_space<hbm>> -> memref<64xi32, #tpu.memory_space<hbm>>
        tpu.wait_dma2 semaphore(%run_scoped3A : memref<!tpu.dma_semaphore, #tpu.memory_space<semaphore_mem>>) src(%dma_wait3A_444 : memref<64xi32, #tpu.memory_space<hbm>>) dst(%arg11 : memref<64xi32, #tpu.memory_space<vmem>>)
        tpu.yield
      }) : () -> ()
      %mul3A_273 = arith.constant 8 : i32
      %mul3A_274 = arith.muli %add3A_248, %mul3A_273 : i32
      %add3A_275 = arith.constant 1 : i32
      %add3A_276 = arith.addi %mul3A_274, %add3A_275 : i32
      %mul3A_277 = arith.constant 64 : i32
      %mul3A_278 = arith.muli %add3A_276, %mul3A_277 : i32
      "tpu.region"() ({
        %run_scoped3A = tpu.sem_alloc : memref<!tpu.dma_semaphore, #tpu.memory_space<semaphore_mem>>
        %dma_start3A_441 = tpu.memref_slice %arg3[%mul3A_278] : memref<327680xi32, #tpu.memory_space<hbm>> -> memref<64xi32, #tpu.memory_space<hbm>>
        %dma_start3A_442 = tpu.memref_slice %arg3[%mul3A_278] : memref<327680xi32, #tpu.memory_space<hbm>> -> memref<64xi32, #tpu.memory_space<hbm>>
        tpu.enqueue_dma source(%dma_start3A_442 : memref<64xi32, #tpu.memory_space<hbm>>) target(%arg9 : memref<64xi32, #tpu.memory_space<vmem>>) target_semaphore(%run_scoped3A : memref<!tpu.dma_semaphore, #tpu.memory_space<semaphore_mem>>)
        %dma_wait3A_443 = tpu.memref_slice %arg3[%mul3A_278] : memref<327680xi32, #tpu.memory_space<hbm>> -> memref<64xi32, #tpu.memory_space<hbm>>
        %dma_wait3A_444 = tpu.memref_slice %arg3[%mul3A_278] : memref<327680xi32, #tpu.memory_space<hbm>> -> memref<64xi32, #tpu.memory_space<hbm>>
        tpu.wait_dma2 semaphore(%run_scoped3A : memref<!tpu.dma_semaphore, #tpu.memory_space<semaphore_mem>>) src(%dma_wait3A_444 : memref<64xi32, #tpu.memory_space<hbm>>) dst(%arg9 : memref<64xi32, #tpu.memory_space<vmem>>)
        tpu.yield
      }) : () -> ()
      %dma_start3A_279 = arith.constant 0 : i32
      %dma_start3A_280 = arith.constant 0 : i32
      %dma_start3A_281 = tpu.memref_slice %arg2[%dma_start3A_279, %dma_start3A_280] : memref<81920x128xf32, #tpu.memory_space<hbm>> -> memref<81920x128xf32, #tpu.memory_space<hbm>>
      tpu.enqueue_indirect_dma source(%dma_start3A_281 : memref<81920x128xf32, #tpu.memory_space<hbm>>) target(%arg13 : memref<64x128xf32, #tpu.memory_space<vmem>>) offsets(%arg9 : memref<64xi32, #tpu.memory_space<vmem>>) semaphore(%arg15 : memref<!tpu.dma_semaphore, #tpu.memory_space<semaphore_mem>>)
      %dma_start3A_282 = arith.constant 0 : i32
      %dma_start3A_283 = arith.constant 0 : i32
      %dma_start3A_284 = tpu.memref_slice %arg14[%dma_start3A_282, %dma_start3A_283] : memref<10240x128xf32, #tpu.memory_space<vmem_shared>> -> memref<10240x128xf32, #tpu.memory_space<vmem_shared>>
      tpu.enqueue_indirect_dma source(%arg12 : memref<64x128xf32, #tpu.memory_space<vmem>>) target(%dma_start3A_284 : memref<10240x128xf32, #tpu.memory_space<vmem_shared>>) offsets(%arg10 : memref<64xi32, #tpu.memory_space<vmem>>) semaphore(%arg16 : memref<!tpu.dma_semaphore, #tpu.memory_space<semaphore_mem>>) {add = true}
      %dma_wait3A_285 = arith.constant 0 : i32
      %dma_wait3A_286 = arith.constant 0 : i32
      %dma_wait3A_287 = tpu.memref_slice %arg2[%dma_wait3A_285, %dma_wait3A_286] : memref<81920x128xf32, #tpu.memory_space<hbm>> -> memref<81920x128xf32, #tpu.memory_space<hbm>>
      tpu.wait_indirect_dma semaphore(%arg15 : memref<!tpu.dma_semaphore, #tpu.memory_space<semaphore_mem>>) src(%dma_wait3A_287 : memref<81920x128xf32, #tpu.memory_space<hbm>>) dst(%arg13 : memref<64x128xf32, #tpu.memory_space<vmem>>)
      %dma_wait3A_288 = arith.constant 0 : i32
      %dma_wait3A_289 = arith.constant 0 : i32
      %dma_wait3A_290 = tpu.memref_slice %arg14[%dma_wait3A_288, %dma_wait3A_289] : memref<10240x128xf32, #tpu.memory_space<vmem_shared>> -> memref<10240x128xf32, #tpu.memory_space<vmem_shared>>
      tpu.wait_indirect_dma semaphore(%arg16 : memref<!tpu.dma_semaphore, #tpu.memory_space<semaphore_mem>>) src(%arg12 : memref<64x128xf32, #tpu.memory_space<vmem>>) dst(%dma_wait3A_290 : memref<10240x128xf32, #tpu.memory_space<vmem_shared>>)
      %mul3A_291 = arith.constant 8 : i32
      %mul3A_292 = arith.muli %add3A_248, %mul3A_291 : i32
      %add3A_293 = arith.constant 2 : i32
      %add3A_294 = arith.addi %mul3A_292, %add3A_293 : i32
      %mul3A_295 = arith.constant 64 : i32
      %mul3A_296 = arith.muli %add3A_294, %mul3A_295 : i32
      "tpu.region"() ({
        %run_scoped3A = tpu.sem_alloc : memref<!tpu.dma_semaphore, #tpu.memory_space<semaphore_mem>>
        %dma_start3A_441 = tpu.memref_slice %arg4[%mul3A_296] : memref<327680xi32, #tpu.memory_space<hbm>> -> memref<64xi32, #tpu.memory_space<hbm>>
        %dma_start3A_442 = tpu.memref_slice %arg4[%mul3A_296] : memref<327680xi32, #tpu.memory_space<hbm>> -> memref<64xi32, #tpu.memory_space<hbm>>
        tpu.enqueue_dma source(%dma_start3A_442 : memref<64xi32, #tpu.memory_space<hbm>>) target(%arg10 : memref<64xi32, #tpu.memory_space<vmem>>) target_semaphore(%run_scoped3A : memref<!tpu.dma_semaphore, #tpu.memory_space<semaphore_mem>>)
        %dma_wait3A_443 = tpu.memref_slice %arg4[%mul3A_296] : memref<327680xi32, #tpu.memory_space<hbm>> -> memref<64xi32, #tpu.memory_space<hbm>>
        %dma_wait3A_444 = tpu.memref_slice %arg4[%mul3A_296] : memref<327680xi32, #tpu.memory_space<hbm>> -> memref<64xi32, #tpu.memory_space<hbm>>
        tpu.wait_dma2 semaphore(%run_scoped3A : memref<!tpu.dma_semaphore, #tpu.memory_space<semaphore_mem>>) src(%dma_wait3A_444 : memref<64xi32, #tpu.memory_space<hbm>>) dst(%arg10 : memref<64xi32, #tpu.memory_space<vmem>>)
        tpu.yield
      }) : () -> ()
      %mul3A_297 = arith.constant 8 : i32
      %mul3A_298 = arith.muli %add3A_248, %mul3A_297 : i32
      %add3A_299 = arith.constant 2 : i32
      %add3A_300 = arith.addi %mul3A_298, %add3A_299 : i32
      %mul3A_301 = arith.constant 64 : i32
      %mul3A_302 = arith.muli %add3A_300, %mul3A_301 : i32
      "tpu.region"() ({
        %run_scoped3A = tpu.sem_alloc : memref<!tpu.dma_semaphore, #tpu.memory_space<semaphore_mem>>
        %dma_start3A_441 = tpu.memref_slice %arg3[%mul3A_302] : memref<327680xi32, #tpu.memory_space<hbm>> -> memref<64xi32, #tpu.memory_space<hbm>>
        %dma_start3A_442 = tpu.memref_slice %arg3[%mul3A_302] : memref<327680xi32, #tpu.memory_space<hbm>> -> memref<64xi32, #tpu.memory_space<hbm>>
        tpu.enqueue_dma source(%dma_start3A_442 : memref<64xi32, #tpu.memory_space<hbm>>) target(%arg8 : memref<64xi32, #tpu.memory_space<vmem>>) target_semaphore(%run_scoped3A : memref<!tpu.dma_semaphore, #tpu.memory_space<semaphore_mem>>)
        %dma_wait3A_443 = tpu.memref_slice %arg3[%mul3A_302] : memref<327680xi32, #tpu.memory_space<hbm>> -> memref<64xi32, #tpu.memory_space<hbm>>
        %dma_wait3A_444 = tpu.memref_slice %arg3[%mul3A_302] : memref<327680xi32, #tpu.memory_space<hbm>> -> memref<64xi32, #tpu.memory_space<hbm>>
        tpu.wait_dma2 semaphore(%run_scoped3A : memref<!tpu.dma_semaphore, #tpu.memory_space<semaphore_mem>>) src(%dma_wait3A_444 : memref<64xi32, #tpu.memory_space<hbm>>) dst(%arg8 : memref<64xi32, #tpu.memory_space<vmem>>)
        tpu.yield
      }) : () -> ()
      %dma_start3A_303 = arith.constant 0 : i32
      %dma_start3A_304 = arith.constant 0 : i32
      %dma_start3A_305 = tpu.memref_slice %arg2[%dma_start3A_303, %dma_start3A_304] : memref<81920x128xf32, #tpu.memory_space<hbm>> -> memref<81920x128xf32, #tpu.memory_space<hbm>>
      tpu.enqueue_indirect_dma source(%dma_start3A_305 : memref<81920x128xf32, #tpu.memory_space<hbm>>) target(%arg12 : memref<64x128xf32, #tpu.memory_space<vmem>>) offsets(%arg8 : memref<64xi32, #tpu.memory_space<vmem>>) semaphore(%arg15 : memref<!tpu.dma_semaphore, #tpu.memory_space<semaphore_mem>>)
      %dma_start3A_306 = arith.constant 0 : i32
      %dma_start3A_307 = arith.constant 0 : i32
      %dma_start3A_308 = tpu.memref_slice %arg14[%dma_start3A_306, %dma_start3A_307] : memref<10240x128xf32, #tpu.memory_space<vmem_shared>> -> memref<10240x128xf32, #tpu.memory_space<vmem_shared>>
      tpu.enqueue_indirect_dma source(%arg13 : memref<64x128xf32, #tpu.memory_space<vmem>>) target(%dma_start3A_308 : memref<10240x128xf32, #tpu.memory_space<vmem_shared>>) offsets(%arg11 : memref<64xi32, #tpu.memory_space<vmem>>) semaphore(%arg16 : memref<!tpu.dma_semaphore, #tpu.memory_space<semaphore_mem>>) {add = true}
      %dma_wait3A_309 = arith.constant 0 : i32
      %dma_wait3A_310 = arith.constant 0 : i32
      %dma_wait3A_311 = tpu.memref_slice %arg2[%dma_wait3A_309, %dma_wait3A_310] : memref<81920x128xf32, #tpu.memory_space<hbm>> -> memref<81920x128xf32, #tpu.memory_space<hbm>>
      tpu.wait_indirect_dma semaphore(%arg15 : memref<!tpu.dma_semaphore, #tpu.memory_space<semaphore_mem>>) src(%dma_wait3A_311 : memref<81920x128xf32, #tpu.memory_space<hbm>>) dst(%arg12 : memref<64x128xf32, #tpu.memory_space<vmem>>)
      %dma_wait3A_312 = arith.constant 0 : i32
      %dma_wait3A_313 = arith.constant 0 : i32
      %dma_wait3A_314 = tpu.memref_slice %arg14[%dma_wait3A_312, %dma_wait3A_313] : memref<10240x128xf32, #tpu.memory_space<vmem_shared>> -> memref<10240x128xf32, #tpu.memory_space<vmem_shared>>
      tpu.wait_indirect_dma semaphore(%arg16 : memref<!tpu.dma_semaphore, #tpu.memory_space<semaphore_mem>>) src(%arg13 : memref<64x128xf32, #tpu.memory_space<vmem>>) dst(%dma_wait3A_314 : memref<10240x128xf32, #tpu.memory_space<vmem_shared>>)
      %mul3A_315 = arith.constant 8 : i32
      %mul3A_316 = arith.muli %add3A_248, %mul3A_315 : i32
      %add3A_317 = arith.constant 3 : i32
      %add3A_318 = arith.addi %mul3A_316, %add3A_317 : i32
      %mul3A_319 = arith.constant 64 : i32
      %mul3A_320 = arith.muli %add3A_318, %mul3A_319 : i32
      "tpu.region"() ({
        %run_scoped3A = tpu.sem_alloc : memref<!tpu.dma_semaphore, #tpu.memory_space<semaphore_mem>>
        %dma_start3A_441 = tpu.memref_slice %arg4[%mul3A_320] : memref<327680xi32, #tpu.memory_space<hbm>> -> memref<64xi32, #tpu.memory_space<hbm>>
        %dma_start3A_442 = tpu.memref_slice %arg4[%mul3A_320] : memref<327680xi32, #tpu.memory_space<hbm>> -> memref<64xi32, #tpu.memory_space<hbm>>
        tpu.enqueue_dma source(%dma_start3A_442 : memref<64xi32, #tpu.memory_space<hbm>>) target(%arg11 : memref<64xi32, #tpu.memory_space<vmem>>) target_semaphore(%run_scoped3A : memref<!tpu.dma_semaphore, #tpu.memory_space<semaphore_mem>>)
        %dma_wait3A_443 = tpu.memref_slice %arg4[%mul3A_320] : memref<327680xi32, #tpu.memory_space<hbm>> -> memref<64xi32, #tpu.memory_space<hbm>>
        %dma_wait3A_444 = tpu.memref_slice %arg4[%mul3A_320] : memref<327680xi32, #tpu.memory_space<hbm>> -> memref<64xi32, #tpu.memory_space<hbm>>
        tpu.wait_dma2 semaphore(%run_scoped3A : memref<!tpu.dma_semaphore, #tpu.memory_space<semaphore_mem>>) src(%dma_wait3A_444 : memref<64xi32, #tpu.memory_space<hbm>>) dst(%arg11 : memref<64xi32, #tpu.memory_space<vmem>>)
        tpu.yield
      }) : () -> ()
      %mul3A_321 = arith.constant 8 : i32
      %mul3A_322 = arith.muli %add3A_248, %mul3A_321 : i32
      %add3A_323 = arith.constant 3 : i32
      %add3A_324 = arith.addi %mul3A_322, %add3A_323 : i32
      %mul3A_325 = arith.constant 64 : i32
      %mul3A_326 = arith.muli %add3A_324, %mul3A_325 : i32
      "tpu.region"() ({
        %run_scoped3A = tpu.sem_alloc : memref<!tpu.dma_semaphore, #tpu.memory_space<semaphore_mem>>
        %dma_start3A_441 = tpu.memref_slice %arg3[%mul3A_326] : memref<327680xi32, #tpu.memory_space<hbm>> -> memref<64xi32, #tpu.memory_space<hbm>>
        %dma_start3A_442 = tpu.memref_slice %arg3[%mul3A_326] : memref<327680xi32, #tpu.memory_space<hbm>> -> memref<64xi32, #tpu.memory_space<hbm>>
        tpu.enqueue_dma source(%dma_start3A_442 : memref<64xi32, #tpu.memory_space<hbm>>) target(%arg9 : memref<64xi32, #tpu.memory_space<vmem>>) target_semaphore(%run_scoped3A : memref<!tpu.dma_semaphore, #tpu.memory_space<semaphore_mem>>)
        %dma_wait3A_443 = tpu.memref_slice %arg3[%mul3A_326] : memref<327680xi32, #tpu.memory_space<hbm>> -> memref<64xi32, #tpu.memory_space<hbm>>
        %dma_wait3A_444 = tpu.memref_slice %arg3[%mul3A_326] : memref<327680xi32, #tpu.memory_space<hbm>> -> memref<64xi32, #tpu.memory_space<hbm>>
        tpu.wait_dma2 semaphore(%run_scoped3A : memref<!tpu.dma_semaphore, #tpu.memory_space<semaphore_mem>>) src(%dma_wait3A_444 : memref<64xi32, #tpu.memory_space<hbm>>) dst(%arg9 : memref<64xi32, #tpu.memory_space<vmem>>)
        tpu.yield
      }) : () -> ()
      %dma_start3A_327 = arith.constant 0 : i32
      %dma_start3A_328 = arith.constant 0 : i32
      %dma_start3A_329 = tpu.memref_slice %arg2[%dma_start3A_327, %dma_start3A_328] : memref<81920x128xf32, #tpu.memory_space<hbm>> -> memref<81920x128xf32, #tpu.memory_space<hbm>>
      tpu.enqueue_indirect_dma source(%dma_start3A_329 : memref<81920x128xf32, #tpu.memory_space<hbm>>) target(%arg13 : memref<64x128xf32, #tpu.memory_space<vmem>>) offsets(%arg9 : memref<64xi32, #tpu.memory_space<vmem>>) semaphore(%arg15 : memref<!tpu.dma_semaphore, #tpu.memory_space<semaphore_mem>>)
      %dma_start3A_330 = arith.constant 0 : i32
      %dma_start3A_331 = arith.constant 0 : i32
      %dma_start3A_332 = tpu.memref_slice %arg14[%dma_start3A_330, %dma_start3A_331] : memref<10240x128xf32, #tpu.memory_space<vmem_shared>> -> memref<10240x128xf32, #tpu.memory_space<vmem_shared>>
      tpu.enqueue_indirect_dma source(%arg12 : memref<64x128xf32, #tpu.memory_space<vmem>>) target(%dma_start3A_332 : memref<10240x128xf32, #tpu.memory_space<vmem_shared>>) offsets(%arg10 : memref<64xi32, #tpu.memory_space<vmem>>) semaphore(%arg16 : memref<!tpu.dma_semaphore, #tpu.memory_space<semaphore_mem>>) {add = true}
      %dma_wait3A_333 = arith.constant 0 : i32
      %dma_wait3A_334 = arith.constant 0 : i32
      %dma_wait3A_335 = tpu.memref_slice %arg2[%dma_wait3A_333, %dma_wait3A_334] : memref<81920x128xf32, #tpu.memory_space<hbm>> -> memref<81920x128xf32, #tpu.memory_space<hbm>>
      tpu.wait_indirect_dma semaphore(%arg15 : memref<!tpu.dma_semaphore, #tpu.memory_space<semaphore_mem>>) src(%dma_wait3A_335 : memref<81920x128xf32, #tpu.memory_space<hbm>>) dst(%arg13 : memref<64x128xf32, #tpu.memory_space<vmem>>)
      %dma_wait3A_336 = arith.constant 0 : i32
      %dma_wait3A_337 = arith.constant 0 : i32
      %dma_wait3A_338 = tpu.memref_slice %arg14[%dma_wait3A_336, %dma_wait3A_337] : memref<10240x128xf32, #tpu.memory_space<vmem_shared>> -> memref<10240x128xf32, #tpu.memory_space<vmem_shared>>
      tpu.wait_indirect_dma semaphore(%arg16 : memref<!tpu.dma_semaphore, #tpu.memory_space<semaphore_mem>>) src(%arg12 : memref<64x128xf32, #tpu.memory_space<vmem>>) dst(%dma_wait3A_338 : memref<10240x128xf32, #tpu.memory_space<vmem_shared>>)
      %mul3A_339 = arith.constant 8 : i32
      %mul3A_340 = arith.muli %add3A_248, %mul3A_339 : i32
      %add3A_341 = arith.constant 4 : i32
      %add3A_342 = arith.addi %mul3A_340, %add3A_341 : i32
      %mul3A_343 = arith.constant 64 : i32
      %mul3A_344 = arith.muli %add3A_342, %mul3A_343 : i32
      "tpu.region"() ({
        %run_scoped3A = tpu.sem_alloc : memref<!tpu.dma_semaphore, #tpu.memory_space<semaphore_mem>>
        %dma_start3A_441 = tpu.memref_slice %arg4[%mul3A_344] : memref<327680xi32, #tpu.memory_space<hbm>> -> memref<64xi32, #tpu.memory_space<hbm>>
        %dma_start3A_442 = tpu.memref_slice %arg4[%mul3A_344] : memref<327680xi32, #tpu.memory_space<hbm>> -> memref<64xi32, #tpu.memory_space<hbm>>
        tpu.enqueue_dma source(%dma_start3A_442 : memref<64xi32, #tpu.memory_space<hbm>>) target(%arg10 : memref<64xi32, #tpu.memory_space<vmem>>) target_semaphore(%run_scoped3A : memref<!tpu.dma_semaphore, #tpu.memory_space<semaphore_mem>>)
        %dma_wait3A_443 = tpu.memref_slice %arg4[%mul3A_344] : memref<327680xi32, #tpu.memory_space<hbm>> -> memref<64xi32, #tpu.memory_space<hbm>>
        %dma_wait3A_444 = tpu.memref_slice %arg4[%mul3A_344] : memref<327680xi32, #tpu.memory_space<hbm>> -> memref<64xi32, #tpu.memory_space<hbm>>
        tpu.wait_dma2 semaphore(%run_scoped3A : memref<!tpu.dma_semaphore, #tpu.memory_space<semaphore_mem>>) src(%dma_wait3A_444 : memref<64xi32, #tpu.memory_space<hbm>>) dst(%arg10 : memref<64xi32, #tpu.memory_space<vmem>>)
        tpu.yield
      }) : () -> ()
      %mul3A_345 = arith.constant 8 : i32
      %mul3A_346 = arith.muli %add3A_248, %mul3A_345 : i32
      %add3A_347 = arith.constant 4 : i32
      %add3A_348 = arith.addi %mul3A_346, %add3A_347 : i32
      %mul3A_349 = arith.constant 64 : i32
      %mul3A_350 = arith.muli %add3A_348, %mul3A_349 : i32
      "tpu.region"() ({
        %run_scoped3A = tpu.sem_alloc : memref<!tpu.dma_semaphore, #tpu.memory_space<semaphore_mem>>
        %dma_start3A_441 = tpu.memref_slice %arg3[%mul3A_350] : memref<327680xi32, #tpu.memory_space<hbm>> -> memref<64xi32, #tpu.memory_space<hbm>>
        %dma_start3A_442 = tpu.memref_slice %arg3[%mul3A_350] : memref<327680xi32, #tpu.memory_space<hbm>> -> memref<64xi32, #tpu.memory_space<hbm>>
        tpu.enqueue_dma source(%dma_start3A_442 : memref<64xi32, #tpu.memory_space<hbm>>) target(%arg8 : memref<64xi32, #tpu.memory_space<vmem>>) target_semaphore(%run_scoped3A : memref<!tpu.dma_semaphore, #tpu.memory_space<semaphore_mem>>)
        %dma_wait3A_443 = tpu.memref_slice %arg3[%mul3A_350] : memref<327680xi32, #tpu.memory_space<hbm>> -> memref<64xi32, #tpu.memory_space<hbm>>
        %dma_wait3A_444 = tpu.memref_slice %arg3[%mul3A_350] : memref<327680xi32, #tpu.memory_space<hbm>> -> memref<64xi32, #tpu.memory_space<hbm>>
        tpu.wait_dma2 semaphore(%run_scoped3A : memref<!tpu.dma_semaphore, #tpu.memory_space<semaphore_mem>>) src(%dma_wait3A_444 : memref<64xi32, #tpu.memory_space<hbm>>) dst(%arg8 : memref<64xi32, #tpu.memory_space<vmem>>)
        tpu.yield
      }) : () -> ()
      %dma_start3A_351 = arith.constant 0 : i32
      %dma_start3A_352 = arith.constant 0 : i32
      %dma_start3A_353 = tpu.memref_slice %arg2[%dma_start3A_351, %dma_start3A_352] : memref<81920x128xf32, #tpu.memory_space<hbm>> -> memref<81920x128xf32, #tpu.memory_space<hbm>>
      tpu.enqueue_indirect_dma source(%dma_start3A_353 : memref<81920x128xf32, #tpu.memory_space<hbm>>) target(%arg12 : memref<64x128xf32, #tpu.memory_space<vmem>>) offsets(%arg8 : memref<64xi32, #tpu.memory_space<vmem>>) semaphore(%arg15 : memref<!tpu.dma_semaphore, #tpu.memory_space<semaphore_mem>>)
      %dma_start3A_354 = arith.constant 0 : i32
      %dma_start3A_355 = arith.constant 0 : i32
      %dma_start3A_356 = tpu.memref_slice %arg14[%dma_start3A_354, %dma_start3A_355] : memref<10240x128xf32, #tpu.memory_space<vmem_shared>> -> memref<10240x128xf32, #tpu.memory_space<vmem_shared>>
      tpu.enqueue_indirect_dma source(%arg13 : memref<64x128xf32, #tpu.memory_space<vmem>>) target(%dma_start3A_356 : memref<10240x128xf32, #tpu.memory_space<vmem_shared>>) offsets(%arg11 : memref<64xi32, #tpu.memory_space<vmem>>) semaphore(%arg16 : memref<!tpu.dma_semaphore, #tpu.memory_space<semaphore_mem>>) {add = true}
      %dma_wait3A_357 = arith.constant 0 : i32
      %dma_wait3A_358 = arith.constant 0 : i32
      %dma_wait3A_359 = tpu.memref_slice %arg2[%dma_wait3A_357, %dma_wait3A_358] : memref<81920x128xf32, #tpu.memory_space<hbm>> -> memref<81920x128xf32, #tpu.memory_space<hbm>>
      tpu.wait_indirect_dma semaphore(%arg15 : memref<!tpu.dma_semaphore, #tpu.memory_space<semaphore_mem>>) src(%dma_wait3A_359 : memref<81920x128xf32, #tpu.memory_space<hbm>>) dst(%arg12 : memref<64x128xf32, #tpu.memory_space<vmem>>)
      %dma_wait3A_360 = arith.constant 0 : i32
      %dma_wait3A_361 = arith.constant 0 : i32
      %dma_wait3A_362 = tpu.memref_slice %arg14[%dma_wait3A_360, %dma_wait3A_361] : memref<10240x128xf32, #tpu.memory_space<vmem_shared>> -> memref<10240x128xf32, #tpu.memory_space<vmem_shared>>
      tpu.wait_indirect_dma semaphore(%arg16 : memref<!tpu.dma_semaphore, #tpu.memory_space<semaphore_mem>>) src(%arg13 : memref<64x128xf32, #tpu.memory_space<vmem>>) dst(%dma_wait3A_362 : memref<10240x128xf32, #tpu.memory_space<vmem_shared>>)
      %mul3A_363 = arith.constant 8 : i32
      %mul3A_364 = arith.muli %add3A_248, %mul3A_363 : i32
      %add3A_365 = arith.constant 5 : i32
      %add3A_366 = arith.addi %mul3A_364, %add3A_365 : i32
      %mul3A_367 = arith.constant 64 : i32
      %mul3A_368 = arith.muli %add3A_366, %mul3A_367 : i32
      "tpu.region"() ({
        %run_scoped3A = tpu.sem_alloc : memref<!tpu.dma_semaphore, #tpu.memory_space<semaphore_mem>>
        %dma_start3A_441 = tpu.memref_slice %arg4[%mul3A_368] : memref<327680xi32, #tpu.memory_space<hbm>> -> memref<64xi32, #tpu.memory_space<hbm>>
        %dma_start3A_442 = tpu.memref_slice %arg4[%mul3A_368] : memref<327680xi32, #tpu.memory_space<hbm>> -> memref<64xi32, #tpu.memory_space<hbm>>
        tpu.enqueue_dma source(%dma_start3A_442 : memref<64xi32, #tpu.memory_space<hbm>>) target(%arg11 : memref<64xi32, #tpu.memory_space<vmem>>) target_semaphore(%run_scoped3A : memref<!tpu.dma_semaphore, #tpu.memory_space<semaphore_mem>>)
        %dma_wait3A_443 = tpu.memref_slice %arg4[%mul3A_368] : memref<327680xi32, #tpu.memory_space<hbm>> -> memref<64xi32, #tpu.memory_space<hbm>>
        %dma_wait3A_444 = tpu.memref_slice %arg4[%mul3A_368] : memref<327680xi32, #tpu.memory_space<hbm>> -> memref<64xi32, #tpu.memory_space<hbm>>
        tpu.wait_dma2 semaphore(%run_scoped3A : memref<!tpu.dma_semaphore, #tpu.memory_space<semaphore_mem>>) src(%dma_wait3A_444 : memref<64xi32, #tpu.memory_space<hbm>>) dst(%arg11 : memref<64xi32, #tpu.memory_space<vmem>>)
        tpu.yield
      }) : () -> ()
      %mul3A_369 = arith.constant 8 : i32
      %mul3A_370 = arith.muli %add3A_248, %mul3A_369 : i32
      %add3A_371 = arith.constant 5 : i32
      %add3A_372 = arith.addi %mul3A_370, %add3A_371 : i32
      %mul3A_373 = arith.constant 64 : i32
      %mul3A_374 = arith.muli %add3A_372, %mul3A_373 : i32
      "tpu.region"() ({
        %run_scoped3A = tpu.sem_alloc : memref<!tpu.dma_semaphore, #tpu.memory_space<semaphore_mem>>
        %dma_start3A_441 = tpu.memref_slice %arg3[%mul3A_374] : memref<327680xi32, #tpu.memory_space<hbm>> -> memref<64xi32, #tpu.memory_space<hbm>>
        %dma_start3A_442 = tpu.memref_slice %arg3[%mul3A_374] : memref<327680xi32, #tpu.memory_space<hbm>> -> memref<64xi32, #tpu.memory_space<hbm>>
        tpu.enqueue_dma source(%dma_start3A_442 : memref<64xi32, #tpu.memory_space<hbm>>) target(%arg9 : memref<64xi32, #tpu.memory_space<vmem>>) target_semaphore(%run_scoped3A : memref<!tpu.dma_semaphore, #tpu.memory_space<semaphore_mem>>)
        %dma_wait3A_443 = tpu.memref_slice %arg3[%mul3A_374] : memref<327680xi32, #tpu.memory_space<hbm>> -> memref<64xi32, #tpu.memory_space<hbm>>
        %dma_wait3A_444 = tpu.memref_slice %arg3[%mul3A_374] : memref<327680xi32, #tpu.memory_space<hbm>> -> memref<64xi32, #tpu.memory_space<hbm>>
        tpu.wait_dma2 semaphore(%run_scoped3A : memref<!tpu.dma_semaphore, #tpu.memory_space<semaphore_mem>>) src(%dma_wait3A_444 : memref<64xi32, #tpu.memory_space<hbm>>) dst(%arg9 : memref<64xi32, #tpu.memory_space<vmem>>)
        tpu.yield
      }) : () -> ()
      %dma_start3A_375 = arith.constant 0 : i32
      %dma_start3A_376 = arith.constant 0 : i32
      %dma_start3A_377 = tpu.memref_slice %arg2[%dma_start3A_375, %dma_start3A_376] : memref<81920x128xf32, #tpu.memory_space<hbm>> -> memref<81920x128xf32, #tpu.memory_space<hbm>>
      tpu.enqueue_indirect_dma source(%dma_start3A_377 : memref<81920x128xf32, #tpu.memory_space<hbm>>) target(%arg13 : memref<64x128xf32, #tpu.memory_space<vmem>>) offsets(%arg9 : memref<64xi32, #tpu.memory_space<vmem>>) semaphore(%arg15 : memref<!tpu.dma_semaphore, #tpu.memory_space<semaphore_mem>>)
      %dma_start3A_378 = arith.constant 0 : i32
      %dma_start3A_379 = arith.constant 0 : i32
      %dma_start3A_380 = tpu.memref_slice %arg14[%dma_start3A_378, %dma_start3A_379] : memref<10240x128xf32, #tpu.memory_space<vmem_shared>> -> memref<10240x128xf32, #tpu.memory_space<vmem_shared>>
      tpu.enqueue_indirect_dma source(%arg12 : memref<64x128xf32, #tpu.memory_space<vmem>>) target(%dma_start3A_380 : memref<10240x128xf32, #tpu.memory_space<vmem_shared>>) offsets(%arg10 : memref<64xi32, #tpu.memory_space<vmem>>) semaphore(%arg16 : memref<!tpu.dma_semaphore, #tpu.memory_space<semaphore_mem>>) {add = true}
      %dma_wait3A_381 = arith.constant 0 : i32
      %dma_wait3A_382 = arith.constant 0 : i32
      %dma_wait3A_383 = tpu.memref_slice %arg2[%dma_wait3A_381, %dma_wait3A_382] : memref<81920x128xf32, #tpu.memory_space<hbm>> -> memref<81920x128xf32, #tpu.memory_space<hbm>>
      tpu.wait_indirect_dma semaphore(%arg15 : memref<!tpu.dma_semaphore, #tpu.memory_space<semaphore_mem>>) src(%dma_wait3A_383 : memref<81920x128xf32, #tpu.memory_space<hbm>>) dst(%arg13 : memref<64x128xf32, #tpu.memory_space<vmem>>)
      %dma_wait3A_384 = arith.constant 0 : i32
      %dma_wait3A_385 = arith.constant 0 : i32
      %dma_wait3A_386 = tpu.memref_slice %arg14[%dma_wait3A_384, %dma_wait3A_385] : memref<10240x128xf32, #tpu.memory_space<vmem_shared>> -> memref<10240x128xf32, #tpu.memory_space<vmem_shared>>
      tpu.wait_indirect_dma semaphore(%arg16 : memref<!tpu.dma_semaphore, #tpu.memory_space<semaphore_mem>>) src(%arg12 : memref<64x128xf32, #tpu.memory_space<vmem>>) dst(%dma_wait3A_386 : memref<10240x128xf32, #tpu.memory_space<vmem_shared>>)
      %mul3A_387 = arith.constant 8 : i32
      %mul3A_388 = arith.muli %add3A_248, %mul3A_387 : i32
      %add3A_389 = arith.constant 6 : i32
      %add3A_390 = arith.addi %mul3A_388, %add3A_389 : i32
      %mul3A_391 = arith.constant 64 : i32
      %mul3A_392 = arith.muli %add3A_390, %mul3A_391 : i32
      "tpu.region"() ({
        %run_scoped3A = tpu.sem_alloc : memref<!tpu.dma_semaphore, #tpu.memory_space<semaphore_mem>>
        %dma_start3A_441 = tpu.memref_slice %arg4[%mul3A_392] : memref<327680xi32, #tpu.memory_space<hbm>> -> memref<64xi32, #tpu.memory_space<hbm>>
        %dma_start3A_442 = tpu.memref_slice %arg4[%mul3A_392] : memref<327680xi32, #tpu.memory_space<hbm>> -> memref<64xi32, #tpu.memory_space<hbm>>
        tpu.enqueue_dma source(%dma_start3A_442 : memref<64xi32, #tpu.memory_space<hbm>>) target(%arg10 : memref<64xi32, #tpu.memory_space<vmem>>) target_semaphore(%run_scoped3A : memref<!tpu.dma_semaphore, #tpu.memory_space<semaphore_mem>>)
        %dma_wait3A_443 = tpu.memref_slice %arg4[%mul3A_392] : memref<327680xi32, #tpu.memory_space<hbm>> -> memref<64xi32, #tpu.memory_space<hbm>>
        %dma_wait3A_444 = tpu.memref_slice %arg4[%mul3A_392] : memref<327680xi32, #tpu.memory_space<hbm>> -> memref<64xi32, #tpu.memory_space<hbm>>
        tpu.wait_dma2 semaphore(%run_scoped3A : memref<!tpu.dma_semaphore, #tpu.memory_space<semaphore_mem>>) src(%dma_wait3A_444 : memref<64xi32, #tpu.memory_space<hbm>>) dst(%arg10 : memref<64xi32, #tpu.memory_space<vmem>>)
        tpu.yield
      }) : () -> ()
      %mul3A_393 = arith.constant 8 : i32
      %mul3A_394 = arith.muli %add3A_248, %mul3A_393 : i32
      %add3A_395 = arith.constant 6 : i32
      %add3A_396 = arith.addi %mul3A_394, %add3A_395 : i32
      %mul3A_397 = arith.constant 64 : i32
      %mul3A_398 = arith.muli %add3A_396, %mul3A_397 : i32
      "tpu.region"() ({
        %run_scoped3A = tpu.sem_alloc : memref<!tpu.dma_semaphore, #tpu.memory_space<semaphore_mem>>
        %dma_start3A_441 = tpu.memref_slice %arg3[%mul3A_398] : memref<327680xi32, #tpu.memory_space<hbm>> -> memref<64xi32, #tpu.memory_space<hbm>>
        %dma_start3A_442 = tpu.memref_slice %arg3[%mul3A_398] : memref<327680xi32, #tpu.memory_space<hbm>> -> memref<64xi32, #tpu.memory_space<hbm>>
        tpu.enqueue_dma source(%dma_start3A_442 : memref<64xi32, #tpu.memory_space<hbm>>) target(%arg8 : memref<64xi32, #tpu.memory_space<vmem>>) target_semaphore(%run_scoped3A : memref<!tpu.dma_semaphore, #tpu.memory_space<semaphore_mem>>)
        %dma_wait3A_443 = tpu.memref_slice %arg3[%mul3A_398] : memref<327680xi32, #tpu.memory_space<hbm>> -> memref<64xi32, #tpu.memory_space<hbm>>
        %dma_wait3A_444 = tpu.memref_slice %arg3[%mul3A_398] : memref<327680xi32, #tpu.memory_space<hbm>> -> memref<64xi32, #tpu.memory_space<hbm>>
        tpu.wait_dma2 semaphore(%run_scoped3A : memref<!tpu.dma_semaphore, #tpu.memory_space<semaphore_mem>>) src(%dma_wait3A_444 : memref<64xi32, #tpu.memory_space<hbm>>) dst(%arg8 : memref<64xi32, #tpu.memory_space<vmem>>)
        tpu.yield
      }) : () -> ()
      %dma_start3A_399 = arith.constant 0 : i32
      %dma_start3A_400 = arith.constant 0 : i32
      %dma_start3A_401 = tpu.memref_slice %arg2[%dma_start3A_399, %dma_start3A_400] : memref<81920x128xf32, #tpu.memory_space<hbm>> -> memref<81920x128xf32, #tpu.memory_space<hbm>>
      tpu.enqueue_indirect_dma source(%dma_start3A_401 : memref<81920x128xf32, #tpu.memory_space<hbm>>) target(%arg12 : memref<64x128xf32, #tpu.memory_space<vmem>>) offsets(%arg8 : memref<64xi32, #tpu.memory_space<vmem>>) semaphore(%arg15 : memref<!tpu.dma_semaphore, #tpu.memory_space<semaphore_mem>>)
      %dma_start3A_402 = arith.constant 0 : i32
      %dma_start3A_403 = arith.constant 0 : i32
      %dma_start3A_404 = tpu.memref_slice %arg14[%dma_start3A_402, %dma_start3A_403] : memref<10240x128xf32, #tpu.memory_space<vmem_shared>> -> memref<10240x128xf32, #tpu.memory_space<vmem_shared>>
      tpu.enqueue_indirect_dma source(%arg13 : memref<64x128xf32, #tpu.memory_space<vmem>>) target(%dma_start3A_404 : memref<10240x128xf32, #tpu.memory_space<vmem_shared>>) offsets(%arg11 : memref<64xi32, #tpu.memory_space<vmem>>) semaphore(%arg16 : memref<!tpu.dma_semaphore, #tpu.memory_space<semaphore_mem>>) {add = true}
      %dma_wait3A_405 = arith.constant 0 : i32
      %dma_wait3A_406 = arith.constant 0 : i32
      %dma_wait3A_407 = tpu.memref_slice %arg2[%dma_wait3A_405, %dma_wait3A_406] : memref<81920x128xf32, #tpu.memory_space<hbm>> -> memref<81920x128xf32, #tpu.memory_space<hbm>>
      tpu.wait_indirect_dma semaphore(%arg15 : memref<!tpu.dma_semaphore, #tpu.memory_space<semaphore_mem>>) src(%dma_wait3A_407 : memref<81920x128xf32, #tpu.memory_space<hbm>>) dst(%arg12 : memref<64x128xf32, #tpu.memory_space<vmem>>)
      %dma_wait3A_408 = arith.constant 0 : i32
      %dma_wait3A_409 = arith.constant 0 : i32
      %dma_wait3A_410 = tpu.memref_slice %arg14[%dma_wait3A_408, %dma_wait3A_409] : memref<10240x128xf32, #tpu.memory_space<vmem_shared>> -> memref<10240x128xf32, #tpu.memory_space<vmem_shared>>
      tpu.wait_indirect_dma semaphore(%arg16 : memref<!tpu.dma_semaphore, #tpu.memory_space<semaphore_mem>>) src(%arg13 : memref<64x128xf32, #tpu.memory_space<vmem>>) dst(%dma_wait3A_410 : memref<10240x128xf32, #tpu.memory_space<vmem_shared>>)
      %mul3A_411 = arith.constant 8 : i32
      %mul3A_412 = arith.muli %add3A_248, %mul3A_411 : i32
      %add3A_413 = arith.constant 7 : i32
      %add3A_414 = arith.addi %mul3A_412, %add3A_413 : i32
      %mul3A_415 = arith.constant 64 : i32
      %mul3A_416 = arith.muli %add3A_414, %mul3A_415 : i32
      "tpu.region"() ({
        %run_scoped3A = tpu.sem_alloc : memref<!tpu.dma_semaphore, #tpu.memory_space<semaphore_mem>>
        %dma_start3A_441 = tpu.memref_slice %arg4[%mul3A_416] : memref<327680xi32, #tpu.memory_space<hbm>> -> memref<64xi32, #tpu.memory_space<hbm>>
        %dma_start3A_442 = tpu.memref_slice %arg4[%mul3A_416] : memref<327680xi32, #tpu.memory_space<hbm>> -> memref<64xi32, #tpu.memory_space<hbm>>
        tpu.enqueue_dma source(%dma_start3A_442 : memref<64xi32, #tpu.memory_space<hbm>>) target(%arg11 : memref<64xi32, #tpu.memory_space<vmem>>) target_semaphore(%run_scoped3A : memref<!tpu.dma_semaphore, #tpu.memory_space<semaphore_mem>>)
        %dma_wait3A_443 = tpu.memref_slice %arg4[%mul3A_416] : memref<327680xi32, #tpu.memory_space<hbm>> -> memref<64xi32, #tpu.memory_space<hbm>>
        %dma_wait3A_444 = tpu.memref_slice %arg4[%mul3A_416] : memref<327680xi32, #tpu.memory_space<hbm>> -> memref<64xi32, #tpu.memory_space<hbm>>
        tpu.wait_dma2 semaphore(%run_scoped3A : memref<!tpu.dma_semaphore, #tpu.memory_space<semaphore_mem>>) src(%dma_wait3A_444 : memref<64xi32, #tpu.memory_space<hbm>>) dst(%arg11 : memref<64xi32, #tpu.memory_space<vmem>>)
        tpu.yield
      }) : () -> ()
      %mul3A_417 = arith.constant 8 : i32
      %mul3A_418 = arith.muli %add3A_248, %mul3A_417 : i32
      %add3A_419 = arith.constant 7 : i32
      %add3A_420 = arith.addi %mul3A_418, %add3A_419 : i32
      %mul3A_421 = arith.constant 64 : i32
      %mul3A_422 = arith.muli %add3A_420, %mul3A_421 : i32
      "tpu.region"() ({
        %run_scoped3A = tpu.sem_alloc : memref<!tpu.dma_semaphore, #tpu.memory_space<semaphore_mem>>
        %dma_start3A_441 = tpu.memref_slice %arg3[%mul3A_422] : memref<327680xi32, #tpu.memory_space<hbm>> -> memref<64xi32, #tpu.memory_space<hbm>>
        %dma_start3A_442 = tpu.memref_slice %arg3[%mul3A_422] : memref<327680xi32, #tpu.memory_space<hbm>> -> memref<64xi32, #tpu.memory_space<hbm>>
        tpu.enqueue_dma source(%dma_start3A_442 : memref<64xi32, #tpu.memory_space<hbm>>) target(%arg9 : memref<64xi32, #tpu.memory_space<vmem>>) target_semaphore(%run_scoped3A : memref<!tpu.dma_semaphore, #tpu.memory_space<semaphore_mem>>)
        %dma_wait3A_443 = tpu.memref_slice %arg3[%mul3A_422] : memref<327680xi32, #tpu.memory_space<hbm>> -> memref<64xi32, #tpu.memory_space<hbm>>
        %dma_wait3A_444 = tpu.memref_slice %arg3[%mul3A_422] : memref<327680xi32, #tpu.memory_space<hbm>> -> memref<64xi32, #tpu.memory_space<hbm>>
        tpu.wait_dma2 semaphore(%run_scoped3A : memref<!tpu.dma_semaphore, #tpu.memory_space<semaphore_mem>>) src(%dma_wait3A_444 : memref<64xi32, #tpu.memory_space<hbm>>) dst(%arg9 : memref<64xi32, #tpu.memory_space<vmem>>)
        tpu.yield
      }) : () -> ()
      %dma_start3A_423 = arith.constant 0 : i32
      %dma_start3A_424 = arith.constant 0 : i32
      %dma_start3A_425 = tpu.memref_slice %arg2[%dma_start3A_423, %dma_start3A_424] : memref<81920x128xf32, #tpu.memory_space<hbm>> -> memref<81920x128xf32, #tpu.memory_space<hbm>>
      tpu.enqueue_indirect_dma source(%dma_start3A_425 : memref<81920x128xf32, #tpu.memory_space<hbm>>) target(%arg13 : memref<64x128xf32, #tpu.memory_space<vmem>>) offsets(%arg9 : memref<64xi32, #tpu.memory_space<vmem>>) semaphore(%arg15 : memref<!tpu.dma_semaphore, #tpu.memory_space<semaphore_mem>>)
      %dma_start3A_426 = arith.constant 0 : i32
      %dma_start3A_427 = arith.constant 0 : i32
      %dma_start3A_428 = tpu.memref_slice %arg14[%dma_start3A_426, %dma_start3A_427] : memref<10240x128xf32, #tpu.memory_space<vmem_shared>> -> memref<10240x128xf32, #tpu.memory_space<vmem_shared>>
      tpu.enqueue_indirect_dma source(%arg12 : memref<64x128xf32, #tpu.memory_space<vmem>>) target(%dma_start3A_428 : memref<10240x128xf32, #tpu.memory_space<vmem_shared>>) offsets(%arg10 : memref<64xi32, #tpu.memory_space<vmem>>) semaphore(%arg16 : memref<!tpu.dma_semaphore, #tpu.memory_space<semaphore_mem>>) {add = true}
      %dma_wait3A_429 = arith.constant 0 : i32
      %dma_wait3A_430 = arith.constant 0 : i32
      %dma_wait3A_431 = tpu.memref_slice %arg2[%dma_wait3A_429, %dma_wait3A_430] : memref<81920x128xf32, #tpu.memory_space<hbm>> -> memref<81920x128xf32, #tpu.memory_space<hbm>>
      tpu.wait_indirect_dma semaphore(%arg15 : memref<!tpu.dma_semaphore, #tpu.memory_space<semaphore_mem>>) src(%dma_wait3A_431 : memref<81920x128xf32, #tpu.memory_space<hbm>>) dst(%arg13 : memref<64x128xf32, #tpu.memory_space<vmem>>)
      %dma_wait3A_432 = arith.constant 0 : i32
      %dma_wait3A_433 = arith.constant 0 : i32
      %dma_wait3A_434 = tpu.memref_slice %arg14[%dma_wait3A_432, %dma_wait3A_433] : memref<10240x128xf32, #tpu.memory_space<vmem_shared>> -> memref<10240x128xf32, #tpu.memory_space<vmem_shared>>
      tpu.wait_indirect_dma semaphore(%arg16 : memref<!tpu.dma_semaphore, #tpu.memory_space<semaphore_mem>>) src(%arg12 : memref<64x128xf32, #tpu.memory_space<vmem>>) dst(%dma_wait3A_434 : memref<10240x128xf32, #tpu.memory_space<vmem_shared>>)
      %dma_start3A_435 = arith.constant 0 : i32
      %dma_start3A_436 = arith.constant 0 : i32
      %dma_start3A_437 = tpu.memref_slice %arg14[%dma_start3A_435, %dma_start3A_436] : memref<10240x128xf32, #tpu.memory_space<vmem_shared>> -> memref<10240x128xf32, #tpu.memory_space<vmem_shared>>
      tpu.enqueue_indirect_dma source(%arg13 : memref<64x128xf32, #tpu.memory_space<vmem>>) target(%dma_start3A_437 : memref<10240x128xf32, #tpu.memory_space<vmem_shared>>) offsets(%arg11 : memref<64xi32, #tpu.memory_space<vmem>>) semaphore(%arg16 : memref<!tpu.dma_semaphore, #tpu.memory_space<semaphore_mem>>) {add = true}
      %dma_wait3A_438 = arith.constant 0 : i32
      %dma_wait3A_439 = arith.constant 0 : i32
      %dma_wait3A_440 = tpu.memref_slice %arg14[%dma_wait3A_438, %dma_wait3A_439] : memref<10240x128xf32, #tpu.memory_space<vmem_shared>> -> memref<10240x128xf32, #tpu.memory_space<vmem_shared>>
      tpu.wait_indirect_dma semaphore(%arg16 : memref<!tpu.dma_semaphore, #tpu.memory_space<semaphore_mem>>) src(%arg13 : memref<64x128xf32, #tpu.memory_space<vmem>>) dst(%dma_wait3A_440 : memref<10240x128xf32, #tpu.memory_space<vmem_shared>>)
    }
    %scan3A_103 = arith.constant 20 : i32
    %barrier3A_104 = arith.constant 0 : index
    tpu.barrier barrier_id(%barrier3A_104)
    %mul3A_105 = arith.constant 640 : i32
    %mul3A_106 = arith.muli %arg1, %mul3A_105 : i32
    %add3A_107 = arith.constant 0 : i32
    %add3A_108 = arith.addi %mul3A_106, %add3A_107 : i32
    "tpu.region"() ({
      %run_scoped3A = tpu.sem_alloc : memref<!tpu.dma_semaphore, #tpu.memory_space<semaphore_mem>>
      %dma_start3A_245 = tpu.memref_slice %arg5[%add3A_108] : memref<10240xi32, #tpu.memory_space<hbm>> -> memref<64xi32, #tpu.memory_space<hbm>>
      %dma_start3A_246 = tpu.memref_slice %arg5[%add3A_108] : memref<10240xi32, #tpu.memory_space<hbm>> -> memref<64xi32, #tpu.memory_space<hbm>>
      tpu.enqueue_dma source(%dma_start3A_246 : memref<64xi32, #tpu.memory_space<hbm>>) target(%arg10 : memref<64xi32, #tpu.memory_space<vmem>>) target_semaphore(%run_scoped3A : memref<!tpu.dma_semaphore, #tpu.memory_space<semaphore_mem>>)
      %dma_wait3A_247 = tpu.memref_slice %arg5[%add3A_108] : memref<10240xi32, #tpu.memory_space<hbm>> -> memref<64xi32, #tpu.memory_space<hbm>>
      %dma_wait3A_248 = tpu.memref_slice %arg5[%add3A_108] : memref<10240xi32, #tpu.memory_space<hbm>> -> memref<64xi32, #tpu.memory_space<hbm>>
      tpu.wait_dma2 semaphore(%run_scoped3A : memref<!tpu.dma_semaphore, #tpu.memory_space<semaphore_mem>>) src(%dma_wait3A_248 : memref<64xi32, #tpu.memory_space<hbm>>) dst(%arg10 : memref<64xi32, #tpu.memory_space<vmem>>)
      tpu.yield
    }) : () -> ()
    %dma_start3A_109 = arith.constant 0 : i32
    %dma_start3A_110 = arith.constant 0 : i32
    %dma_start3A_111 = tpu.memref_slice %arg14[%dma_start3A_109, %dma_start3A_110] : memref<10240x128xf32, #tpu.memory_space<vmem_shared>> -> memref<10240x128xf32, #tpu.memory_space<vmem_shared>>
    tpu.enqueue_indirect_dma source(%dma_start3A_111 : memref<10240x128xf32, #tpu.memory_space<vmem_shared>>) target(%arg12 : memref<64x128xf32, #tpu.memory_space<vmem>>) offsets(%arg10 : memref<64xi32, #tpu.memory_space<vmem>>) semaphore(%arg15 : memref<!tpu.dma_semaphore, #tpu.memory_space<semaphore_mem>>)
    %dma_wait3A_112 = arith.constant 0 : i32
    %dma_wait3A_113 = arith.constant 0 : i32
    %dma_wait3A_114 = tpu.memref_slice %arg14[%dma_wait3A_112, %dma_wait3A_113] : memref<10240x128xf32, #tpu.memory_space<vmem_shared>> -> memref<10240x128xf32, #tpu.memory_space<vmem_shared>>
    tpu.wait_indirect_dma semaphore(%arg15 : memref<!tpu.dma_semaphore, #tpu.memory_space<semaphore_mem>>) src(%dma_wait3A_114 : memref<10240x128xf32, #tpu.memory_space<vmem_shared>>) dst(%arg12 : memref<64x128xf32, #tpu.memory_space<vmem>>)
    %mul3A_115 = arith.constant 640 : i32
    %mul3A_116 = arith.muli %arg1, %mul3A_115 : i32
    %add3A_117 = arith.constant 0 : i32
    %add3A_118 = arith.addi %mul3A_116, %add3A_117 : i32
    "tpu.region"() ({
      %run_scoped3A = tpu.sem_alloc : memref<!tpu.dma_semaphore, #tpu.memory_space<semaphore_mem>>
      %dma_start3A_245 = arith.constant 0 : i32
      %dma_start3A_246 = tpu.memref_slice %arg7[%arg0, %add3A_118, %dma_start3A_245] : memref<2x10240x128xf32, #tpu.memory_space<hbm>> -> memref<1x64x128xf32, #tpu.memory_space<hbm>>
      %dma_start3A_247 = tpu.memref_squeeze %dma_start3A_246 : memref<1x64x128xf32, #tpu.memory_space<hbm>> -> memref<64x128xf32, #tpu.memory_space<hbm>>
      %dma_start3A_248 = arith.constant 0 : i32
      %dma_start3A_249 = tpu.memref_slice %arg7[%arg0, %add3A_118, %dma_start3A_248] : memref<2x10240x128xf32, #tpu.memory_space<hbm>> -> memref<1x64x128xf32, #tpu.memory_space<hbm>>
      %dma_start3A_250 = tpu.memref_squeeze %dma_start3A_249 : memref<1x64x128xf32, #tpu.memory_space<hbm>> -> memref<64x128xf32, #tpu.memory_space<hbm>>
      tpu.enqueue_dma source(%arg12 : memref<64x128xf32, #tpu.memory_space<vmem>>) target(%dma_start3A_250 : memref<64x128xf32, #tpu.memory_space<hbm>>) target_semaphore(%run_scoped3A : memref<!tpu.dma_semaphore, #tpu.memory_space<semaphore_mem>>)
      %dma_wait3A_251 = arith.constant 0 : i32
      %dma_wait3A_252 = tpu.memref_slice %arg7[%arg0, %add3A_118, %dma_wait3A_251] : memref<2x10240x128xf32, #tpu.memory_space<hbm>> -> memref<1x64x128xf32, #tpu.memory_space<hbm>>
      %dma_wait3A_253 = tpu.memref_squeeze %dma_wait3A_252 : memref<1x64x128xf32, #tpu.memory_space<hbm>> -> memref<64x128xf32, #tpu.memory_space<hbm>>
      %dma_wait3A_254 = arith.constant 0 : i32
      %dma_wait3A_255 = tpu.memref_slice %arg7[%arg0, %add3A_118, %dma_wait3A_254] : memref<2x10240x128xf32, #tpu.memory_space<hbm>> -> memref<1x64x128xf32, #tpu.memory_space<hbm>>
      %dma_wait3A_256 = tpu.memref_squeeze %dma_wait3A_255 : memref<1x64x128xf32, #tpu.memory_space<hbm>> -> memref<64x128xf32, #tpu.memory_space<hbm>>
      tpu.wait_dma2 semaphore(%run_scoped3A : memref<!tpu.dma_semaphore, #tpu.memory_space<semaphore_mem>>) src(%arg12 : memref<64x128xf32, #tpu.memory_space<vmem>>) dst(%dma_wait3A_256 : memref<64x128xf32, #tpu.memory_space<hbm>>)
      tpu.yield
    }) : () -> ()
    %mul3A_119 = arith.constant 640 : i32
    %mul3A_120 = arith.muli %arg1, %mul3A_119 : i32
    %add3A_121 = arith.constant 64 : i32
    %add3A_122 = arith.addi %mul3A_120, %add3A_121 : i32
    "tpu.region"() ({
      %run_scoped3A = tpu.sem_alloc : memref<!tpu.dma_semaphore, #tpu.memory_space<semaphore_mem>>
      %dma_start3A_245 = tpu.memref_slice %arg5[%add3A_122] : memref<10240xi32, #tpu.memory_space<hbm>> -> memref<64xi32, #tpu.memory_space<hbm>>
      %dma_start3A_246 = tpu.memref_slice %arg5[%add3A_122] : memref<10240xi32, #tpu.memory_space<hbm>> -> memref<64xi32, #tpu.memory_space<hbm>>
      tpu.enqueue_dma source(%dma_start3A_246 : memref<64xi32, #tpu.memory_space<hbm>>) target(%arg10 : memref<64xi32, #tpu.memory_space<vmem>>) target_semaphore(%run_scoped3A : memref<!tpu.dma_semaphore, #tpu.memory_space<semaphore_mem>>)
      %dma_wait3A_247 = tpu.memref_slice %arg5[%add3A_122] : memref<10240xi32, #tpu.memory_space<hbm>> -> memref<64xi32, #tpu.memory_space<hbm>>
      %dma_wait3A_248 = tpu.memref_slice %arg5[%add3A_122] : memref<10240xi32, #tpu.memory_space<hbm>> -> memref<64xi32, #tpu.memory_space<hbm>>
      tpu.wait_dma2 semaphore(%run_scoped3A : memref<!tpu.dma_semaphore, #tpu.memory_space<semaphore_mem>>) src(%dma_wait3A_248 : memref<64xi32, #tpu.memory_space<hbm>>) dst(%arg10 : memref<64xi32, #tpu.memory_space<vmem>>)
      tpu.yield
    }) : () -> ()
    %dma_start3A_123 = arith.constant 0 : i32
    %dma_start3A_124 = arith.constant 0 : i32
    %dma_start3A_125 = tpu.memref_slice %arg14[%dma_start3A_123, %dma_start3A_124] : memref<10240x128xf32, #tpu.memory_space<vmem_shared>> -> memref<10240x128xf32, #tpu.memory_space<vmem_shared>>
    tpu.enqueue_indirect_dma source(%dma_start3A_125 : memref<10240x128xf32, #tpu.memory_space<vmem_shared>>) target(%arg12 : memref<64x128xf32, #tpu.memory_space<vmem>>) offsets(%arg10 : memref<64xi32, #tpu.memory_space<vmem>>) semaphore(%arg15 : memref<!tpu.dma_semaphore, #tpu.memory_space<semaphore_mem>>)
    %dma_wait3A_126 = arith.constant 0 : i32
    %dma_wait3A_127 = arith.constant 0 : i32
    %dma_wait3A_128 = tpu.memref_slice %arg14[%dma_wait3A_126, %dma_wait3A_127] : memref<10240x128xf32, #tpu.memory_space<vmem_shared>> -> memref<10240x128xf32, #tpu.memory_space<vmem_shared>>
    tpu.wait_indirect_dma semaphore(%arg15 : memref<!tpu.dma_semaphore, #tpu.memory_space<semaphore_mem>>) src(%dma_wait3A_128 : memref<10240x128xf32, #tpu.memory_space<vmem_shared>>) dst(%arg12 : memref<64x128xf32, #tpu.memory_space<vmem>>)
    %mul3A_129 = arith.constant 640 : i32
    %mul3A_130 = arith.muli %arg1, %mul3A_129 : i32
    %add3A_131 = arith.constant 64 : i32
    %add3A_132 = arith.addi %mul3A_130, %add3A_131 : i32
    "tpu.region"() ({
      %run_scoped3A = tpu.sem_alloc : memref<!tpu.dma_semaphore, #tpu.memory_space<semaphore_mem>>
      %dma_start3A_245 = arith.constant 0 : i32
      %dma_start3A_246 = tpu.memref_slice %arg7[%arg0, %add3A_132, %dma_start3A_245] : memref<2x10240x128xf32, #tpu.memory_space<hbm>> -> memref<1x64x128xf32, #tpu.memory_space<hbm>>
      %dma_start3A_247 = tpu.memref_squeeze %dma_start3A_246 : memref<1x64x128xf32, #tpu.memory_space<hbm>> -> memref<64x128xf32, #tpu.memory_space<hbm>>
      %dma_start3A_248 = arith.constant 0 : i32
      %dma_start3A_249 = tpu.memref_slice %arg7[%arg0, %add3A_132, %dma_start3A_248] : memref<2x10240x128xf32, #tpu.memory_space<hbm>> -> memref<1x64x128xf32, #tpu.memory_space<hbm>>
      %dma_start3A_250 = tpu.memref_squeeze %dma_start3A_249 : memref<1x64x128xf32, #tpu.memory_space<hbm>> -> memref<64x128xf32, #tpu.memory_space<hbm>>
      tpu.enqueue_dma source(%arg12 : memref<64x128xf32, #tpu.memory_space<vmem>>) target(%dma_start3A_250 : memref<64x128xf32, #tpu.memory_space<hbm>>) target_semaphore(%run_scoped3A : memref<!tpu.dma_semaphore, #tpu.memory_space<semaphore_mem>>)
      %dma_wait3A_251 = arith.constant 0 : i32
      %dma_wait3A_252 = tpu.memref_slice %arg7[%arg0, %add3A_132, %dma_wait3A_251] : memref<2x10240x128xf32, #tpu.memory_space<hbm>> -> memref<1x64x128xf32, #tpu.memory_space<hbm>>
      %dma_wait3A_253 = tpu.memref_squeeze %dma_wait3A_252 : memref<1x64x128xf32, #tpu.memory_space<hbm>> -> memref<64x128xf32, #tpu.memory_space<hbm>>
      %dma_wait3A_254 = arith.constant 0 : i32
      %dma_wait3A_255 = tpu.memref_slice %arg7[%arg0, %add3A_132, %dma_wait3A_254] : memref<2x10240x128xf32, #tpu.memory_space<hbm>> -> memref<1x64x128xf32, #tpu.memory_space<hbm>>
      %dma_wait3A_256 = tpu.memref_squeeze %dma_wait3A_255 : memref<1x64x128xf32, #tpu.memory_space<hbm>> -> memref<64x128xf32, #tpu.memory_space<hbm>>
      tpu.wait_dma2 semaphore(%run_scoped3A : memref<!tpu.dma_semaphore, #tpu.memory_space<semaphore_mem>>) src(%arg12 : memref<64x128xf32, #tpu.memory_space<vmem>>) dst(%dma_wait3A_256 : memref<64x128xf32, #tpu.memory_space<hbm>>)
      tpu.yield
    }) : () -> ()
    %mul3A_133 = arith.constant 640 : i32
    %mul3A_134 = arith.muli %arg1, %mul3A_133 : i32
    %add3A_135 = arith.constant 128 : i32
    %add3A_136 = arith.addi %mul3A_134, %add3A_135 : i32
    "tpu.region"() ({
      %run_scoped3A = tpu.sem_alloc : memref<!tpu.dma_semaphore, #tpu.memory_space<semaphore_mem>>
      %dma_start3A_245 = tpu.memref_slice %arg5[%add3A_136] : memref<10240xi32, #tpu.memory_space<hbm>> -> memref<64xi32, #tpu.memory_space<hbm>>
      %dma_start3A_246 = tpu.memref_slice %arg5[%add3A_136] : memref<10240xi32, #tpu.memory_space<hbm>> -> memref<64xi32, #tpu.memory_space<hbm>>
      tpu.enqueue_dma source(%dma_start3A_246 : memref<64xi32, #tpu.memory_space<hbm>>) target(%arg10 : memref<64xi32, #tpu.memory_space<vmem>>) target_semaphore(%run_scoped3A : memref<!tpu.dma_semaphore, #tpu.memory_space<semaphore_mem>>)
      %dma_wait3A_247 = tpu.memref_slice %arg5[%add3A_136] : memref<10240xi32, #tpu.memory_space<hbm>> -> memref<64xi32, #tpu.memory_space<hbm>>
      %dma_wait3A_248 = tpu.memref_slice %arg5[%add3A_136] : memref<10240xi32, #tpu.memory_space<hbm>> -> memref<64xi32, #tpu.memory_space<hbm>>
      tpu.wait_dma2 semaphore(%run_scoped3A : memref<!tpu.dma_semaphore, #tpu.memory_space<semaphore_mem>>) src(%dma_wait3A_248 : memref<64xi32, #tpu.memory_space<hbm>>) dst(%arg10 : memref<64xi32, #tpu.memory_space<vmem>>)
      tpu.yield
    }) : () -> ()
    %dma_start3A_137 = arith.constant 0 : i32
    %dma_start3A_138 = arith.constant 0 : i32
    %dma_start3A_139 = tpu.memref_slice %arg14[%dma_start3A_137, %dma_start3A_138] : memref<10240x128xf32, #tpu.memory_space<vmem_shared>> -> memref<10240x128xf32, #tpu.memory_space<vmem_shared>>
    tpu.enqueue_indirect_dma source(%dma_start3A_139 : memref<10240x128xf32, #tpu.memory_space<vmem_shared>>) target(%arg12 : memref<64x128xf32, #tpu.memory_space<vmem>>) offsets(%arg10 : memref<64xi32, #tpu.memory_space<vmem>>) semaphore(%arg15 : memref<!tpu.dma_semaphore, #tpu.memory_space<semaphore_mem>>)
    %dma_wait3A_140 = arith.constant 0 : i32
    %dma_wait3A_141 = arith.constant 0 : i32
    %dma_wait3A_142 = tpu.memref_slice %arg14[%dma_wait3A_140, %dma_wait3A_141] : memref<10240x128xf32, #tpu.memory_space<vmem_shared>> -> memref<10240x128xf32, #tpu.memory_space<vmem_shared>>
    tpu.wait_indirect_dma semaphore(%arg15 : memref<!tpu.dma_semaphore, #tpu.memory_space<semaphore_mem>>) src(%dma_wait3A_142 : memref<10240x128xf32, #tpu.memory_space<vmem_shared>>) dst(%arg12 : memref<64x128xf32, #tpu.memory_space<vmem>>)
    %mul3A_143 = arith.constant 640 : i32
    %mul3A_144 = arith.muli %arg1, %mul3A_143 : i32
    %add3A_145 = arith.constant 128 : i32
    %add3A_146 = arith.addi %mul3A_144, %add3A_145 : i32
    "tpu.region"() ({
      %run_scoped3A = tpu.sem_alloc : memref<!tpu.dma_semaphore, #tpu.memory_space<semaphore_mem>>
      %dma_start3A_245 = arith.constant 0 : i32
      %dma_start3A_246 = tpu.memref_slice %arg7[%arg0, %add3A_146, %dma_start3A_245] : memref<2x10240x128xf32, #tpu.memory_space<hbm>> -> memref<1x64x128xf32, #tpu.memory_space<hbm>>
      %dma_start3A_247 = tpu.memref_squeeze %dma_start3A_246 : memref<1x64x128xf32, #tpu.memory_space<hbm>> -> memref<64x128xf32, #tpu.memory_space<hbm>>
      %dma_start3A_248 = arith.constant 0 : i32
      %dma_start3A_249 = tpu.memref_slice %arg7[%arg0, %add3A_146, %dma_start3A_248] : memref<2x10240x128xf32, #tpu.memory_space<hbm>> -> memref<1x64x128xf32, #tpu.memory_space<hbm>>
      %dma_start3A_250 = tpu.memref_squeeze %dma_start3A_249 : memref<1x64x128xf32, #tpu.memory_space<hbm>> -> memref<64x128xf32, #tpu.memory_space<hbm>>
      tpu.enqueue_dma source(%arg12 : memref<64x128xf32, #tpu.memory_space<vmem>>) target(%dma_start3A_250 : memref<64x128xf32, #tpu.memory_space<hbm>>) target_semaphore(%run_scoped3A : memref<!tpu.dma_semaphore, #tpu.memory_space<semaphore_mem>>)
      %dma_wait3A_251 = arith.constant 0 : i32
      %dma_wait3A_252 = tpu.memref_slice %arg7[%arg0, %add3A_146, %dma_wait3A_251] : memref<2x10240x128xf32, #tpu.memory_space<hbm>> -> memref<1x64x128xf32, #tpu.memory_space<hbm>>
      %dma_wait3A_253 = tpu.memref_squeeze %dma_wait3A_252 : memref<1x64x128xf32, #tpu.memory_space<hbm>> -> memref<64x128xf32, #tpu.memory_space<hbm>>
      %dma_wait3A_254 = arith.constant 0 : i32
      %dma_wait3A_255 = tpu.memref_slice %arg7[%arg0, %add3A_146, %dma_wait3A_254] : memref<2x10240x128xf32, #tpu.memory_space<hbm>> -> memref<1x64x128xf32, #tpu.memory_space<hbm>>
      %dma_wait3A_256 = tpu.memref_squeeze %dma_wait3A_255 : memref<1x64x128xf32, #tpu.memory_space<hbm>> -> memref<64x128xf32, #tpu.memory_space<hbm>>
      tpu.wait_dma2 semaphore(%run_scoped3A : memref<!tpu.dma_semaphore, #tpu.memory_space<semaphore_mem>>) src(%arg12 : memref<64x128xf32, #tpu.memory_space<vmem>>) dst(%dma_wait3A_256 : memref<64x128xf32, #tpu.memory_space<hbm>>)
      tpu.yield
    }) : () -> ()
    %mul3A_147 = arith.constant 640 : i32
    %mul3A_148 = arith.muli %arg1, %mul3A_147 : i32
    %add3A_149 = arith.constant 192 : i32
    %add3A_150 = arith.addi %mul3A_148, %add3A_149 : i32
    "tpu.region"() ({
      %run_scoped3A = tpu.sem_alloc : memref<!tpu.dma_semaphore, #tpu.memory_space<semaphore_mem>>
      %dma_start3A_245 = tpu.memref_slice %arg5[%add3A_150] : memref<10240xi32, #tpu.memory_space<hbm>> -> memref<64xi32, #tpu.memory_space<hbm>>
      %dma_start3A_246 = tpu.memref_slice %arg5[%add3A_150] : memref<10240xi32, #tpu.memory_space<hbm>> -> memref<64xi32, #tpu.memory_space<hbm>>
      tpu.enqueue_dma source(%dma_start3A_246 : memref<64xi32, #tpu.memory_space<hbm>>) target(%arg10 : memref<64xi32, #tpu.memory_space<vmem>>) target_semaphore(%run_scoped3A : memref<!tpu.dma_semaphore, #tpu.memory_space<semaphore_mem>>)
      %dma_wait3A_247 = tpu.memref_slice %arg5[%add3A_150] : memref<10240xi32, #tpu.memory_space<hbm>> -> memref<64xi32, #tpu.memory_space<hbm>>
      %dma_wait3A_248 = tpu.memref_slice %arg5[%add3A_150] : memref<10240xi32, #tpu.memory_space<hbm>> -> memref<64xi32, #tpu.memory_space<hbm>>
      tpu.wait_dma2 semaphore(%run_scoped3A : memref<!tpu.dma_semaphore, #tpu.memory_space<semaphore_mem>>) src(%dma_wait3A_248 : memref<64xi32, #tpu.memory_space<hbm>>) dst(%arg10 : memref<64xi32, #tpu.memory_space<vmem>>)
      tpu.yield
    }) : () -> ()
    %dma_start3A_151 = arith.constant 0 : i32
    %dma_start3A_152 = arith.constant 0 : i32
    %dma_start3A_153 = tpu.memref_slice %arg14[%dma_start3A_151, %dma_start3A_152] : memref<10240x128xf32, #tpu.memory_space<vmem_shared>> -> memref<10240x128xf32, #tpu.memory_space<vmem_shared>>
    tpu.enqueue_indirect_dma source(%dma_start3A_153 : memref<10240x128xf32, #tpu.memory_space<vmem_shared>>) target(%arg12 : memref<64x128xf32, #tpu.memory_space<vmem>>) offsets(%arg10 : memref<64xi32, #tpu.memory_space<vmem>>) semaphore(%arg15 : memref<!tpu.dma_semaphore, #tpu.memory_space<semaphore_mem>>)
    %dma_wait3A_154 = arith.constant 0 : i32
    %dma_wait3A_155 = arith.constant 0 : i32
    %dma_wait3A_156 = tpu.memref_slice %arg14[%dma_wait3A_154, %dma_wait3A_155] : memref<10240x128xf32, #tpu.memory_space<vmem_shared>> -> memref<10240x128xf32, #tpu.memory_space<vmem_shared>>
    tpu.wait_indirect_dma semaphore(%arg15 : memref<!tpu.dma_semaphore, #tpu.memory_space<semaphore_mem>>) src(%dma_wait3A_156 : memref<10240x128xf32, #tpu.memory_space<vmem_shared>>) dst(%arg12 : memref<64x128xf32, #tpu.memory_space<vmem>>)
    %mul3A_157 = arith.constant 640 : i32
    %mul3A_158 = arith.muli %arg1, %mul3A_157 : i32
    %add3A_159 = arith.constant 192 : i32
    %add3A_160 = arith.addi %mul3A_158, %add3A_159 : i32
    "tpu.region"() ({
      %run_scoped3A = tpu.sem_alloc : memref<!tpu.dma_semaphore, #tpu.memory_space<semaphore_mem>>
      %dma_start3A_245 = arith.constant 0 : i32
      %dma_start3A_246 = tpu.memref_slice %arg7[%arg0, %add3A_160, %dma_start3A_245] : memref<2x10240x128xf32, #tpu.memory_space<hbm>> -> memref<1x64x128xf32, #tpu.memory_space<hbm>>
      %dma_start3A_247 = tpu.memref_squeeze %dma_start3A_246 : memref<1x64x128xf32, #tpu.memory_space<hbm>> -> memref<64x128xf32, #tpu.memory_space<hbm>>
      %dma_start3A_248 = arith.constant 0 : i32
      %dma_start3A_249 = tpu.memref_slice %arg7[%arg0, %add3A_160, %dma_start3A_248] : memref<2x10240x128xf32, #tpu.memory_space<hbm>> -> memref<1x64x128xf32, #tpu.memory_space<hbm>>
      %dma_start3A_250 = tpu.memref_squeeze %dma_start3A_249 : memref<1x64x128xf32, #tpu.memory_space<hbm>> -> memref<64x128xf32, #tpu.memory_space<hbm>>
      tpu.enqueue_dma source(%arg12 : memref<64x128xf32, #tpu.memory_space<vmem>>) target(%dma_start3A_250 : memref<64x128xf32, #tpu.memory_space<hbm>>) target_semaphore(%run_scoped3A : memref<!tpu.dma_semaphore, #tpu.memory_space<semaphore_mem>>)
      %dma_wait3A_251 = arith.constant 0 : i32
      %dma_wait3A_252 = tpu.memref_slice %arg7[%arg0, %add3A_160, %dma_wait3A_251] : memref<2x10240x128xf32, #tpu.memory_space<hbm>> -> memref<1x64x128xf32, #tpu.memory_space<hbm>>
      %dma_wait3A_253 = tpu.memref_squeeze %dma_wait3A_252 : memref<1x64x128xf32, #tpu.memory_space<hbm>> -> memref<64x128xf32, #tpu.memory_space<hbm>>
      %dma_wait3A_254 = arith.constant 0 : i32
      %dma_wait3A_255 = tpu.memref_slice %arg7[%arg0, %add3A_160, %dma_wait3A_254] : memref<2x10240x128xf32, #tpu.memory_space<hbm>> -> memref<1x64x128xf32, #tpu.memory_space<hbm>>
      %dma_wait3A_256 = tpu.memref_squeeze %dma_wait3A_255 : memref<1x64x128xf32, #tpu.memory_space<hbm>> -> memref<64x128xf32, #tpu.memory_space<hbm>>
      tpu.wait_dma2 semaphore(%run_scoped3A : memref<!tpu.dma_semaphore, #tpu.memory_space<semaphore_mem>>) src(%arg12 : memref<64x128xf32, #tpu.memory_space<vmem>>) dst(%dma_wait3A_256 : memref<64x128xf32, #tpu.memory_space<hbm>>)
      tpu.yield
    }) : () -> ()
    %mul3A_161 = arith.constant 640 : i32
    %mul3A_162 = arith.muli %arg1, %mul3A_161 : i32
    %add3A_163 = arith.constant 256 : i32
    %add3A_164 = arith.addi %mul3A_162, %add3A_163 : i32
    "tpu.region"() ({
      %run_scoped3A = tpu.sem_alloc : memref<!tpu.dma_semaphore, #tpu.memory_space<semaphore_mem>>
      %dma_start3A_245 = tpu.memref_slice %arg5[%add3A_164] : memref<10240xi32, #tpu.memory_space<hbm>> -> memref<64xi32, #tpu.memory_space<hbm>>
      %dma_start3A_246 = tpu.memref_slice %arg5[%add3A_164] : memref<10240xi32, #tpu.memory_space<hbm>> -> memref<64xi32, #tpu.memory_space<hbm>>
      tpu.enqueue_dma source(%dma_start3A_246 : memref<64xi32, #tpu.memory_space<hbm>>) target(%arg10 : memref<64xi32, #tpu.memory_space<vmem>>) target_semaphore(%run_scoped3A : memref<!tpu.dma_semaphore, #tpu.memory_space<semaphore_mem>>)
      %dma_wait3A_247 = tpu.memref_slice %arg5[%add3A_164] : memref<10240xi32, #tpu.memory_space<hbm>> -> memref<64xi32, #tpu.memory_space<hbm>>
      %dma_wait3A_248 = tpu.memref_slice %arg5[%add3A_164] : memref<10240xi32, #tpu.memory_space<hbm>> -> memref<64xi32, #tpu.memory_space<hbm>>
      tpu.wait_dma2 semaphore(%run_scoped3A : memref<!tpu.dma_semaphore, #tpu.memory_space<semaphore_mem>>) src(%dma_wait3A_248 : memref<64xi32, #tpu.memory_space<hbm>>) dst(%arg10 : memref<64xi32, #tpu.memory_space<vmem>>)
      tpu.yield
    }) : () -> ()
    %dma_start3A_165 = arith.constant 0 : i32
    %dma_start3A_166 = arith.constant 0 : i32
    %dma_start3A_167 = tpu.memref_slice %arg14[%dma_start3A_165, %dma_start3A_166] : memref<10240x128xf32, #tpu.memory_space<vmem_shared>> -> memref<10240x128xf32, #tpu.memory_space<vmem_shared>>
    tpu.enqueue_indirect_dma source(%dma_start3A_167 : memref<10240x128xf32, #tpu.memory_space<vmem_shared>>) target(%arg12 : memref<64x128xf32, #tpu.memory_space<vmem>>) offsets(%arg10 : memref<64xi32, #tpu.memory_space<vmem>>) semaphore(%arg15 : memref<!tpu.dma_semaphore, #tpu.memory_space<semaphore_mem>>)
    %dma_wait3A_168 = arith.constant 0 : i32
    %dma_wait3A_169 = arith.constant 0 : i32
    %dma_wait3A_170 = tpu.memref_slice %arg14[%dma_wait3A_168, %dma_wait3A_169] : memref<10240x128xf32, #tpu.memory_space<vmem_shared>> -> memref<10240x128xf32, #tpu.memory_space<vmem_shared>>
    tpu.wait_indirect_dma semaphore(%arg15 : memref<!tpu.dma_semaphore, #tpu.memory_space<semaphore_mem>>) src(%dma_wait3A_170 : memref<10240x128xf32, #tpu.memory_space<vmem_shared>>) dst(%arg12 : memref<64x128xf32, #tpu.memory_space<vmem>>)
    %mul3A_171 = arith.constant 640 : i32
    %mul3A_172 = arith.muli %arg1, %mul3A_171 : i32
    %add3A_173 = arith.constant 256 : i32
    %add3A_174 = arith.addi %mul3A_172, %add3A_173 : i32
    "tpu.region"() ({
      %run_scoped3A = tpu.sem_alloc : memref<!tpu.dma_semaphore, #tpu.memory_space<semaphore_mem>>
      %dma_start3A_245 = arith.constant 0 : i32
      %dma_start3A_246 = tpu.memref_slice %arg7[%arg0, %add3A_174, %dma_start3A_245] : memref<2x10240x128xf32, #tpu.memory_space<hbm>> -> memref<1x64x128xf32, #tpu.memory_space<hbm>>
      %dma_start3A_247 = tpu.memref_squeeze %dma_start3A_246 : memref<1x64x128xf32, #tpu.memory_space<hbm>> -> memref<64x128xf32, #tpu.memory_space<hbm>>
      %dma_start3A_248 = arith.constant 0 : i32
      %dma_start3A_249 = tpu.memref_slice %arg7[%arg0, %add3A_174, %dma_start3A_248] : memref<2x10240x128xf32, #tpu.memory_space<hbm>> -> memref<1x64x128xf32, #tpu.memory_space<hbm>>
      %dma_start3A_250 = tpu.memref_squeeze %dma_start3A_249 : memref<1x64x128xf32, #tpu.memory_space<hbm>> -> memref<64x128xf32, #tpu.memory_space<hbm>>
      tpu.enqueue_dma source(%arg12 : memref<64x128xf32, #tpu.memory_space<vmem>>) target(%dma_start3A_250 : memref<64x128xf32, #tpu.memory_space<hbm>>) target_semaphore(%run_scoped3A : memref<!tpu.dma_semaphore, #tpu.memory_space<semaphore_mem>>)
      %dma_wait3A_251 = arith.constant 0 : i32
      %dma_wait3A_252 = tpu.memref_slice %arg7[%arg0, %add3A_174, %dma_wait3A_251] : memref<2x10240x128xf32, #tpu.memory_space<hbm>> -> memref<1x64x128xf32, #tpu.memory_space<hbm>>
      %dma_wait3A_253 = tpu.memref_squeeze %dma_wait3A_252 : memref<1x64x128xf32, #tpu.memory_space<hbm>> -> memref<64x128xf32, #tpu.memory_space<hbm>>
      %dma_wait3A_254 = arith.constant 0 : i32
      %dma_wait3A_255 = tpu.memref_slice %arg7[%arg0, %add3A_174, %dma_wait3A_254] : memref<2x10240x128xf32, #tpu.memory_space<hbm>> -> memref<1x64x128xf32, #tpu.memory_space<hbm>>
      %dma_wait3A_256 = tpu.memref_squeeze %dma_wait3A_255 : memref<1x64x128xf32, #tpu.memory_space<hbm>> -> memref<64x128xf32, #tpu.memory_space<hbm>>
      tpu.wait_dma2 semaphore(%run_scoped3A : memref<!tpu.dma_semaphore, #tpu.memory_space<semaphore_mem>>) src(%arg12 : memref<64x128xf32, #tpu.memory_space<vmem>>) dst(%dma_wait3A_256 : memref<64x128xf32, #tpu.memory_space<hbm>>)
      tpu.yield
    }) : () -> ()
    %mul3A_175 = arith.constant 640 : i32
    %mul3A_176 = arith.muli %arg1, %mul3A_175 : i32
    %add3A_177 = arith.constant 320 : i32
    %add3A_178 = arith.addi %mul3A_176, %add3A_177 : i32
    "tpu.region"() ({
      %run_scoped3A = tpu.sem_alloc : memref<!tpu.dma_semaphore, #tpu.memory_space<semaphore_mem>>
      %dma_start3A_245 = tpu.memref_slice %arg5[%add3A_178] : memref<10240xi32, #tpu.memory_space<hbm>> -> memref<64xi32, #tpu.memory_space<hbm>>
      %dma_start3A_246 = tpu.memref_slice %arg5[%add3A_178] : memref<10240xi32, #tpu.memory_space<hbm>> -> memref<64xi32, #tpu.memory_space<hbm>>
      tpu.enqueue_dma source(%dma_start3A_246 : memref<64xi32, #tpu.memory_space<hbm>>) target(%arg10 : memref<64xi32, #tpu.memory_space<vmem>>) target_semaphore(%run_scoped3A : memref<!tpu.dma_semaphore, #tpu.memory_space<semaphore_mem>>)
      %dma_wait3A_247 = tpu.memref_slice %arg5[%add3A_178] : memref<10240xi32, #tpu.memory_space<hbm>> -> memref<64xi32, #tpu.memory_space<hbm>>
      %dma_wait3A_248 = tpu.memref_slice %arg5[%add3A_178] : memref<10240xi32, #tpu.memory_space<hbm>> -> memref<64xi32, #tpu.memory_space<hbm>>
      tpu.wait_dma2 semaphore(%run_scoped3A : memref<!tpu.dma_semaphore, #tpu.memory_space<semaphore_mem>>) src(%dma_wait3A_248 : memref<64xi32, #tpu.memory_space<hbm>>) dst(%arg10 : memref<64xi32, #tpu.memory_space<vmem>>)
      tpu.yield
    }) : () -> ()
    %dma_start3A_179 = arith.constant 0 : i32
    %dma_start3A_180 = arith.constant 0 : i32
    %dma_start3A_181 = tpu.memref_slice %arg14[%dma_start3A_179, %dma_start3A_180] : memref<10240x128xf32, #tpu.memory_space<vmem_shared>> -> memref<10240x128xf32, #tpu.memory_space<vmem_shared>>
    tpu.enqueue_indirect_dma source(%dma_start3A_181 : memref<10240x128xf32, #tpu.memory_space<vmem_shared>>) target(%arg12 : memref<64x128xf32, #tpu.memory_space<vmem>>) offsets(%arg10 : memref<64xi32, #tpu.memory_space<vmem>>) semaphore(%arg15 : memref<!tpu.dma_semaphore, #tpu.memory_space<semaphore_mem>>)
    %dma_wait3A_182 = arith.constant 0 : i32
    %dma_wait3A_183 = arith.constant 0 : i32
    %dma_wait3A_184 = tpu.memref_slice %arg14[%dma_wait3A_182, %dma_wait3A_183] : memref<10240x128xf32, #tpu.memory_space<vmem_shared>> -> memref<10240x128xf32, #tpu.memory_space<vmem_shared>>
    tpu.wait_indirect_dma semaphore(%arg15 : memref<!tpu.dma_semaphore, #tpu.memory_space<semaphore_mem>>) src(%dma_wait3A_184 : memref<10240x128xf32, #tpu.memory_space<vmem_shared>>) dst(%arg12 : memref<64x128xf32, #tpu.memory_space<vmem>>)
    %mul3A_185 = arith.constant 640 : i32
    %mul3A_186 = arith.muli %arg1, %mul3A_185 : i32
    %add3A_187 = arith.constant 320 : i32
    %add3A_188 = arith.addi %mul3A_186, %add3A_187 : i32
    "tpu.region"() ({
      %run_scoped3A = tpu.sem_alloc : memref<!tpu.dma_semaphore, #tpu.memory_space<semaphore_mem>>
      %dma_start3A_245 = arith.constant 0 : i32
      %dma_start3A_246 = tpu.memref_slice %arg7[%arg0, %add3A_188, %dma_start3A_245] : memref<2x10240x128xf32, #tpu.memory_space<hbm>> -> memref<1x64x128xf32, #tpu.memory_space<hbm>>
      %dma_start3A_247 = tpu.memref_squeeze %dma_start3A_246 : memref<1x64x128xf32, #tpu.memory_space<hbm>> -> memref<64x128xf32, #tpu.memory_space<hbm>>
      %dma_start3A_248 = arith.constant 0 : i32
      %dma_start3A_249 = tpu.memref_slice %arg7[%arg0, %add3A_188, %dma_start3A_248] : memref<2x10240x128xf32, #tpu.memory_space<hbm>> -> memref<1x64x128xf32, #tpu.memory_space<hbm>>
      %dma_start3A_250 = tpu.memref_squeeze %dma_start3A_249 : memref<1x64x128xf32, #tpu.memory_space<hbm>> -> memref<64x128xf32, #tpu.memory_space<hbm>>
      tpu.enqueue_dma source(%arg12 : memref<64x128xf32, #tpu.memory_space<vmem>>) target(%dma_start3A_250 : memref<64x128xf32, #tpu.memory_space<hbm>>) target_semaphore(%run_scoped3A : memref<!tpu.dma_semaphore, #tpu.memory_space<semaphore_mem>>)
      %dma_wait3A_251 = arith.constant 0 : i32
      %dma_wait3A_252 = tpu.memref_slice %arg7[%arg0, %add3A_188, %dma_wait3A_251] : memref<2x10240x128xf32, #tpu.memory_space<hbm>> -> memref<1x64x128xf32, #tpu.memory_space<hbm>>
      %dma_wait3A_253 = tpu.memref_squeeze %dma_wait3A_252 : memref<1x64x128xf32, #tpu.memory_space<hbm>> -> memref<64x128xf32, #tpu.memory_space<hbm>>
      %dma_wait3A_254 = arith.constant 0 : i32
      %dma_wait3A_255 = tpu.memref_slice %arg7[%arg0, %add3A_188, %dma_wait3A_254] : memref<2x10240x128xf32, #tpu.memory_space<hbm>> -> memref<1x64x128xf32, #tpu.memory_space<hbm>>
      %dma_wait3A_256 = tpu.memref_squeeze %dma_wait3A_255 : memref<1x64x128xf32, #tpu.memory_space<hbm>> -> memref<64x128xf32, #tpu.memory_space<hbm>>
      tpu.wait_dma2 semaphore(%run_scoped3A : memref<!tpu.dma_semaphore, #tpu.memory_space<semaphore_mem>>) src(%arg12 : memref<64x128xf32, #tpu.memory_space<vmem>>) dst(%dma_wait3A_256 : memref<64x128xf32, #tpu.memory_space<hbm>>)
      tpu.yield
    }) : () -> ()
    %mul3A_189 = arith.constant 640 : i32
    %mul3A_190 = arith.muli %arg1, %mul3A_189 : i32
    %add3A_191 = arith.constant 384 : i32
    %add3A_192 = arith.addi %mul3A_190, %add3A_191 : i32
    "tpu.region"() ({
      %run_scoped3A = tpu.sem_alloc : memref<!tpu.dma_semaphore, #tpu.memory_space<semaphore_mem>>
      %dma_start3A_245 = tpu.memref_slice %arg5[%add3A_192] : memref<10240xi32, #tpu.memory_space<hbm>> -> memref<64xi32, #tpu.memory_space<hbm>>
      %dma_start3A_246 = tpu.memref_slice %arg5[%add3A_192] : memref<10240xi32, #tpu.memory_space<hbm>> -> memref<64xi32, #tpu.memory_space<hbm>>
      tpu.enqueue_dma source(%dma_start3A_246 : memref<64xi32, #tpu.memory_space<hbm>>) target(%arg10 : memref<64xi32, #tpu.memory_space<vmem>>) target_semaphore(%run_scoped3A : memref<!tpu.dma_semaphore, #tpu.memory_space<semaphore_mem>>)
      %dma_wait3A_247 = tpu.memref_slice %arg5[%add3A_192] : memref<10240xi32, #tpu.memory_space<hbm>> -> memref<64xi32, #tpu.memory_space<hbm>>
      %dma_wait3A_248 = tpu.memref_slice %arg5[%add3A_192] : memref<10240xi32, #tpu.memory_space<hbm>> -> memref<64xi32, #tpu.memory_space<hbm>>
      tpu.wait_dma2 semaphore(%run_scoped3A : memref<!tpu.dma_semaphore, #tpu.memory_space<semaphore_mem>>) src(%dma_wait3A_248 : memref<64xi32, #tpu.memory_space<hbm>>) dst(%arg10 : memref<64xi32, #tpu.memory_space<vmem>>)
      tpu.yield
    }) : () -> ()
    %dma_start3A_193 = arith.constant 0 : i32
    %dma_start3A_194 = arith.constant 0 : i32
    %dma_start3A_195 = tpu.memref_slice %arg14[%dma_start3A_193, %dma_start3A_194] : memref<10240x128xf32, #tpu.memory_space<vmem_shared>> -> memref<10240x128xf32, #tpu.memory_space<vmem_shared>>
    tpu.enqueue_indirect_dma source(%dma_start3A_195 : memref<10240x128xf32, #tpu.memory_space<vmem_shared>>) target(%arg12 : memref<64x128xf32, #tpu.memory_space<vmem>>) offsets(%arg10 : memref<64xi32, #tpu.memory_space<vmem>>) semaphore(%arg15 : memref<!tpu.dma_semaphore, #tpu.memory_space<semaphore_mem>>)
    %dma_wait3A_196 = arith.constant 0 : i32
    %dma_wait3A_197 = arith.constant 0 : i32
    %dma_wait3A_198 = tpu.memref_slice %arg14[%dma_wait3A_196, %dma_wait3A_197] : memref<10240x128xf32, #tpu.memory_space<vmem_shared>> -> memref<10240x128xf32, #tpu.memory_space<vmem_shared>>
    tpu.wait_indirect_dma semaphore(%arg15 : memref<!tpu.dma_semaphore, #tpu.memory_space<semaphore_mem>>) src(%dma_wait3A_198 : memref<10240x128xf32, #tpu.memory_space<vmem_shared>>) dst(%arg12 : memref<64x128xf32, #tpu.memory_space<vmem>>)
    %mul3A_199 = arith.constant 640 : i32
    %mul3A_200 = arith.muli %arg1, %mul3A_199 : i32
    %add3A_201 = arith.constant 384 : i32
    %add3A_202 = arith.addi %mul3A_200, %add3A_201 : i32
    "tpu.region"() ({
      %run_scoped3A = tpu.sem_alloc : memref<!tpu.dma_semaphore, #tpu.memory_space<semaphore_mem>>
      %dma_start3A_245 = arith.constant 0 : i32
      %dma_start3A_246 = tpu.memref_slice %arg7[%arg0, %add3A_202, %dma_start3A_245] : memref<2x10240x128xf32, #tpu.memory_space<hbm>> -> memref<1x64x128xf32, #tpu.memory_space<hbm>>
      %dma_start3A_247 = tpu.memref_squeeze %dma_start3A_246 : memref<1x64x128xf32, #tpu.memory_space<hbm>> -> memref<64x128xf32, #tpu.memory_space<hbm>>
      %dma_start3A_248 = arith.constant 0 : i32
      %dma_start3A_249 = tpu.memref_slice %arg7[%arg0, %add3A_202, %dma_start3A_248] : memref<2x10240x128xf32, #tpu.memory_space<hbm>> -> memref<1x64x128xf32, #tpu.memory_space<hbm>>
      %dma_start3A_250 = tpu.memref_squeeze %dma_start3A_249 : memref<1x64x128xf32, #tpu.memory_space<hbm>> -> memref<64x128xf32, #tpu.memory_space<hbm>>
      tpu.enqueue_dma source(%arg12 : memref<64x128xf32, #tpu.memory_space<vmem>>) target(%dma_start3A_250 : memref<64x128xf32, #tpu.memory_space<hbm>>) target_semaphore(%run_scoped3A : memref<!tpu.dma_semaphore, #tpu.memory_space<semaphore_mem>>)
      %dma_wait3A_251 = arith.constant 0 : i32
      %dma_wait3A_252 = tpu.memref_slice %arg7[%arg0, %add3A_202, %dma_wait3A_251] : memref<2x10240x128xf32, #tpu.memory_space<hbm>> -> memref<1x64x128xf32, #tpu.memory_space<hbm>>
      %dma_wait3A_253 = tpu.memref_squeeze %dma_wait3A_252 : memref<1x64x128xf32, #tpu.memory_space<hbm>> -> memref<64x128xf32, #tpu.memory_space<hbm>>
      %dma_wait3A_254 = arith.constant 0 : i32
      %dma_wait3A_255 = tpu.memref_slice %arg7[%arg0, %add3A_202, %dma_wait3A_254] : memref<2x10240x128xf32, #tpu.memory_space<hbm>> -> memref<1x64x128xf32, #tpu.memory_space<hbm>>
      %dma_wait3A_256 = tpu.memref_squeeze %dma_wait3A_255 : memref<1x64x128xf32, #tpu.memory_space<hbm>> -> memref<64x128xf32, #tpu.memory_space<hbm>>
      tpu.wait_dma2 semaphore(%run_scoped3A : memref<!tpu.dma_semaphore, #tpu.memory_space<semaphore_mem>>) src(%arg12 : memref<64x128xf32, #tpu.memory_space<vmem>>) dst(%dma_wait3A_256 : memref<64x128xf32, #tpu.memory_space<hbm>>)
      tpu.yield
    }) : () -> ()
    %mul3A_203 = arith.constant 640 : i32
    %mul3A_204 = arith.muli %arg1, %mul3A_203 : i32
    %add3A_205 = arith.constant 448 : i32
    %add3A_206 = arith.addi %mul3A_204, %add3A_205 : i32
    "tpu.region"() ({
      %run_scoped3A = tpu.sem_alloc : memref<!tpu.dma_semaphore, #tpu.memory_space<semaphore_mem>>
      %dma_start3A_245 = tpu.memref_slice %arg5[%add3A_206] : memref<10240xi32, #tpu.memory_space<hbm>> -> memref<64xi32, #tpu.memory_space<hbm>>
      %dma_start3A_246 = tpu.memref_slice %arg5[%add3A_206] : memref<10240xi32, #tpu.memory_space<hbm>> -> memref<64xi32, #tpu.memory_space<hbm>>
      tpu.enqueue_dma source(%dma_start3A_246 : memref<64xi32, #tpu.memory_space<hbm>>) target(%arg10 : memref<64xi32, #tpu.memory_space<vmem>>) target_semaphore(%run_scoped3A : memref<!tpu.dma_semaphore, #tpu.memory_space<semaphore_mem>>)
      %dma_wait3A_247 = tpu.memref_slice %arg5[%add3A_206] : memref<10240xi32, #tpu.memory_space<hbm>> -> memref<64xi32, #tpu.memory_space<hbm>>
      %dma_wait3A_248 = tpu.memref_slice %arg5[%add3A_206] : memref<10240xi32, #tpu.memory_space<hbm>> -> memref<64xi32, #tpu.memory_space<hbm>>
      tpu.wait_dma2 semaphore(%run_scoped3A : memref<!tpu.dma_semaphore, #tpu.memory_space<semaphore_mem>>) src(%dma_wait3A_248 : memref<64xi32, #tpu.memory_space<hbm>>) dst(%arg10 : memref<64xi32, #tpu.memory_space<vmem>>)
      tpu.yield
    }) : () -> ()
    %dma_start3A_207 = arith.constant 0 : i32
    %dma_start3A_208 = arith.constant 0 : i32
    %dma_start3A_209 = tpu.memref_slice %arg14[%dma_start3A_207, %dma_start3A_208] : memref<10240x128xf32, #tpu.memory_space<vmem_shared>> -> memref<10240x128xf32, #tpu.memory_space<vmem_shared>>
    tpu.enqueue_indirect_dma source(%dma_start3A_209 : memref<10240x128xf32, #tpu.memory_space<vmem_shared>>) target(%arg12 : memref<64x128xf32, #tpu.memory_space<vmem>>) offsets(%arg10 : memref<64xi32, #tpu.memory_space<vmem>>) semaphore(%arg15 : memref<!tpu.dma_semaphore, #tpu.memory_space<semaphore_mem>>)
    %dma_wait3A_210 = arith.constant 0 : i32
    %dma_wait3A_211 = arith.constant 0 : i32
    %dma_wait3A_212 = tpu.memref_slice %arg14[%dma_wait3A_210, %dma_wait3A_211] : memref<10240x128xf32, #tpu.memory_space<vmem_shared>> -> memref<10240x128xf32, #tpu.memory_space<vmem_shared>>
    tpu.wait_indirect_dma semaphore(%arg15 : memref<!tpu.dma_semaphore, #tpu.memory_space<semaphore_mem>>) src(%dma_wait3A_212 : memref<10240x128xf32, #tpu.memory_space<vmem_shared>>) dst(%arg12 : memref<64x128xf32, #tpu.memory_space<vmem>>)
    %mul3A_213 = arith.constant 640 : i32
    %mul3A_214 = arith.muli %arg1, %mul3A_213 : i32
    %add3A_215 = arith.constant 448 : i32
    %add3A_216 = arith.addi %mul3A_214, %add3A_215 : i32
    "tpu.region"() ({
      %run_scoped3A = tpu.sem_alloc : memref<!tpu.dma_semaphore, #tpu.memory_space<semaphore_mem>>
      %dma_start3A_245 = arith.constant 0 : i32
      %dma_start3A_246 = tpu.memref_slice %arg7[%arg0, %add3A_216, %dma_start3A_245] : memref<2x10240x128xf32, #tpu.memory_space<hbm>> -> memref<1x64x128xf32, #tpu.memory_space<hbm>>
      %dma_start3A_247 = tpu.memref_squeeze %dma_start3A_246 : memref<1x64x128xf32, #tpu.memory_space<hbm>> -> memref<64x128xf32, #tpu.memory_space<hbm>>
      %dma_start3A_248 = arith.constant 0 : i32
      %dma_start3A_249 = tpu.memref_slice %arg7[%arg0, %add3A_216, %dma_start3A_248] : memref<2x10240x128xf32, #tpu.memory_space<hbm>> -> memref<1x64x128xf32, #tpu.memory_space<hbm>>
      %dma_start3A_250 = tpu.memref_squeeze %dma_start3A_249 : memref<1x64x128xf32, #tpu.memory_space<hbm>> -> memref<64x128xf32, #tpu.memory_space<hbm>>
      tpu.enqueue_dma source(%arg12 : memref<64x128xf32, #tpu.memory_space<vmem>>) target(%dma_start3A_250 : memref<64x128xf32, #tpu.memory_space<hbm>>) target_semaphore(%run_scoped3A : memref<!tpu.dma_semaphore, #tpu.memory_space<semaphore_mem>>)
      %dma_wait3A_251 = arith.constant 0 : i32
      %dma_wait3A_252 = tpu.memref_slice %arg7[%arg0, %add3A_216, %dma_wait3A_251] : memref<2x10240x128xf32, #tpu.memory_space<hbm>> -> memref<1x64x128xf32, #tpu.memory_space<hbm>>
      %dma_wait3A_253 = tpu.memref_squeeze %dma_wait3A_252 : memref<1x64x128xf32, #tpu.memory_space<hbm>> -> memref<64x128xf32, #tpu.memory_space<hbm>>
      %dma_wait3A_254 = arith.constant 0 : i32
      %dma_wait3A_255 = tpu.memref_slice %arg7[%arg0, %add3A_216, %dma_wait3A_254] : memref<2x10240x128xf32, #tpu.memory_space<hbm>> -> memref<1x64x128xf32, #tpu.memory_space<hbm>>
      %dma_wait3A_256 = tpu.memref_squeeze %dma_wait3A_255 : memref<1x64x128xf32, #tpu.memory_space<hbm>> -> memref<64x128xf32, #tpu.memory_space<hbm>>
      tpu.wait_dma2 semaphore(%run_scoped3A : memref<!tpu.dma_semaphore, #tpu.memory_space<semaphore_mem>>) src(%arg12 : memref<64x128xf32, #tpu.memory_space<vmem>>) dst(%dma_wait3A_256 : memref<64x128xf32, #tpu.memory_space<hbm>>)
      tpu.yield
    }) : () -> ()
    %mul3A_217 = arith.constant 640 : i32
    %mul3A_218 = arith.muli %arg1, %mul3A_217 : i32
    %add3A_219 = arith.constant 512 : i32
    %add3A_220 = arith.addi %mul3A_218, %add3A_219 : i32
    "tpu.region"() ({
      %run_scoped3A = tpu.sem_alloc : memref<!tpu.dma_semaphore, #tpu.memory_space<semaphore_mem>>
      %dma_start3A_245 = tpu.memref_slice %arg5[%add3A_220] : memref<10240xi32, #tpu.memory_space<hbm>> -> memref<64xi32, #tpu.memory_space<hbm>>
      %dma_start3A_246 = tpu.memref_slice %arg5[%add3A_220] : memref<10240xi32, #tpu.memory_space<hbm>> -> memref<64xi32, #tpu.memory_space<hbm>>
      tpu.enqueue_dma source(%dma_start3A_246 : memref<64xi32, #tpu.memory_space<hbm>>) target(%arg10 : memref<64xi32, #tpu.memory_space<vmem>>) target_semaphore(%run_scoped3A : memref<!tpu.dma_semaphore, #tpu.memory_space<semaphore_mem>>)
      %dma_wait3A_247 = tpu.memref_slice %arg5[%add3A_220] : memref<10240xi32, #tpu.memory_space<hbm>> -> memref<64xi32, #tpu.memory_space<hbm>>
      %dma_wait3A_248 = tpu.memref_slice %arg5[%add3A_220] : memref<10240xi32, #tpu.memory_space<hbm>> -> memref<64xi32, #tpu.memory_space<hbm>>
      tpu.wait_dma2 semaphore(%run_scoped3A : memref<!tpu.dma_semaphore, #tpu.memory_space<semaphore_mem>>) src(%dma_wait3A_248 : memref<64xi32, #tpu.memory_space<hbm>>) dst(%arg10 : memref<64xi32, #tpu.memory_space<vmem>>)
      tpu.yield
    }) : () -> ()
    %dma_start3A_221 = arith.constant 0 : i32
    %dma_start3A_222 = arith.constant 0 : i32
    %dma_start3A_223 = tpu.memref_slice %arg14[%dma_start3A_221, %dma_start3A_222] : memref<10240x128xf32, #tpu.memory_space<vmem_shared>> -> memref<10240x128xf32, #tpu.memory_space<vmem_shared>>
    tpu.enqueue_indirect_dma source(%dma_start3A_223 : memref<10240x128xf32, #tpu.memory_space<vmem_shared>>) target(%arg12 : memref<64x128xf32, #tpu.memory_space<vmem>>) offsets(%arg10 : memref<64xi32, #tpu.memory_space<vmem>>) semaphore(%arg15 : memref<!tpu.dma_semaphore, #tpu.memory_space<semaphore_mem>>)
    %dma_wait3A_224 = arith.constant 0 : i32
    %dma_wait3A_225 = arith.constant 0 : i32
    %dma_wait3A_226 = tpu.memref_slice %arg14[%dma_wait3A_224, %dma_wait3A_225] : memref<10240x128xf32, #tpu.memory_space<vmem_shared>> -> memref<10240x128xf32, #tpu.memory_space<vmem_shared>>
    tpu.wait_indirect_dma semaphore(%arg15 : memref<!tpu.dma_semaphore, #tpu.memory_space<semaphore_mem>>) src(%dma_wait3A_226 : memref<10240x128xf32, #tpu.memory_space<vmem_shared>>) dst(%arg12 : memref<64x128xf32, #tpu.memory_space<vmem>>)
    %mul3A_227 = arith.constant 640 : i32
    %mul3A_228 = arith.muli %arg1, %mul3A_227 : i32
    %add3A_229 = arith.constant 512 : i32
    %add3A_230 = arith.addi %mul3A_228, %add3A_229 : i32
    "tpu.region"() ({
      %run_scoped3A = tpu.sem_alloc : memref<!tpu.dma_semaphore, #tpu.memory_space<semaphore_mem>>
      %dma_start3A_245 = arith.constant 0 : i32
      %dma_start3A_246 = tpu.memref_slice %arg7[%arg0, %add3A_230, %dma_start3A_245] : memref<2x10240x128xf32, #tpu.memory_space<hbm>> -> memref<1x64x128xf32, #tpu.memory_space<hbm>>
      %dma_start3A_247 = tpu.memref_squeeze %dma_start3A_246 : memref<1x64x128xf32, #tpu.memory_space<hbm>> -> memref<64x128xf32, #tpu.memory_space<hbm>>
      %dma_start3A_248 = arith.constant 0 : i32
      %dma_start3A_249 = tpu.memref_slice %arg7[%arg0, %add3A_230, %dma_start3A_248] : memref<2x10240x128xf32, #tpu.memory_space<hbm>> -> memref<1x64x128xf32, #tpu.memory_space<hbm>>
      %dma_start3A_250 = tpu.memref_squeeze %dma_start3A_249 : memref<1x64x128xf32, #tpu.memory_space<hbm>> -> memref<64x128xf32, #tpu.memory_space<hbm>>
      tpu.enqueue_dma source(%arg12 : memref<64x128xf32, #tpu.memory_space<vmem>>) target(%dma_start3A_250 : memref<64x128xf32, #tpu.memory_space<hbm>>) target_semaphore(%run_scoped3A : memref<!tpu.dma_semaphore, #tpu.memory_space<semaphore_mem>>)
      %dma_wait3A_251 = arith.constant 0 : i32
      %dma_wait3A_252 = tpu.memref_slice %arg7[%arg0, %add3A_230, %dma_wait3A_251] : memref<2x10240x128xf32, #tpu.memory_space<hbm>> -> memref<1x64x128xf32, #tpu.memory_space<hbm>>
      %dma_wait3A_253 = tpu.memref_squeeze %dma_wait3A_252 : memref<1x64x128xf32, #tpu.memory_space<hbm>> -> memref<64x128xf32, #tpu.memory_space<hbm>>
      %dma_wait3A_254 = arith.constant 0 : i32
      %dma_wait3A_255 = tpu.memref_slice %arg7[%arg0, %add3A_230, %dma_wait3A_254] : memref<2x10240x128xf32, #tpu.memory_space<hbm>> -> memref<1x64x128xf32, #tpu.memory_space<hbm>>
      %dma_wait3A_256 = tpu.memref_squeeze %dma_wait3A_255 : memref<1x64x128xf32, #tpu.memory_space<hbm>> -> memref<64x128xf32, #tpu.memory_space<hbm>>
      tpu.wait_dma2 semaphore(%run_scoped3A : memref<!tpu.dma_semaphore, #tpu.memory_space<semaphore_mem>>) src(%arg12 : memref<64x128xf32, #tpu.memory_space<vmem>>) dst(%dma_wait3A_256 : memref<64x128xf32, #tpu.memory_space<hbm>>)
      tpu.yield
    }) : () -> ()
    %mul3A_231 = arith.constant 640 : i32
    %mul3A_232 = arith.muli %arg1, %mul3A_231 : i32
    %add3A_233 = arith.constant 576 : i32
    %add3A_234 = arith.addi %mul3A_232, %add3A_233 : i32
    "tpu.region"() ({
      %run_scoped3A = tpu.sem_alloc : memref<!tpu.dma_semaphore, #tpu.memory_space<semaphore_mem>>
      %dma_start3A_245 = tpu.memref_slice %arg5[%add3A_234] : memref<10240xi32, #tpu.memory_space<hbm>> -> memref<64xi32, #tpu.memory_space<hbm>>
      %dma_start3A_246 = tpu.memref_slice %arg5[%add3A_234] : memref<10240xi32, #tpu.memory_space<hbm>> -> memref<64xi32, #tpu.memory_space<hbm>>
      tpu.enqueue_dma source(%dma_start3A_246 : memref<64xi32, #tpu.memory_space<hbm>>) target(%arg10 : memref<64xi32, #tpu.memory_space<vmem>>) target_semaphore(%run_scoped3A : memref<!tpu.dma_semaphore, #tpu.memory_space<semaphore_mem>>)
      %dma_wait3A_247 = tpu.memref_slice %arg5[%add3A_234] : memref<10240xi32, #tpu.memory_space<hbm>> -> memref<64xi32, #tpu.memory_space<hbm>>
      %dma_wait3A_248 = tpu.memref_slice %arg5[%add3A_234] : memref<10240xi32, #tpu.memory_space<hbm>> -> memref<64xi32, #tpu.memory_space<hbm>>
      tpu.wait_dma2 semaphore(%run_scoped3A : memref<!tpu.dma_semaphore, #tpu.memory_space<semaphore_mem>>) src(%dma_wait3A_248 : memref<64xi32, #tpu.memory_space<hbm>>) dst(%arg10 : memref<64xi32, #tpu.memory_space<vmem>>)
      tpu.yield
    }) : () -> ()
    %dma_start3A_235 = arith.constant 0 : i32
    %dma_start3A_236 = arith.constant 0 : i32
    %dma_start3A_237 = tpu.memref_slice %arg14[%dma_start3A_235, %dma_start3A_236] : memref<10240x128xf32, #tpu.memory_space<vmem_shared>> -> memref<10240x128xf32, #tpu.memory_space<vmem_shared>>
    tpu.enqueue_indirect_dma source(%dma_start3A_237 : memref<10240x128xf32, #tpu.memory_space<vmem_shared>>) target(%arg12 : memref<64x128xf32, #tpu.memory_space<vmem>>) offsets(%arg10 : memref<64xi32, #tpu.memory_space<vmem>>) semaphore(%arg15 : memref<!tpu.dma_semaphore, #tpu.memory_space<semaphore_mem>>)
    %dma_wait3A_238 = arith.constant 0 : i32
    %dma_wait3A_239 = arith.constant 0 : i32
    %dma_wait3A_240 = tpu.memref_slice %arg14[%dma_wait3A_238, %dma_wait3A_239] : memref<10240x128xf32, #tpu.memory_space<vmem_shared>> -> memref<10240x128xf32, #tpu.memory_space<vmem_shared>>
    tpu.wait_indirect_dma semaphore(%arg15 : memref<!tpu.dma_semaphore, #tpu.memory_space<semaphore_mem>>) src(%dma_wait3A_240 : memref<10240x128xf32, #tpu.memory_space<vmem_shared>>) dst(%arg12 : memref<64x128xf32, #tpu.memory_space<vmem>>)
    %mul3A_241 = arith.constant 640 : i32
    %mul3A_242 = arith.muli %arg1, %mul3A_241 : i32
    %add3A_243 = arith.constant 576 : i32
    %add3A_244 = arith.addi %mul3A_242, %add3A_243 : i32
    "tpu.region"() ({
      %run_scoped3A = tpu.sem_alloc : memref<!tpu.dma_semaphore, #tpu.memory_space<semaphore_mem>>
      %dma_start3A_245 = arith.constant 0 : i32
      %dma_start3A_246 = tpu.memref_slice %arg7[%arg0, %add3A_244, %dma_start3A_245] : memref<2x10240x128xf32, #tpu.memory_space<hbm>> -> memref<1x64x128xf32, #tpu.memory_space<hbm>>
      %dma_start3A_247 = tpu.memref_squeeze %dma_start3A_246 : memref<1x64x128xf32, #tpu.memory_space<hbm>> -> memref<64x128xf32, #tpu.memory_space<hbm>>
      %dma_start3A_248 = arith.constant 0 : i32
      %dma_start3A_249 = tpu.memref_slice %arg7[%arg0, %add3A_244, %dma_start3A_248] : memref<2x10240x128xf32, #tpu.memory_space<hbm>> -> memref<1x64x128xf32, #tpu.memory_space<hbm>>
      %dma_start3A_250 = tpu.memref_squeeze %dma_start3A_249 : memref<1x64x128xf32, #tpu.memory_space<hbm>> -> memref<64x128xf32, #tpu.memory_space<hbm>>
      tpu.enqueue_dma source(%arg12 : memref<64x128xf32, #tpu.memory_space<vmem>>) target(%dma_start3A_250 : memref<64x128xf32, #tpu.memory_space<hbm>>) target_semaphore(%run_scoped3A : memref<!tpu.dma_semaphore, #tpu.memory_space<semaphore_mem>>)
      %dma_wait3A_251 = arith.constant 0 : i32
      %dma_wait3A_252 = tpu.memref_slice %arg7[%arg0, %add3A_244, %dma_wait3A_251] : memref<2x10240x128xf32, #tpu.memory_space<hbm>> -> memref<1x64x128xf32, #tpu.memory_space<hbm>>
      %dma_wait3A_253 = tpu.memref_squeeze %dma_wait3A_252 : memref<1x64x128xf32, #tpu.memory_space<hbm>> -> memref<64x128xf32, #tpu.memory_space<hbm>>
      %dma_wait3A_254 = arith.constant 0 : i32
      %dma_wait3A_255 = tpu.memref_slice %arg7[%arg0, %add3A_244, %dma_wait3A_254] : memref<2x10240x128xf32, #tpu.memory_space<hbm>> -> memref<1x64x128xf32, #tpu.memory_space<hbm>>
      %dma_wait3A_256 = tpu.memref_squeeze %dma_wait3A_255 : memref<1x64x128xf32, #tpu.memory_space<hbm>> -> memref<64x128xf32, #tpu.memory_space<hbm>>
      tpu.wait_dma2 semaphore(%run_scoped3A : memref<!tpu.dma_semaphore, #tpu.memory_space<semaphore_mem>>) src(%arg12 : memref<64x128xf32, #tpu.memory_space<vmem>>) dst(%dma_wait3A_256 : memref<64x128xf32, #tpu.memory_space<hbm>>)
      tpu.yield
    }) : () -> ()
    return
  }
}

#map = affine_map<(d0, d1) -> (0)>
#map1 = affine_map<(d0, d1) -> (0, 0)>
#map2 = affine_map<(d0, d1) -> (0, 0, 0)>
module attributes {stable_mosaic.version = 14 : i64} {
  func.func @_count_body(%arg0: i32, %arg1: i32, %arg2: memref<327680xi32, #tpu.memory_space<hbm>>, %arg3: memref<40x256xf32, #tpu.memory_space<hbm>>, %arg4: memref<32x40x256xf32, #tpu.memory_space<hbm>>, %arg5: memref<10240xi32, #tpu.memory_space<vmem>>, %arg6: memref<40x256xf32, #tpu.memory_space<vmem>>) attributes {dimension_semantics = [#tpu.dimension_semantics<core_parallel>, #tpu.dimension_semantics<subcore_parallel>], iteration_bounds = array<i64: 2, 16>, scalar_prefetch = 0 : i64, scratch_operands = 2 : i64, tpu.core_type = #tpu.core_type<sc_vector_subcore>, window_params = [{transform_indices = #map}, {transform_indices = #map1}, {transform_indices = #map2}]} {
    %mul3A = arith.constant 2 : i32
    %mul3A_0 = arith.muli %arg1, %mul3A : i32
    %add3A = arith.addi %mul3A_0, %arg0 : i32
    "tpu.region"() ({
      %run_scoped3A = tpu.sem_alloc : memref<!tpu.dma_semaphore, #tpu.memory_space<semaphore_mem>>
      tpu.enqueue_dma source(%arg3 : memref<40x256xf32, #tpu.memory_space<hbm>>) target(%arg6 : memref<40x256xf32, #tpu.memory_space<vmem>>) target_semaphore(%run_scoped3A : memref<!tpu.dma_semaphore, #tpu.memory_space<semaphore_mem>>)
      tpu.wait_dma2 semaphore(%run_scoped3A : memref<!tpu.dma_semaphore, #tpu.memory_space<semaphore_mem>>) src(%arg3 : memref<40x256xf32, #tpu.memory_space<hbm>>) dst(%arg6 : memref<40x256xf32, #tpu.memory_space<vmem>>)
      tpu.yield
    }) : () -> ()
    %mul3A_1 = arith.constant 10240 : i32
    %mul3A_2 = arith.muli %add3A, %mul3A_1 : i32
    "tpu.region"() ({
      %run_scoped3A = tpu.sem_alloc : memref<!tpu.dma_semaphore, #tpu.memory_space<semaphore_mem>>
      %dma_start3A = tpu.memref_slice %arg2[%mul3A_2] : memref<327680xi32, #tpu.memory_space<hbm>> -> memref<10240xi32, #tpu.memory_space<hbm>>
      %dma_start3A_9 = tpu.memref_slice %arg2[%mul3A_2] : memref<327680xi32, #tpu.memory_space<hbm>> -> memref<10240xi32, #tpu.memory_space<hbm>>
      tpu.enqueue_dma source(%dma_start3A_9 : memref<10240xi32, #tpu.memory_space<hbm>>) target(%arg5 : memref<10240xi32, #tpu.memory_space<vmem>>) target_semaphore(%run_scoped3A : memref<!tpu.dma_semaphore, #tpu.memory_space<semaphore_mem>>)
      %dma_wait3A = tpu.memref_slice %arg2[%mul3A_2] : memref<327680xi32, #tpu.memory_space<hbm>> -> memref<10240xi32, #tpu.memory_space<hbm>>
      %dma_wait3A_10 = tpu.memref_slice %arg2[%mul3A_2] : memref<327680xi32, #tpu.memory_space<hbm>> -> memref<10240xi32, #tpu.memory_space<hbm>>
      tpu.wait_dma2 semaphore(%run_scoped3A : memref<!tpu.dma_semaphore, #tpu.memory_space<semaphore_mem>>) src(%dma_wait3A_10 : memref<10240xi32, #tpu.memory_space<hbm>>) dst(%arg5 : memref<10240xi32, #tpu.memory_space<vmem>>)
      tpu.yield
    }) : () -> ()
    %broadcast_in_dim3A = arith.constant 1.000000e+00 : f32
    %broadcast_in_dim3A_3 = vector.broadcast %broadcast_in_dim3A : f32 to vector<16xf32>
    %scan3A = arith.constant 0 : i32
    %scan3A_4 = arith.constant 0 : i32
    %scan3A_5 = arith.constant 80 : i32
    %scan3A_6 = arith.addi %scan3A_4, %scan3A_5 : i32
    %scan3A_7 = arith.constant 1 : i32
    scf.for %scan3A_9 = %scan3A_4 to %scan3A_6 step %scan3A_7  : i32 {
      %mul3A_10 = arith.constant 128 : i32
      %mul3A_11 = arith.muli %scan3A_9, %mul3A_10 : i32
      %add3A_12 = arith.constant 0 : i32
      %add3A_13 = arith.addi %mul3A_11, %add3A_12 : i32
      %get3A = arith.index_cast %add3A_13 : i32 to index
      %get3A_14 = tpu.vector_load %arg5[%get3A] {strides = array<i32>} : memref<10240xi32, #tpu.memory_space<vmem>>, vector<16xi32>,
      %shift_right_logical3A = arith.constant 8 : i32
      %shift_right_logical3A_15 = vector.broadcast %shift_right_logical3A : i32 to vector<16xi32>
      %shift_right_logical3A_16 = arith.shrui %get3A_14, %shift_right_logical3A_15 : vector<16xi32>
      %and3A = arith.constant 255 : i32
      %and3A_17 = vector.broadcast %and3A : i32 to vector<16xi32>
      %and3A_18 = arith.andi %get3A_14, %and3A_17 : vector<16xi32>
      tpu.vector_store_idx %arg6[%shift_right_logical3A_16, %and3A_18], %broadcast_in_dim3A_3 {add = true} : memref<40x256xf32, #tpu.memory_space<vmem>>[vector<16xi32>, vector<16xi32>], vector<16xf32>,
      %add3A_19 = arith.constant 16 : i32
      %add3A_20 = arith.addi %mul3A_11, %add3A_19 : i32
      %get3A_21 = arith.index_cast %add3A_20 : i32 to index
      %get3A_22 = tpu.vector_load %arg5[%get3A_21] {strides = array<i32>} : memref<10240xi32, #tpu.memory_space<vmem>>, vector<16xi32>,
      %shift_right_logical3A_23 = arith.constant 8 : i32
      %shift_right_logical3A_24 = vector.broadcast %shift_right_logical3A_23 : i32 to vector<16xi32>
      %shift_right_logical3A_25 = arith.shrui %get3A_22, %shift_right_logical3A_24 : vector<16xi32>
      %and3A_26 = arith.constant 255 : i32
      %and3A_27 = vector.broadcast %and3A_26 : i32 to vector<16xi32>
      %and3A_28 = arith.andi %get3A_22, %and3A_27 : vector<16xi32>
      tpu.vector_store_idx %arg6[%shift_right_logical3A_25, %and3A_28], %broadcast_in_dim3A_3 {add = true} : memref<40x256xf32, #tpu.memory_space<vmem>>[vector<16xi32>, vector<16xi32>], vector<16xf32>,
      %add3A_29 = arith.constant 32 : i32
      %add3A_30 = arith.addi %mul3A_11, %add3A_29 : i32
      %get3A_31 = arith.index_cast %add3A_30 : i32 to index
      %get3A_32 = tpu.vector_load %arg5[%get3A_31] {strides = array<i32>} : memref<10240xi32, #tpu.memory_space<vmem>>, vector<16xi32>,
      %shift_right_logical3A_33 = arith.constant 8 : i32
      %shift_right_logical3A_34 = vector.broadcast %shift_right_logical3A_33 : i32 to vector<16xi32>
      %shift_right_logical3A_35 = arith.shrui %get3A_32, %shift_right_logical3A_34 : vector<16xi32>
      %and3A_36 = arith.constant 255 : i32
      %and3A_37 = vector.broadcast %and3A_36 : i32 to vector<16xi32>
      %and3A_38 = arith.andi %get3A_32, %and3A_37 : vector<16xi32>
      tpu.vector_store_idx %arg6[%shift_right_logical3A_35, %and3A_38], %broadcast_in_dim3A_3 {add = true} : memref<40x256xf32, #tpu.memory_space<vmem>>[vector<16xi32>, vector<16xi32>], vector<16xf32>,
      %add3A_39 = arith.constant 48 : i32
      %add3A_40 = arith.addi %mul3A_11, %add3A_39 : i32
      %get3A_41 = arith.index_cast %add3A_40 : i32 to index
      %get3A_42 = tpu.vector_load %arg5[%get3A_41] {strides = array<i32>} : memref<10240xi32, #tpu.memory_space<vmem>>, vector<16xi32>,
      %shift_right_logical3A_43 = arith.constant 8 : i32
      %shift_right_logical3A_44 = vector.broadcast %shift_right_logical3A_43 : i32 to vector<16xi32>
      %shift_right_logical3A_45 = arith.shrui %get3A_42, %shift_right_logical3A_44 : vector<16xi32>
      %and3A_46 = arith.constant 255 : i32
      %and3A_47 = vector.broadcast %and3A_46 : i32 to vector<16xi32>
      %and3A_48 = arith.andi %get3A_42, %and3A_47 : vector<16xi32>
      tpu.vector_store_idx %arg6[%shift_right_logical3A_45, %and3A_48], %broadcast_in_dim3A_3 {add = true} : memref<40x256xf32, #tpu.memory_space<vmem>>[vector<16xi32>, vector<16xi32>], vector<16xf32>,
      %add3A_49 = arith.constant 64 : i32
      %add3A_50 = arith.addi %mul3A_11, %add3A_49 : i32
      %get3A_51 = arith.index_cast %add3A_50 : i32 to index
      %get3A_52 = tpu.vector_load %arg5[%get3A_51] {strides = array<i32>} : memref<10240xi32, #tpu.memory_space<vmem>>, vector<16xi32>,
      %shift_right_logical3A_53 = arith.constant 8 : i32
      %shift_right_logical3A_54 = vector.broadcast %shift_right_logical3A_53 : i32 to vector<16xi32>
      %shift_right_logical3A_55 = arith.shrui %get3A_52, %shift_right_logical3A_54 : vector<16xi32>
      %and3A_56 = arith.constant 255 : i32
      %and3A_57 = vector.broadcast %and3A_56 : i32 to vector<16xi32>
      %and3A_58 = arith.andi %get3A_52, %and3A_57 : vector<16xi32>
      tpu.vector_store_idx %arg6[%shift_right_logical3A_55, %and3A_58], %broadcast_in_dim3A_3 {add = true} : memref<40x256xf32, #tpu.memory_space<vmem>>[vector<16xi32>, vector<16xi32>], vector<16xf32>,
      %add3A_59 = arith.constant 80 : i32
      %add3A_60 = arith.addi %mul3A_11, %add3A_59 : i32
      %get3A_61 = arith.index_cast %add3A_60 : i32 to index
      %get3A_62 = tpu.vector_load %arg5[%get3A_61] {strides = array<i32>} : memref<10240xi32, #tpu.memory_space<vmem>>, vector<16xi32>,
      %shift_right_logical3A_63 = arith.constant 8 : i32
      %shift_right_logical3A_64 = vector.broadcast %shift_right_logical3A_63 : i32 to vector<16xi32>
      %shift_right_logical3A_65 = arith.shrui %get3A_62, %shift_right_logical3A_64 : vector<16xi32>
      %and3A_66 = arith.constant 255 : i32
      %and3A_67 = vector.broadcast %and3A_66 : i32 to vector<16xi32>
      %and3A_68 = arith.andi %get3A_62, %and3A_67 : vector<16xi32>
      tpu.vector_store_idx %arg6[%shift_right_logical3A_65, %and3A_68], %broadcast_in_dim3A_3 {add = true} : memref<40x256xf32, #tpu.memory_space<vmem>>[vector<16xi32>, vector<16xi32>], vector<16xf32>,
      %add3A_69 = arith.constant 96 : i32
      %add3A_70 = arith.addi %mul3A_11, %add3A_69 : i32
      %get3A_71 = arith.index_cast %add3A_70 : i32 to index
      %get3A_72 = tpu.vector_load %arg5[%get3A_71] {strides = array<i32>} : memref<10240xi32, #tpu.memory_space<vmem>>, vector<16xi32>,
      %shift_right_logical3A_73 = arith.constant 8 : i32
      %shift_right_logical3A_74 = vector.broadcast %shift_right_logical3A_73 : i32 to vector<16xi32>
      %shift_right_logical3A_75 = arith.shrui %get3A_72, %shift_right_logical3A_74 : vector<16xi32>
      %and3A_76 = arith.constant 255 : i32
      %and3A_77 = vector.broadcast %and3A_76 : i32 to vector<16xi32>
      %and3A_78 = arith.andi %get3A_72, %and3A_77 : vector<16xi32>
      tpu.vector_store_idx %arg6[%shift_right_logical3A_75, %and3A_78], %broadcast_in_dim3A_3 {add = true} : memref<40x256xf32, #tpu.memory_space<vmem>>[vector<16xi32>, vector<16xi32>], vector<16xf32>,
      %add3A_79 = arith.constant 112 : i32
      %add3A_80 = arith.addi %mul3A_11, %add3A_79 : i32
      %get3A_81 = arith.index_cast %add3A_80 : i32 to index
      %get3A_82 = tpu.vector_load %arg5[%get3A_81] {strides = array<i32>} : memref<10240xi32, #tpu.memory_space<vmem>>, vector<16xi32>,
      %shift_right_logical3A_83 = arith.constant 8 : i32
      %shift_right_logical3A_84 = vector.broadcast %shift_right_logical3A_83 : i32 to vector<16xi32>
      %shift_right_logical3A_85 = arith.shrui %get3A_82, %shift_right_logical3A_84 : vector<16xi32>
      %and3A_86 = arith.constant 255 : i32
      %and3A_87 = vector.broadcast %and3A_86 : i32 to vector<16xi32>
      %and3A_88 = arith.andi %get3A_82, %and3A_87 : vector<16xi32>
      tpu.vector_store_idx %arg6[%shift_right_logical3A_85, %and3A_88], %broadcast_in_dim3A_3 {add = true} : memref<40x256xf32, #tpu.memory_space<vmem>>[vector<16xi32>, vector<16xi32>], vector<16xf32>,
    }
    %scan3A_8 = arith.constant 80 : i32
    "tpu.region"() ({
      %run_scoped3A = tpu.sem_alloc : memref<!tpu.dma_semaphore, #tpu.memory_space<semaphore_mem>>
      %dma_start3A = arith.constant 0 : i32
      %dma_start3A_9 = arith.constant 0 : i32
      %dma_start3A_10 = tpu.memref_slice %arg4[%add3A, %dma_start3A, %dma_start3A_9] : memref<32x40x256xf32, #tpu.memory_space<hbm>> -> memref<1x40x256xf32, #tpu.memory_space<hbm>>
      %dma_start3A_11 = tpu.memref_squeeze %dma_start3A_10 : memref<1x40x256xf32, #tpu.memory_space<hbm>> -> memref<40x256xf32, #tpu.memory_space<hbm>>
      %dma_start3A_12 = arith.constant 0 : i32
      %dma_start3A_13 = arith.constant 0 : i32
      %dma_start3A_14 = tpu.memref_slice %arg4[%add3A, %dma_start3A_12, %dma_start3A_13] : memref<32x40x256xf32, #tpu.memory_space<hbm>> -> memref<1x40x256xf32, #tpu.memory_space<hbm>>
      %dma_start3A_15 = tpu.memref_squeeze %dma_start3A_14 : memref<1x40x256xf32, #tpu.memory_space<hbm>> -> memref<40x256xf32, #tpu.memory_space<hbm>>
      tpu.enqueue_dma source(%arg6 : memref<40x256xf32, #tpu.memory_space<vmem>>) target(%dma_start3A_15 : memref<40x256xf32, #tpu.memory_space<hbm>>) target_semaphore(%run_scoped3A : memref<!tpu.dma_semaphore, #tpu.memory_space<semaphore_mem>>)
      %dma_wait3A = arith.constant 0 : i32
      %dma_wait3A_16 = arith.constant 0 : i32
      %dma_wait3A_17 = tpu.memref_slice %arg4[%add3A, %dma_wait3A, %dma_wait3A_16] : memref<32x40x256xf32, #tpu.memory_space<hbm>> -> memref<1x40x256xf32, #tpu.memory_space<hbm>>
      %dma_wait3A_18 = tpu.memref_squeeze %dma_wait3A_17 : memref<1x40x256xf32, #tpu.memory_space<hbm>> -> memref<40x256xf32, #tpu.memory_space<hbm>>
      %dma_wait3A_19 = arith.constant 0 : i32
      %dma_wait3A_20 = arith.constant 0 : i32
      %dma_wait3A_21 = tpu.memref_slice %arg4[%add3A, %dma_wait3A_19, %dma_wait3A_20] : memref<32x40x256xf32, #tpu.memory_space<hbm>> -> memref<1x40x256xf32, #tpu.memory_space<hbm>>
      %dma_wait3A_22 = tpu.memref_squeeze %dma_wait3A_21 : memref<1x40x256xf32, #tpu.memory_space<hbm>> -> memref<40x256xf32, #tpu.memory_space<hbm>>
      tpu.wait_dma2 semaphore(%run_scoped3A : memref<!tpu.dma_semaphore, #tpu.memory_space<semaphore_mem>>) src(%arg6 : memref<40x256xf32, #tpu.memory_space<vmem>>) dst(%dma_wait3A_22 : memref<40x256xf32, #tpu.memory_space<hbm>>)
      tpu.yield
    }) : () -> ()
    return
  }
}

module attributes {stable_mosaic.version = 14 : i64} {
  func.func @_mm_body(%arg0: i32, %arg1: i32, %arg2: memref<512x128xf32, #tpu.memory_space<vmem>>, %arg3: memref<1x128x128xf32, #tpu.memory_space<vmem>>, %arg4: memref<1x512x128xf32, #tpu.memory_space<vmem>>) attributes {dimension_semantics = [#tpu.dimension_semantics<arbitrary>, #tpu.dimension_semantics<arbitrary>], iteration_bounds = array<i64: 8, 20>, scalar_prefetch = 0 : i64, scratch_operands = 0 : i64, tpu.core_type = #tpu.core_type<tc>, window_params = [{transform_indices = @transform_0, window_bounds = array<i64: 512, 128>}, {transform_indices = @transform_1, window_bounds = array<i64: 1, 128, 128>}, {transform_indices = @transform_2, window_bounds = array<i64: 1, 512, 128>}]} {
    %get3A = arith.constant 0 : index
    %get3A_0 = arith.constant 0 : index
    %get3A_1 = vector.load %arg2[%get3A, %get3A_0] : memref<512x128xf32, #tpu.memory_space<vmem>>, vector<512x128xf32>
    %get3A_2 = arith.constant 0 : index
    %get3A_3 = arith.constant 0 : index
    %get3A_4 = arith.constant 0 : index
    %get3A_5 = vector.load %arg3[%get3A_2, %get3A_3, %get3A_4] : memref<1x128x128xf32, #tpu.memory_space<vmem>>, vector<1x128x128xf32>
    %get3A_6 = vector.shape_cast %get3A_5 : vector<1x128x128xf32> to vector<128x128xf32>
    %dot_general3A = arith.constant dense<0.000000e+00> : vector<512x128xf32>
    %dot_general3A_7 = tpu.matmul %get3A_1, %get3A_6, %dot_general3A {dimension_numbers = #tpu.dot_dimension_numbers<[1], [0], [0], [1], [0, 0, 1, 1], [], []>, transpose_lhs_hint = false} : vector<512x128xf32>, vector<128x128xf32>, vector<512x128xf32> -> vector<512x128xf32>
    %swap3A = arith.constant 0 : index
    %swap3A_8 = arith.constant 0 : index
    %swap3A_9 = arith.constant 0 : index
    %swap3A_10 = vector.load %arg4[%swap3A, %swap3A_8, %swap3A_9] : memref<1x512x128xf32, #tpu.memory_space<vmem>>, vector<1x512x128xf32>
    %swap3A_11 = vector.shape_cast %swap3A_10 : vector<1x512x128xf32> to vector<512x128xf32>
    %swap3A_12 = vector.shape_cast %dot_general3A_7 : vector<512x128xf32> to vector<1x512x128xf32>
    tpu.vector_store %arg4[%swap3A, %swap3A_8, %swap3A_9], %swap3A_12 {strides = array<i32>} : memref<1x512x128xf32, #tpu.memory_space<vmem>>, vector<1x512x128xf32>,
    return
  }
  func.func @transform_0(%arg0: i32, %arg1: i32) -> (i32, i32) {
    %c0_i32 = arith.constant 0 : i32
    %c0_i32_0 = arith.constant 0 : i32
    return %arg1, %c0_i32 : i32, i32
  }
  func.func @transform_1(%arg0: i32, %arg1: i32) -> (i32, i32, i32) {
    %c0_i32 = arith.constant 0 : i32
    %c0_i32_0 = arith.constant 0 : i32
    %c0_i32_1 = arith.constant 0 : i32
    return %arg0, %c0_i32, %c0_i32_0 : i32, i32, i32
  }
  func.func @transform_2(%arg0: i32, %arg1: i32) -> (i32, i32, i32) {
    %c0_i32 = arith.constant 0 : i32
    %c0_i32_0 = arith.constant 0 : i32
    return %arg0, %arg1, %c0_i32 : i32, i32, i32
  }
}

module attributes {stable_mosaic.version = 14 : i64} {
  func.func @_fin_body(%arg0: i32, %arg1: memref<2x400x128xf32, #tpu.memory_space<vmem>>, %arg2: memref<400x32xf32, #tpu.memory_space<vmem>>, %arg3: memref<128x128xf32, #tpu.memory_space<vmem>>, %arg4: memref<1x128xf32, #tpu.memory_space<vmem>>, %arg5: memref<400x128xf32, #tpu.memory_space<vmem>>) attributes {dimension_semantics = [#tpu.dimension_semantics<arbitrary>], iteration_bounds = array<i64: 25>, scalar_prefetch = 0 : i64, scratch_operands = 0 : i64, tpu.core_type = #tpu.core_type<tc>, window_params = [{transform_indices = @transform_0, window_bounds = array<i64: 2, 400, 128>}, {transform_indices = @transform_1, window_bounds = array<i64: 400, 32>}, {pipeline_mode = #tpu.pipeline_mode<synchronous>, transform_indices = @transform_2, window_bounds = array<i64: 128, 128>}, {pipeline_mode = #tpu.pipeline_mode<synchronous>, transform_indices = @transform_3, window_bounds = array<i64: 1, 128>}, {transform_indices = @transform_4, window_bounds = array<i64: 400, 128>}]} {
    %get3A = arith.constant 0 : index
    %get3A_0 = arith.constant 0 : index
    %get3A_1 = arith.constant 0 : index
    %get3A_2 = vector.load %arg1[%get3A, %get3A_0, %get3A_1] : memref<2x400x128xf32, #tpu.memory_space<vmem>>, vector<1x400x128xf32>
    %get3A_3 = vector.shape_cast %get3A_2 : vector<1x400x128xf32> to vector<400x128xf32>
    %get3A_4 = arith.constant 1 : index
    %get3A_5 = arith.constant 0 : index
    %get3A_6 = arith.constant 0 : index
    %get3A_7 = vector.load %arg1[%get3A_4, %get3A_5, %get3A_6] : memref<2x400x128xf32, #tpu.memory_space<vmem>>, vector<1x400x128xf32>
    %get3A_8 = vector.shape_cast %get3A_7 : vector<1x400x128xf32> to vector<400x128xf32>
    %add3A = arith.addf %get3A_3, %get3A_8 : vector<400x128xf32>
    %get3A_9 = arith.constant 0 : index
    %get3A_10 = arith.constant 0 : index
    %get3A_11 = vector.load %arg2[%get3A_9, %get3A_10] : memref<400x32xf32, #tpu.memory_space<vmem>>, vector<400x32xf32>
    %reduce_sum3A = arith.constant dense<0.000000e+00> : vector<400xf32>
    %reduce_sum3A_12 = vector.multi_reduction <add>, %get3A_11, %reduce_sum3A [1] : vector<400x32xf32> to vector<400xf32>
    %broadcast_in_dim3A = vector.shape_cast %reduce_sum3A_12 : vector<400xf32> to vector<400x1xf32>
    %max3A = arith.constant 1.000000e+00 : f32
    %max3A_13 = vector.broadcast %max3A : f32 to vector<400x1xf32>
    %max3A_14 = arith.maximumf %broadcast_in_dim3A, %max3A_13 : vector<400x1xf32>
    %div3A = vector.broadcast %max3A_14 : vector<400x1xf32> to vector<400x128xf32>
    %div3A_15 = arith.divf %add3A, %div3A : vector<400x128xf32>
    %get3A_16 = arith.constant 0 : index
    %get3A_17 = arith.constant 0 : index
    %get3A_18 = vector.load %arg3[%get3A_16, %get3A_17] : memref<128x128xf32, #tpu.memory_space<vmem>>, vector<128x128xf32>
    %dot_general3A = arith.constant dense<0.000000e+00> : vector<400x128xf32>
    %dot_general3A_19 = tpu.matmul %div3A_15, %get3A_18, %dot_general3A {dimension_numbers = #tpu.dot_dimension_numbers<[1], [0], [0], [1], [0, 0, 1, 1], [], []>, transpose_lhs_hint = false} : vector<400x128xf32>, vector<128x128xf32>, vector<400x128xf32> -> vector<400x128xf32>
    %get3A_20 = arith.constant 0 : index
    %get3A_21 = arith.constant 0 : index
    %get3A_22 = vector.load %arg4[%get3A_20, %get3A_21] : memref<1x128xf32, #tpu.memory_space<vmem>>, vector<1x128xf32>
    %add3A_23 = vector.broadcast %get3A_22 : vector<1x128xf32> to vector<400x128xf32>
    %add3A_24 = arith.addf %dot_general3A_19, %add3A_23 : vector<400x128xf32>
    %logistic3A = arith.negf %add3A_24 : vector<400x128xf32>
    %logistic3A_25 = math.exp %logistic3A : vector<400x128xf32>
    %logistic3A_26 = arith.constant 1.000000e+00 : f32
    %logistic3A_27 = vector.broadcast %logistic3A_26 : f32 to vector<400x128xf32>
    %logistic3A_28 = arith.addf %logistic3A_27, %logistic3A_25 : vector<400x128xf32>
    %logistic3A_29 = arith.divf %logistic3A_27, %logistic3A_28 : vector<400x128xf32>
    %swap3A = arith.constant 0 : index
    %swap3A_30 = arith.constant 0 : index
    %swap3A_31 = vector.load %arg5[%swap3A, %swap3A_30] : memref<400x128xf32, #tpu.memory_space<vmem>>, vector<400x128xf32>
    tpu.vector_store %arg5[%swap3A, %swap3A_30], %logistic3A_29 {strides = array<i32>} : memref<400x128xf32, #tpu.memory_space<vmem>>, vector<400x128xf32>,
    return
  }
  func.func @transform_0(%arg0: i32) -> (i32, i32, i32) {
    %c0_i32 = arith.constant 0 : i32
    %c0_i32_0 = arith.constant 0 : i32
    %c0_i32_1 = arith.constant 0 : i32
    return %c0_i32, %arg0, %c0_i32_0 : i32, i32, i32
  }
  func.func @transform_1(%arg0: i32) -> (i32, i32) {
    %c0_i32 = arith.constant 0 : i32
    %c0_i32_0 = arith.constant 0 : i32
    return %arg0, %c0_i32 : i32, i32
  }
  func.func @transform_2(%arg0: i32) -> (i32, i32) {
    %c0_i32 = arith.constant 0 : i32
    %c0_i32_0 = arith.constant 0 : i32
    %c0_i32_1 = arith.constant 0 : i32
    return %c0_i32, %c0_i32_0 : i32, i32
  }
  func.func @transform_3(%arg0: i32) -> (i32, i32) {
    %c0_i32 = arith.constant 0 : i32
    %c0_i32_0 = arith.constant 0 : i32
    %c0_i32_1 = arith.constant 0 : i32
    return %c0_i32, %c0_i32_0 : i32, i32
  }
  func.func @transform_4(%arg0: i32) -> (i32, i32) {
    %c0_i32 = arith.constant 0 : i32
    %c0_i32_0 = arith.constant 0 : i32
    return %arg0, %c0_i32 : i32, i32
  }
}

</mosaic_0001>

<sc_bundles>
// kernel: kernel.10.cloned.1.call-start
scs
__scs_entry_jumppad:
0x0: {  	(pc) =	sbr.rel $0x88, $3  }
0x1: {  	(tag) =	ssettag $0x0;
	lr =	simm.s32 $0x1  }
0x2: {  	[smem:$0x3F9A] =	sst lr;
	_ =	strace $0xD0000000  }
0x3: {  	_ = 	snop  }
0x4: {  	_ = 	snop  }
0x5: {  	_ = 	snop  }
0x6: {  	_ = 	snop  }
0x7: {  	_ = 	snop  }
__scs_overlays_trampoline_lowered:
0x8: {  	[smem:$0x3FA9] =	sst s0  }
0x9: {  	[smem:$0x3FAA] =	sst s1  }
0xa: {  	[smem:$0x3FAB] =	sst s2  }
0xb: {  	[smem:$0x3FAC] =	sst s3  }
0xc: {  	[smem:$0x3FAD] =	sst s4  }
0xd: {  	[smem:$0x3FAE] =	sst s5  }
0xe: {  	[smem:$0x3FAF] =	sst s6  }
0xf: {  	[smem:$0x3FB0] =	sst s7  }
0x10: {  	[smem:$0x3FB1] =	sst s8  }
0x11: {  	[smem:$0x3FB2] =	sst s9;
	s0 =	simm.s32 @!p0 $0x0  }
0x12: {  	s1 =	sld [smem:$0x3F98];
	s0 =	simm.s32 @p0 $0x1  }
0x13: {  	[smem:$0x3FB3] =	sst s0;
	s0 =	simm.s32 @!p1 $0x0  }
0x14: {  	s2 =	sld [smem:$0x3F97];
	s0 =	simm.s32 @p1 $0x1  }
0x15: {  	[smem:$0x3FB4] =	sst s0;
	s0 =	simm.s32 @!p2 $0x0  }
0x16: {  	s3 =	sld [smem:$0x3FDB];
	s0 =	simm.s32 @p2 $0x1  }
0x17: {  	s4 =	simm.s32 $0x1BF5;
	[smem:$0x3FB6] =	sst s0  }
0x18: {  	s0 =	sld [smem:$0x3F99];
	_ =	swait.ge [sflag:s4], $0x0  }
0x19: {  	s7 =	sld [smem:$0x3F9A]  }
0x1a: {  	s8 =	sadd.s32 $0xFFFFE003, lr  }
0x1b: {  	s9 =	sadd.s32 $0xFFFFFEF7, lr;
	s5 =	simm.s32 $0xFFFFFFFF;
	p2 =	slt.u32 s8, $0xFFFFF086  }
0x1c: {  	p1 =	slt.u32 s9, $0xF7A;
	s5 =	simm.s32 @!p2 $0x0  }
0x1d: {  	s5 =	simm.s32 @p1 $0x1;
	p0 =	seq.s32 s7, s2  }
0x1e: {  	s7 =	smul.u32 @!p0 $0xF7A, s2;
	p2 =	seq.s32 @!p0 s5, $0x0  }
0x1f: {  	s9 =	smul.u32 $0xF7A, s1;
	s8 =	simm.s32 @!p0 $0x1BF5;
	p2 =	por !p2, p0  }
0x20: {  	[sflag:s8] =	ssyncset.s32 @!p0 $0xFFFFF086;
	s6 =	sadd.s32 @!p0 s3, s7;
	s7 =	simm.s32 @!p0 $0x108  }
0x21: {  	s3 =	sadd.s32 s3, s9;
	s6 =	sadd.s32 @!p0 $0x88, s6;
	s7 =	simm.s32 @p2 $0x1082  }
0x22: {  	[simem:s7], [sflag:s8] =	dma.local @!p0 [hbm:s6], $0xF7A  }
0x23: {  	s9 =	sor.u32 $0xD0000000, s2;
	s6 =	simm.s32 $0x108;
	_ =	swait.ge @!p0 [sflag:s8], $0x0  }
0x24: {  	s3 =	sadd.s32 $0x88, s3;
	s6 =	simm.s32 @!p1 $0x1082;
	[sflag:s4] =	ssyncset.s32 $0xFFFFF086  }
0x25: {  	[simem:s6], [sflag:s4] =	dma.local [hbm:s3], $0xF7A  }
0x26: {  	[smem:$0x3F9A] =	sst s1;
	(tag) =	ssettag s2;
	_ =	strace s9  }
0x27: {  	s1 =	sld [smem:$0x3FAA]  }
0x28: {  	s2 =	sld [smem:$0x3FAB]  }
0x29: {  	s4 =	sld [smem:$0x3FAD]  }
0x2a: {  	p0 =	seq.s32 s5, $0x0;
	s5 =	sld [smem:$0x3FAE]  }
0x2b: {  	s6 =	sld [smem:$0x3FAF]  }
0x2c: {  	s7 =	sld [smem:$0x3FB0]  }
0x2d: {  	s3 =	simm.s32 $0x108;
	s8 =	sld [smem:$0x3FB1]  }
0x2e: {  	s3 =	simm.s32 @!p0 $0x1082;
	s9 =	sld [smem:$0x3FB2]  }
0x2f: {  	lr =	sadd.s32 s0, s3;
	s0 =	sld [smem:$0x3FA9]  }
0x30: {  	s3 =	sld [smem:$0x3FAC]  }
0x31: {  	[smem:$0x3FB5] =	sst s10  }
0x32: {  	s10 =	sld [smem:$0x3FB3];
	_ =	sdelay $0x3  }
0x33: {  	p0 =	seq.s32 s10, $0x1;
	s10 =	sld [smem:$0x3FB5];
	_ =	sdelay $0x3  }
0x34: {  	[smem:$0x3FB5] =	sst s10  }
0x35: {  	s10 =	sld [smem:$0x3FB4];
	_ =	sdelay $0x3  }
0x36: {  	p1 =	seq.s32 s10, $0x1;
	s10 =	sld [smem:$0x3FB5];
	_ =	sdelay $0x3  }
0x37: {  	[smem:$0x3FB5] =	sst s10  }
0x38: {  	s10 =	sld [smem:$0x3FB6]  }
0x39: {  	_ = 	snop;
	(pc) =	sbr.ind lr, $3  }
0x3a: {  	_ = 	snop  }
0x3b: {  	_ = 	snop  }
0x3c: {  	p2 =	seq.s32 s10, $0x1;
	s10 =	sld [smem:$0x3FB5]  }
0x3d: {  	_ =	shalt  }
0x3e: {  	_ =	shalt  }
0x3f: {  	_ =	shalt  }
0x40: {  	_ =	shalt  }
0x41: {  	_ =	shalt  }
0x42: {  	_ =	shalt  }
0x43: {  	_ =	shalt  }
0x44: {  	_ =	shalt  }
0x45: {  	_ =	shalt  }
0x46: {  	_ =	shalt  }
0x47: {  	_ =	shalt  }
0x48: {  	_ =	shalt  }
0x49: {  	_ =	shalt  }
0x4a: {  	_ =	shalt  }
0x4b: {  	_ =	shalt  }
0x4c: {  	_ =	shalt  }
0x4d: {  	_ =	shalt  }
0x4e: {  	_ =	shalt  }
0x4f: {  	_ =	shalt  }
0x50: {  	_ =	shalt  }
0x51: {  	_ =	shalt  }
0x52: {  	_ =	shalt  }
0x53: {  	_ =	shalt  }
0x54: {  	_ =	shalt  }
0x55: {  	_ =	shalt  }
0x56: {  	_ =	shalt  }
0x57: {  	_ =	shalt  }
0x58: {  	_ =	shalt  }
0x59: {  	_ =	shalt  }
0x5a: {  	_ =	shalt  }
0x5b: {  	_ =	shalt  }
0x5c: {  	_ =	shalt  }
0x5d: {  	_ =	shalt  }
0x5e: {  	_ =	shalt  }
0x5f: {  	_ =	shalt  }
0x60: {  	_ =	shalt  }
0x61: {  	_ =	shalt  }
0x62: {  	_ =	shalt  }
0x63: {  	_ =	shalt  }
0x64: {  	_ =	shalt  }
0x65: {  	_ =	shalt  }
0x66: {  	_ =	shalt  }
0x67: {  	_ =	shalt  }
0x68: {  	_ =	shalt  }
0x69: {  	_ =	shalt  }
0x6a: {  	_ =	shalt  }
0x6b: {  	_ =	shalt  }
0x6c: {  	_ =	shalt  }
0x6d: {  	_ =	shalt  }
0x6e: {  	_ =	shalt  }
0x6f: {  	_ =	shalt  }
0x70: {  	_ =	shalt  }
0x71: {  	_ =	shalt  }
0x72: {  	_ =	shalt  }
0x73: {  	_ =	shalt  }
0x74: {  	_ =	shalt  }
0x75: {  	_ =	shalt  }
0x76: {  	_ =	shalt  }
0x77: {  	_ =	shalt  }
0x78: {  	_ =	shalt  }
0x79: {  	_ =	shalt  }
0x7a: {  	_ =	shalt  }
0x7b: {  	_ =	shalt  }
0x7c: {  	_ =	shalt  }
0x7d: {  	_ =	shalt  }
0x7e: {  	_ =	shalt  }
0x7f: {  	_ =	shalt  }
0x80: {  	_ =	shalt  }
0x81: {  	_ =	shalt  }
0x82: {  	_ =	shalt  }
0x83: {  	_ =	shalt  }
0x84: {  	_ =	shalt  }
0x85: {  	_ =	shalt  }
0x86: {  	_ =	shalt  }
0x87: {  	_ =	shalt  }
.Lfunc_end0:
.L_simem_size_0:
called_computation.1_lowered:
.L_overlay_start_0:
0x88: {  	s2 =	sld [smem:$0x3FD9]  }
0x89: {  	s3 =	sld [smem:$0x3FFE];
	_ =	sdelay $0x1  }
0x8a: {  	s1 =	srdreg.scid  }
0x8b: {  	s0 =	sand.u32 $0x1, s1  }
0x8c: {  	s17 =	sshll.u32 s0, $0xA;
	s2 =	sadd.s32 s3, s2  }
0x8d: {  	s2 =	sadd.s32 s2, s17  }
0x8e: {  	[smem:$0x3FC1] =	sst s2  }
0x8f: {  	_ = 	snop  }
0x90: {  	s18 =	sld [smem:$0x3FD0];
	(tm) =	ssettm $0x1  }
0x91: {  	s19 =	sld [smem:$0x3FFB];
	_ =	sdelay $0x3  }
0x92: {  	_ =	strace s19  }
0x93: {  	s2 =	sld [smem:$0x3FFC];
	_ =	sdelay $0x3  }
0x94: {  	_ =	strace s2  }
0x95: {  	s2 =	sld [smem:$0x3FFD];
	_ =	sdelay $0x3  }
0x96: {  	_ =	strace s2  }
0x97: {  	_ =	strace $0x8FFFFFFF  }
0x98: {  	s20 =	sld [smem:$0x3FDB];
	_ =	sdelay $0x1  }
0x99: {  	s4 =	simm.s32 $_scs_section_size  }
0x9a: {  	s5 =	simm.s32 $_size__tile_overlayer_lowered;
	s6 =	simm.s32 $_tile_overlayer_lowered  }
0x9b: {  	s7 =	simm.s32 $0x1BFF;
	s21 =	sshll.u32 s6, $0x1;
	s4 =	sadd.s32 s4, s20  }
0x9c: {  	s22 =	simm.s32 $0x0;
	s5 =	sshll.u32 s5, $0x1;
	s6 =	sadd.s32 s21, s4  }
0x9d: {  	[timem:s22], [sflag:s7] =	dma.local [hbm:s6], s5  }
0x9e: {  	_ =	swait.ge [sflag:s7], s5  }
0x9f: {  	s5 =	ssub.s32 $0x0, s5;
	[sflag:s7] =	ssyncset.done $0x0  }
0xa0: {  	[sflag:s7] =	ssyncadd.s32 s5;
	_ =	sdelay $0x1  }
0xa1: {  	s23 =	simm.s32 $0x1B8B  }
0xa2: {  	_ =	swait.ge [sflag:s23], $0x1  }
0xa3: {  	[sflag:s23] =	ssyncset.done $0x0  }
0xa4: {  	[sflag:s23] =	ssyncadd.s32 $0xFFFFFFFF  }
0xa5: {  	s5 =	sld [smem:$0x0]  }
0xa6: {  	s6 =	sand.u32 $0xFFFFFFFE, s1  }
0xa7: {  	p0 =	sne.s32 s1, s6  }
0xa8: {  	s6 =	sshll.u32 @p0 s6, $0xE  }
0xa9: {  	s6 =	sadd.s32 @p0 $0x11B8D, s6;
	s7 =	sshll.u32 @p0 s5, $0x11  }
0xaa: {  	s6 =	sor.u32 @p0 s7, s6  }
0xab: {  	[sflag:s6] =	ssyncadd.remote.s32 @p0 $0x1;
	_ =	sdelay $0x1  }
0xac: {  	s6 =	simm.s32 @p0 $0x1B8D  }
0xad: {  	_ =	swait.eq @p0 [sflag:s6], $0x1  }
0xae: {  	[sflag:s6] =	ssyncadd.s32 @p0 $0xFFFFFFFF  }
0xaf: {  	s7 =	sshll.u32 @!p0 s1, $0xE  }
0xb0: {  	s7 =	sor.u32 @!p0 $0x4000, s7;
	s6 =	simm.s32 @!p0 $0x1B8D  }
0xb1: {  	s5 =	sshll.u32 @!p0 s5, $0x11;
	s7 =	sadd.s32 @!p0 $0x11B8D, s7;
	_ =	swait.eq @!p0 [sflag:s6], $0x1  }
0xb2: {  	s5 =	sor.u32 @!p0 s5, s7;
	[sflag:s6] =	ssyncadd.s32 @!p0 $0xFFFFFFFF  }
0xb3: {  	s25 =	simm.s32 $0x1B8E;
	s24 =	sld [smem:$0x3FFE];
	[sflag:s5] =	ssyncadd.remote.s32 @!p0 $0x1  }
0xb4: {  	s26 =	simm.s32 $execute0_lowered;
	[smem:$0x3FD2] =	sst s25  }
0xb5: {  	s6 =	sshll.u32 s26, $0x1;
	_ =	strace $0x8000004C;
	[dreg:$0x1] =	wrdreg $0xFFFFFFFF  }
0xb6: {  	s28 =	simm.s32 $_size_execute0_lowered;
	s4 =	sadd.s32 s4, s6;
	[dreg:$0x0] =	wrdreg $0x0  }
0xb7: {  	s6 =	sshll.u32 s28, $0x1;
	[dreg:$0x2] =	wrdreg s4  }
0xb8: {  	[dreg:$0x3] =	wrdreg s6  }
0xb9: {  	[dreg:$0x4] =	wrdreg $0xC0  }
0xba: {  	_ =	task [dreg:s22], $0x5FFFF  }
0xbb: {  	[dreg:$0x1] =	wrdreg $0xFFFFFFFF  }
0xbc: {  	[dreg:$0x0] =	wrdreg $0x60  }
0xbd: {  	[dreg:$0x2] =	wrdreg s24  }
0xbe: {  	[dreg:$0x3] =	wrdreg s18  }
0xbf: {  	[dreg:$0x4] =	wrdreg $0x42000  }
0xc0: {  	[dreg:$0x5] =	wrdreg $0xA  }
0xc1: {  	_ =	task.clear_ibuf [dreg:s22], $0x6FFFF;
	_ =	strace $0x9000004C  }
0xc2: {  	s29 =	simm.s32 $0xA;
	_ =	strace $0x8000004E  }
0xc3: {  	_ =	swait.ge [sflag:s29], $0x1  }
0xc4: {  	[sflag:s29] =	ssyncadd.s32 $0xFFFFFFFF  }
0xc5: {  	_ =	strace $0x9000004E  }
0xc6: {  	_ =	sfence  }
0xc7: {  	s30 =	sld [smem:$0x0];
	_ =	sdelay $0x2  }
0xc8: {  	s31 =	sshll.u32 s1, $0xD;
	s1 =	sshrl.u32 s1, $0x2  }
0xc9: {  	s4 =	sand.u32 $0x4000, s31;
	s1 =	sadd.s32 s1, s30  }
0xca: {  	s0 =	sor.u32 s4, s0;
	s1 =	sshll.u32 s1, $0x11  }
0xcb: {  	s0 =	sor.u32 s1, s0  }
0xcc: {  	s0 =	sadd.s32 $0x8F2B, s0  }
0xcd: {  	[sflag:s0] =	ssyncadd.remote.s32 $0x1  }
0xce: {  	_ =	sfence.sel $0xFFFF  }
0xcf: {  	[dreg:$0x0] =	wrdreg $0xFFFFFFFF;
	(pc) =	sbr.abs _section_cstart, $3  }
0xd0: {  	[dreg:$0x1] =	wrdreg $0xFFFFFFFF  }
0xd1: {  	_ =	task.clear_ibuf [dreg:s22], $0x2FFFF;
	_ =	strace $0x9FFFFFFF  }
0xd2: {  	(tm) =	ssettm $0x7FFFFFFF  }
0xd3: {  	_ =	shalt  }
tec
execute0_lowered:
.L_overlay_start_1:
0x0: {  	(tag) =	ssettag $0x1  }
0x1: {  	s25 =	stileid.u32  }
0x2: {  	s1 =	srdreg.scid;
	s0 =	rddreg [dreg:$0x0]  }
0x3: {  	s10 =	rddreg [dreg:$0x1];
	s9 =	smul.u32 $0x280, s25;
	s13 =	sand.u32 $0x1, s1  }
0x4: {  	s30 =	simm.s32 $0x200;
	s31 =	simm.s32 $0x3;
	s1 =	ssub.s32 $0x2, s13  }
0x5: {  	s14 =	sor.u32 $0x40, s9;
	s2 =	sshrl.u32 s1, $0x1;
	s3 =	sshrl.u32 s9, $0x3  }
0x6: {  	s15 =	sadd.s32 $0x80, s9;
	s16 =	sadd.s32 $0xC0, s9;
	s17 =	sadd.s32 $0x100, s9  }
0x7: {  	s18 =	sadd.s32 $0x140, s9;
	s19 =	sadd.s32 $0x180, s9;
	s20 =	sadd.s32 $0x1C0, s9  }
0x8: {  	s21 =	sadd.s32 $0x200, s9;
	s22 =	sadd.s32 $0x240, s9;
	s4 =	sshrl.u32 s14, $0x3  }
0x9: {  	s12 =	ssub.s32 s1, s2;
	s1 =	sadd.s32 s10, s3;
	s23 =	sshrl.u32 s15, $0x3  }
0xa: {  	s24 =	sshrl.u32 s16, $0x3;
	s5 =	sshrl.u32 s17, $0x3;
	s6 =	sshrl.u32 s18, $0x3  }
0xb: {  	s7 =	sshrl.u32 s19, $0x3;
	s8 =	sshrl.u32 s20, $0x3;
	s26 =	sshrl.u32 s21, $0x3  }
0xc: {  	s11 =	sshrl.u32 s22, $0x3;
	s14 =	sshll.u32 s14, $0x7;
	s15 =	sshll.u32 s15, $0x7  }
0xd: {  	s16 =	sshll.u32 s16, $0x7;
	s17 =	sshll.u32 s17, $0x7;
	s18 =	sshll.u32 s18, $0x7  }
0xe: {  	s19 =	sshll.u32 s19, $0x7;
	s20 =	sshll.u32 s20, $0x7;
	s21 =	sshll.u32 s21, $0x7  }
0xf: {  	s22 =	sshll.u32 s22, $0x7;
	s2 =	sadd.s32 s10, s4;
	s3 =	sadd.s32 s10, s23  }
0x10: {  	s4 =	sadd.s32 s10, s24;
	s5 =	sadd.s32 s10, s5;
	s6 =	sadd.s32 s10, s6  }
0x11: {  	s7 =	sadd.s32 s10, s7;
	s8 =	sadd.s32 s10, s8;
	s23 =	smul.u32 $0x140000, s13  }
0x12: {  	s24 =	smul.u32 $0x14000, s25;
	s9 =	sadd.s32 s10, s26;
	s10 =	sadd.s32 s10, s11  }
0x13: {  	s11 =	simm.s32 $0x0;
	s26 =	smul.u32 $0xA00, s25;
	s25 =	sadd.s32 $0x187800, s0  }
0x14: {  	s13 =	smul.u32 $0x500, s13;
	[smem:$0x7FF] =	sst s11;
	s24 =	sadd.s32 s24, s23  }
0x15: {  	s14 =	sadd.s32 s23, s14;
	s15 =	sadd.s32 s23, s15;
	s16 =	sadd.s32 s23, s16  }
0x16: {  	s17 =	sadd.s32 s23, s17;
	s18 =	sadd.s32 s23, s18;
	s19 =	sadd.s32 s23, s19  }
0x17: {  	s20 =	sadd.s32 s23, s20;
	s21 =	sadd.s32 s23, s21;
	s22 =	sadd.s32 s23, s22  }
0x18: {  	s23 =	sadd.s32 s26, s0;
	s24 =	sshrl.u32 s24, $0x3;
	s14 =	sshrl.u32 s14, $0x3  }
0x19: {  	s15 =	sshrl.u32 s15, $0x3;
	s16 =	sshrl.u32 s16, $0x3;
	s13 =	sadd.s32 s13, s23  }
0x1a: {  	s24 =	sadd.s32 s25, s24;
	s14 =	sadd.s32 s25, s14;
	s26 =	sadd.s32 s25, s16  }
0x1b: {  	s16 =	sshrl.u32 s18, $0x3;
	s18 =	sshrl.u32 s20, $0x3;
	[dreg:$0x4] =	wrdreg s24  }
0x1c: {  	s28 =	sadd.s32 $0x3D800, s13;
	s29 =	sadd.s32 $0x29200, s13;
	[dreg:$0x5] =	wrdreg s14  }
0x1d: {  	s13 =	simm.s32 $0x1;
	s14 =	sadd.s32 s25, s15;
	[dreg:$0x7] =	wrdreg s26  }
0x1e: {  	s24 =	sshrl.u32 s17, $0x3;
	s20 =	sadd.s32 s25, s18;
	[dreg:$0x6] =	wrdreg s14  }
0x1f: {  	s17 =	sshrl.u32 s19, $0x3;
	s26 =	sshrl.u32 s22, $0x3;
	[dreg:$0xb] =	wrdreg s20  }
0x20: {  	s15 =	sadd.s32 s25, s24;
	s24 =	sshrl.u32 s21, $0x3;
	s21 =	rddreg [dreg:$0x2]  }
0x21: {  	s14 =	sadd.s32 s25, s16;
	s19 =	sadd.s32 s25, s17;
	[dreg:$0x8] =	wrdreg s15  }
0x22: {  	s16 =	simm.s32 $0x2200;
	s17 =	simm.s32 $0x0;
	[dreg:$0x9] =	wrdreg s14  }
0x23: {  	[dreg:$0xa] =	wrdreg s19;
	s14 =	sadd.s32 s25, s24;
	s24 =	sadd.s32 $0x47800, s0  }
0x24: {  	s0 =	sadd.s32 $0x1200, s0;
	s19 =	simm.s32 $0x100;
	s15 =	simm.s32 $0x80  }
0x25: {  	[dreg:$0xc] =	wrdreg s14;
	s14 =	sadd.s32 s25, s26;
	s26 =	smax.u32 s12, $0x1  }
0x26: {  	s12 =	simm.s32 $0x2;
	[dreg:$0xd] =	wrdreg s14;
	s14 =	simm.s32 $0x180  }
0x27: {  	_ =	strace $0x8000004D;
	[dreg:$0xe] =	wrdreg s0;
	s0 =	simm.s32 $0x40  }
.LBB2_1:
0x28: {  	s18 =	rddreg [dreg:$0xe]  }
0x29: {  	[tilespmem:s30], [sflag:$0x3] =	stream.linear.gather [hbm4b:s18+s11], $0x2000, $0x38;
	[tilespmem:$0x18200] =	vst v63  }
0x2a: {  	_ =	swait.ge [sflag:s31], $0x2000  }
0x2b: {  	[sflag:s31] =	ssyncset.done $0x0  }
0x2c: {  	[sflag:s31] =	ssyncadd.s32 $0xFFFFE000  }
0x2d: {  	[tilespmem:s19], [sflag:$0x3] =	stream.linear.gather [hbm4b:s1+s11], $0x40, $0x38;
	[tilespmem:$0x18200] =	vst v63  }
0x2e: {  	_ =	swait.ge [sflag:s31], $0x40  }
0x2f: {  	[sflag:s31] =	ssyncset.done $0x0  }
0x30: {  	[sflag:s31] =	ssyncadd.s32 $0xFFFFFFC0  }
0x31: {  	[spmem:s21] =	stream.indirect.scatter [tilespmem:s30], [sflag:$0x2], $0x80, s19, s0, $0xb8;
	[tilespmem:$0x18200] =	vst v63  }
0x32: {  	_ =	swait.ge [sflag:s12], $0x2000  }
0x33: {  	[sflag:s12] =	ssyncset.done $0x0  }
0x34: {  	[sflag:s12] =	ssyncadd.s32 $0xFFFFE000  }
0x35: {  	[tilespmem:s19], [sflag:$0x3] =	stream.linear.gather [hbm4b:s2+s11], $0x40, $0x38;
	[tilespmem:$0x18200] =	vst v63  }
0x36: {  	_ =	swait.ge [sflag:s31], $0x40  }
0x37: {  	[sflag:s31] =	ssyncset.done $0x0  }
0x38: {  	[sflag:s31] =	ssyncadd.s32 $0xFFFFFFC0  }
0x39: {  	[spmem:s21] =	stream.indirect.scatter [tilespmem:s30], [sflag:$0x2], $0x80, s19, s0, $0xb8;
	[tilespmem:$0x18200] =	vst v63  }
0x3a: {  	_ =	swait.ge [sflag:s12], $0x2000  }
0x3b: {  	[sflag:s12] =	ssyncset.done $0x0  }
0x3c: {  	[sflag:s12] =	ssyncadd.s32 $0xFFFFE000  }
0x3d: {  	[tilespmem:s19], [sflag:$0x3] =	stream.linear.gather [hbm4b:s3+s11], $0x40, $0x38;
	[tilespmem:$0x18200] =	vst v63  }
0x3e: {  	_ =	swait.ge [sflag:s31], $0x40  }
0x3f: {  	[sflag:s31] =	ssyncset.done $0x0  }
0x40: {  	[sflag:s31] =	ssyncadd.s32 $0xFFFFFFC0  }
0x41: {  	[spmem:s21] =	stream.indirect.scatter [tilespmem:s30], [sflag:$0x2], $0x80, s19, s0, $0xb8;
	[tilespmem:$0x18200] =	vst v63  }
0x42: {  	_ =	swait.ge [sflag:s12], $0x2000  }
0x43: {  	[sflag:s12] =	ssyncset.done $0x0  }
0x44: {  	[sflag:s12] =	ssyncadd.s32 $0xFFFFE000  }
0x45: {  	[tilespmem:s19], [sflag:$0x3] =	stream.linear.gather [hbm4b:s4+s11], $0x40, $0x38;
	[tilespmem:$0x18200] =	vst v63  }
0x46: {  	_ =	swait.ge [sflag:s31], $0x40  }
0x47: {  	[sflag:s31] =	ssyncset.done $0x0  }
0x48: {  	[sflag:s31] =	ssyncadd.s32 $0xFFFFFFC0  }
0x49: {  	[spmem:s21] =	stream.indirect.scatter [tilespmem:s30], [sflag:$0x2], $0x80, s19, s0, $0xb8;
	[tilespmem:$0x18200] =	vst v63  }
0x4a: {  	_ =	swait.ge [sflag:s12], $0x2000  }
0x4b: {  	[sflag:s12] =	ssyncset.done $0x0  }
0x4c: {  	[sflag:s12] =	ssyncadd.s32 $0xFFFFE000  }
0x4d: {  	[tilespmem:s19], [sflag:$0x3] =	stream.linear.gather [hbm4b:s5+s11], $0x40, $0x38;
	[tilespmem:$0x18200] =	vst v63  }
0x4e: {  	_ =	swait.ge [sflag:s31], $0x40  }
0x4f: {  	[sflag:s31] =	ssyncset.done $0x0  }
0x50: {  	[sflag:s31] =	ssyncadd.s32 $0xFFFFFFC0  }
0x51: {  	[spmem:s21] =	stream.indirect.scatter [tilespmem:s30], [sflag:$0x2], $0x80, s19, s0, $0xb8;
	[tilespmem:$0x18200] =	vst v63  }
0x52: {  	_ =	swait.ge [sflag:s12], $0x2000  }
0x53: {  	[sflag:s12] =	ssyncset.done $0x0  }
0x54: {  	[sflag:s12] =	ssyncadd.s32 $0xFFFFE000  }
0x55: {  	[tilespmem:s19], [sflag:$0x3] =	stream.linear.gather [hbm4b:s6+s11], $0x40, $0x38;
	[tilespmem:$0x18200] =	vst v63  }
0x56: {  	_ =	swait.ge [sflag:s31], $0x40  }
0x57: {  	[sflag:s31] =	ssyncset.done $0x0  }
0x58: {  	[sflag:s31] =	ssyncadd.s32 $0xFFFFFFC0  }
0x59: {  	[spmem:s21] =	stream.indirect.scatter [tilespmem:s30], [sflag:$0x2], $0x80, s19, s0, $0xb8;
	[tilespmem:$0x18200] =	vst v63  }
0x5a: {  	_ =	swait.ge [sflag:s12], $0x2000  }
0x5b: {  	[sflag:s12] =	ssyncset.done $0x0  }
0x5c: {  	[sflag:s12] =	ssyncadd.s32 $0xFFFFE000  }
0x5d: {  	[tilespmem:s19], [sflag:$0x3] =	stream.linear.gather [hbm4b:s7+s11], $0x40, $0x38;
	[tilespmem:$0x18200] =	vst v63  }
0x5e: {  	_ =	swait.ge [sflag:s31], $0x40  }
0x5f: {  	[sflag:s31] =	ssyncset.done $0x0  }
0x60: {  	[sflag:s31] =	ssyncadd.s32 $0xFFFFFFC0  }
0x61: {  	[spmem:s21] =	stream.indirect.scatter [tilespmem:s30], [sflag:$0x2], $0x80, s19, s0, $0xb8;
	[tilespmem:$0x18200] =	vst v63  }
0x62: {  	_ =	swait.ge [sflag:s12], $0x2000  }
0x63: {  	[sflag:s12] =	ssyncset.done $0x0  }
0x64: {  	[sflag:s12] =	ssyncadd.s32 $0xFFFFE000  }
0x65: {  	[tilespmem:s19], [sflag:$0x3] =	stream.linear.gather [hbm4b:s8+s11], $0x40, $0x38;
	[tilespmem:$0x18200] =	vst v63  }
0x66: {  	_ =	swait.ge [sflag:s31], $0x40  }
0x67: {  	[sflag:s31] =	ssyncset.done $0x0  }
0x68: {  	[sflag:s31] =	ssyncadd.s32 $0xFFFFFFC0  }
0x69: {  	[spmem:s21] =	stream.indirect.scatter [tilespmem:s30], [sflag:$0x2], $0x80, s19, s0, $0xb8;
	[tilespmem:$0x18200] =	vst v63  }
0x6a: {  	_ =	swait.ge [sflag:s12], $0x2000  }
0x6b: {  	[sflag:s12] =	ssyncset.done $0x0  }
0x6c: {  	[sflag:s12] =	ssyncadd.s32 $0xFFFFE000  }
0x6d: {  	[tilespmem:s19], [sflag:$0x3] =	stream.linear.gather [hbm4b:s9+s11], $0x40, $0x38;
	[tilespmem:$0x18200] =	vst v63  }
0x6e: {  	_ =	swait.ge [sflag:s31], $0x40  }
0x6f: {  	[sflag:s31] =	ssyncset.done $0x0  }
0x70: {  	[sflag:s31] =	ssyncadd.s32 $0xFFFFFFC0  }
0x71: {  	[spmem:s21] =	stream.indirect.scatter [tilespmem:s30], [sflag:$0x2], $0x80, s19, s0, $0xb8;
	[tilespmem:$0x18200] =	vst v63  }
0x72: {  	_ =	swait.ge [sflag:s12], $0x2000  }
0x73: {  	[sflag:s12] =	ssyncset.done $0x0  }
0x74: {  	[sflag:s12] =	ssyncadd.s32 $0xFFFFE000  }
0x75: {  	[tilespmem:s19], [sflag:$0x3] =	stream.linear.gather [hbm4b:s10+s11], $0x40, $0x38;
	[tilespmem:$0x18200] =	vst v63  }
0x76: {  	_ =	swait.ge [sflag:s31], $0x40  }
0x77: {  	[sflag:s31] =	ssyncset.done $0x0  }
0x78: {  	[sflag:s31] =	ssyncadd.s32 $0xFFFFFFC0  }
0x79: {  	[spmem:s21] =	stream.indirect.scatter [tilespmem:s30], [sflag:$0x2], $0x80, s19, s0, $0xb8;
	[tilespmem:$0x18200] =	vst v63  }
0x7a: {  	_ =	swait.ge [sflag:s12], $0x2000  }
0x7b: {  	[sflag:s12] =	ssyncset.done $0x0  }
0x7c: {  	[sflag:s12] =	ssyncadd.s32 $0xFFFFE000  }
0x7d: {  	s18 =	sadd.s32 $0x0, s29;
	[bflag:$0x0] =	sbarrier.arrive $0xFFFF  }
0x7e: {  	[tilespmem:s19], [sflag:$0x3] =	stream.linear.gather [hbm4b:s18+s11], $0x40, $0x38;
	[tilespmem:$0x18200] =	vst v63  }
0x7f: {  	_ =	swait.ge [sflag:s31], $0x40  }
0x80: {  	[sflag:s31] =	ssyncset.done $0x0  }
0x81: {  	s20 =	sadd.s32 $0x0, s28;
	[sflag:s31] =	ssyncadd.s32 $0xFFFFFFC0  }
0x82: {  	[tilespmem:s11], [sflag:$0x3] =	stream.linear.gather [hbm4b:s20+s11], $0x40, $0x38;
	[tilespmem:$0x18200] =	vst v63  }
0x83: {  	_ =	swait.ge [sflag:s31], $0x40  }
0x84: {  	[sflag:s31] =	ssyncset.done $0x0  }
0x85: {  	[sflag:s31] =	ssyncadd.s32 $0xFFFFFFC0  }
0x86: {  	[tilespmem:s30], [sflag:$0x1] =	stream.indirect.gather [hbm4b:s24+s0], $0x80, s11, s0, $0xb8;
	[tilespmem:$0x18200] =	vst v63  }
0x87: {  	_ =	swait.ge [sflag:s13], $0x2000  }
0x88: {  	[sflag:s13] =	ssyncset.done $0x0  }
0x89: {  	s22 =	sadd.s32 $0x8, s18;
	[sflag:s13] =	ssyncadd.s32 $0xFFFFE000  }
0x8a: {  	[tilespmem:s14], [sflag:$0x3] =	stream.linear.gather [hbm4b:s22+s11], $0x40, $0x38;
	[tilespmem:$0x18200] =	vst v63  }
0x8b: {  	_ =	swait.ge [sflag:s31], $0x40  }
0x8c: {  	[sflag:s31] =	ssyncset.done $0x0  }
0x8d: {  	s23 =	sadd.s32 $0x8, s20;
	[sflag:s31] =	ssyncadd.s32 $0xFFFFFFC0  }
0x8e: {  	[tilespmem:s15], [sflag:$0x3] =	stream.linear.gather [hbm4b:s23+s11], $0x40, $0x38;
	[tilespmem:$0x18200] =	vst v63  }
0x8f: {  	_ =	swait.ge [sflag:s31], $0x40  }
0x90: {  	[sflag:s31] =	ssyncset.done $0x0  }
0x91: {  	[sflag:s31] =	ssyncadd.s32 $0xFFFFFFC0  }
0x92: {  	[tilespmem:s16], [sflag:$0x1] =	stream.indirect.gather [hbm4b:s24+s0], $0x80, s15, s0, $0xb8;
	[tilespmem:$0x18200] =	vst v63  }
0x93: {  	_ = 	snop  }
0x94: {  	[spmem:s21] =	stream.indirect.scatter.add.f32 [tilespmem:s30], [sflag:$0x2], $0x80, s19, s0, $0xb8;
	[tilespmem:$0x18200] =	vst v63  }
0x95: {  	_ =	swait.ge [sflag:s13], $0x2000  }
0x96: {  	[sflag:s13] =	ssyncset.done $0x0  }
0x97: {  	[sflag:s13] =	ssyncadd.s32 $0xFFFFE000  }
0x98: {  	_ =	swait.ge [sflag:s12], $0x2000  }
0x99: {  	[sflag:s12] =	ssyncset.done $0x0  }
0x9a: {  	s25 =	sadd.s32 $0x10, s18;
	[sflag:s12] =	ssyncadd.s32 $0xFFFFE000  }
0x9b: {  	[tilespmem:s19], [sflag:$0x3] =	stream.linear.gather [hbm4b:s25+s11], $0x40, $0x38;
	[tilespmem:$0x18200] =	vst v63  }
0x9c: {  	_ =	swait.ge [sflag:s31], $0x40  }
0x9d: {  	[sflag:s31] =	ssyncset.done $0x0  }
0x9e: {  	s23 =	sadd.s32 $0x10, s20;
	[sflag:s31] =	ssyncadd.s32 $0xFFFFFFC0  }
0x9f: {  	[tilespmem:s11], [sflag:$0x3] =	stream.linear.gather [hbm4b:s23+s11], $0x40, $0x38;
	[tilespmem:$0x18200] =	vst v63  }
0xa0: {  	_ =	swait.ge [sflag:s31], $0x40  }
0xa1: {  	[sflag:s31] =	ssyncset.done $0x0  }
0xa2: {  	[sflag:s31] =	ssyncadd.s32 $0xFFFFFFC0  }
0xa3: {  	[tilespmem:s30], [sflag:$0x1] =	stream.indirect.gather [hbm4b:s24+s0], $0x80, s11, s0, $0xb8;
	[tilespmem:$0x18200] =	vst v63  }
0xa4: {  	_ = 	snop  }
0xa5: {  	[spmem:s21] =	stream.indirect.scatter.add.f32 [tilespmem:s16], [sflag:$0x2], $0x80, s14, s0, $0xb8;
	[tilespmem:$0x18200] =	vst v63  }
0xa6: {  	_ =	swait.ge [sflag:s13], $0x2000  }
0xa7: {  	[sflag:s13] =	ssyncset.done $0x0  }
0xa8: {  	[sflag:s13] =	ssyncadd.s32 $0xFFFFE000  }
0xa9: {  	_ =	swait.ge [sflag:s12], $0x2000  }
0xaa: {  	[sflag:s12] =	ssyncset.done $0x0  }
0xab: {  	s25 =	sadd.s32 $0x18, s18;
	[sflag:s12] =	ssyncadd.s32 $0xFFFFE000  }
0xac: {  	[tilespmem:s14], [sflag:$0x3] =	stream.linear.gather [hbm4b:s25+s11], $0x40, $0x38;
	[tilespmem:$0x18200] =	vst v63  }
0xad: {  	_ =	swait.ge [sflag:s31], $0x40  }
0xae: {  	[sflag:s31] =	ssyncset.done $0x0  }
0xaf: {  	s23 =	sadd.s32 $0x18, s20;
	[sflag:s31] =	ssyncadd.s32 $0xFFFFFFC0  }
0xb0: {  	[tilespmem:s15], [sflag:$0x3] =	stream.linear.gather [hbm4b:s23+s11], $0x40, $0x38;
	[tilespmem:$0x18200] =	vst v63  }
0xb1: {  	_ =	swait.ge [sflag:s31], $0x40  }
0xb2: {  	[sflag:s31] =	ssyncset.done $0x0  }
0xb3: {  	[sflag:s31] =	ssyncadd.s32 $0xFFFFFFC0  }
0xb4: {  	[tilespmem:s16], [sflag:$0x1] =	stream.indirect.gather [hbm4b:s24+s0], $0x80, s15, s0, $0xb8;
	[tilespmem:$0x18200] =	vst v63  }
0xb5: {  	_ = 	snop  }
0xb6: {  	[spmem:s21] =	stream.indirect.scatter.add.f32 [tilespmem:s30], [sflag:$0x2], $0x80, s19, s0, $0xb8;
	[tilespmem:$0x18200] =	vst v63  }
0xb7: {  	_ =	swait.ge [sflag:s13], $0x2000  }
0xb8: {  	[sflag:s13] =	ssyncset.done $0x0  }
0xb9: {  	[sflag:s13] =	ssyncadd.s32 $0xFFFFE000  }
0xba: {  	_ =	swait.ge [sflag:s12], $0x2000  }
0xbb: {  	[sflag:s12] =	ssyncset.done $0x0  }
0xbc: {  	s25 =	sadd.s32 $0x20, s18;
	[sflag:s12] =	ssyncadd.s32 $0xFFFFE000  }
0xbd: {  	[tilespmem:s19], [sflag:$0x3] =	stream.linear.gather [hbm4b:s25+s11], $0x40, $0x38;
	[tilespmem:$0x18200] =	vst v63  }
0xbe: {  	_ =	swait.ge [sflag:s31], $0x40  }
0xbf: {  	[sflag:s31] =	ssyncset.done $0x0  }
0xc0: {  	s23 =	sadd.s32 $0x20, s20;
	[sflag:s31] =	ssyncadd.s32 $0xFFFFFFC0  }
0xc1: {  	[tilespmem:s11], [sflag:$0x3] =	stream.linear.gather [hbm4b:s23+s11], $0x40, $0x38;
	[tilespmem:$0x18200] =	vst v63  }
0xc2: {  	_ =	swait.ge [sflag:s31], $0x40  }
0xc3: {  	[sflag:s31] =	ssyncset.done $0x0  }
0xc4: {  	[sflag:s31] =	ssyncadd.s32 $0xFFFFFFC0  }
0xc5: {  	[tilespmem:s30], [sflag:$0x1] =	stream.indirect.gather [hbm4b:s24+s0], $0x80, s11, s0, $0xb8;
	[tilespmem:$0x18200] =	vst v63  }
0xc6: {  	_ = 	snop  }
0xc7: {  	[spmem:s21] =	stream.indirect.scatter.add.f32 [tilespmem:s16], [sflag:$0x2], $0x80, s14, s0, $0xb8;
	[tilespmem:$0x18200] =	vst v63  }
0xc8: {  	_ =	swait.ge [sflag:s13], $0x2000  }
0xc9: {  	[sflag:s13] =	ssyncset.done $0x0  }
0xca: {  	[sflag:s13] =	ssyncadd.s32 $0xFFFFE000  }
0xcb: {  	_ =	swait.ge [sflag:s12], $0x2000  }
0xcc: {  	[sflag:s12] =	ssyncset.done $0x0  }
0xcd: {  	s25 =	sadd.s32 $0x28, s18;
	[sflag:s12] =	ssyncadd.s32 $0xFFFFE000  }
0xce: {  	[tilespmem:s14], [sflag:$0x3] =	stream.linear.gather [hbm4b:s25+s11], $0x40, $0x38;
	[tilespmem:$0x18200] =	vst v63  }
0xcf: {  	_ =	swait.ge [sflag:s31], $0x40  }
0xd0: {  	[sflag:s31] =	ssyncset.done $0x0  }
0xd1: {  	s23 =	sadd.s32 $0x28, s20;
	[sflag:s31] =	ssyncadd.s32 $0xFFFFFFC0  }
0xd2: {  	[tilespmem:s15], [sflag:$0x3] =	stream.linear.gather [hbm4b:s23+s11], $0x40, $0x38;
	[tilespmem:$0x18200] =	vst v63  }
0xd3: {  	_ =	swait.ge [sflag:s31], $0x40  }
0xd4: {  	[sflag:s31] =	ssyncset.done $0x0  }
0xd5: {  	[sflag:s31] =	ssyncadd.s32 $0xFFFFFFC0  }
0xd6: {  	[tilespmem:s16], [sflag:$0x1] =	stream.indirect.gather [hbm4b:s24+s0], $0x80, s15, s0, $0xb8;
	[tilespmem:$0x18200] =	vst v63  }
0xd7: {  	_ = 	snop  }
0xd8: {  	[spmem:s21] =	stream.indirect.scatter.add.f32 [tilespmem:s30], [sflag:$0x2], $0x80, s19, s0, $0xb8;
	[tilespmem:$0x18200] =	vst v63  }
0xd9: {  	_ =	swait.ge [sflag:s13], $0x2000  }
0xda: {  	[sflag:s13] =	ssyncset.done $0x0  }
0xdb: {  	[sflag:s13] =	ssyncadd.s32 $0xFFFFE000  }
0xdc: {  	_ =	swait.ge [sflag:s12], $0x2000  }
0xdd: {  	[sflag:s12] =	ssyncset.done $0x0  }
0xde: {  	s25 =	sadd.s32 $0x30, s18;
	[sflag:s12] =	ssyncadd.s32 $0xFFFFE000  }
0xdf: {  	[tilespmem:s19], [sflag:$0x3] =	stream.linear.gather [hbm4b:s25+s11], $0x40, $0x38;
	[tilespmem:$0x18200] =	vst v63  }
0xe0: {  	_ =	swait.ge [sflag:s31], $0x40  }
0xe1: {  	[sflag:s31] =	ssyncset.done $0x0  }
0xe2: {  	s23 =	sadd.s32 $0x30, s20;
	[sflag:s31] =	ssyncadd.s32 $0xFFFFFFC0  }
0xe3: {  	[tilespmem:s11], [sflag:$0x3] =	stream.linear.gather [hbm4b:s23+s11], $0x40, $0x38;
	[tilespmem:$0x18200] =	vst v63  }
0xe4: {  	_ =	swait.ge [sflag:s31], $0x40  }
0xe5: {  	[sflag:s31] =	ssyncset.done $0x0  }
0xe6: {  	[sflag:s31] =	ssyncadd.s32 $0xFFFFFFC0  }
0xe7: {  	[tilespmem:s30], [sflag:$0x1] =	stream.indirect.gather [hbm4b:s24+s0], $0x80, s11, s0, $0xb8;
	[tilespmem:$0x18200] =	vst v63  }
0xe8: {  	_ = 	snop  }
0xe9: {  	[spmem:s21] =	stream.indirect.scatter.add.f32 [tilespmem:s16], [sflag:$0x2], $0x80, s14, s0, $0xb8;
	[tilespmem:$0x18200] =	vst v63  }
0xea: {  	_ =	swait.ge [sflag:s13], $0x2000  }
0xeb: {  	[sflag:s13] =	ssyncset.done $0x0  }
0xec: {  	[sflag:s13] =	ssyncadd.s32 $0xFFFFE000  }
0xed: {  	_ =	swait.ge [sflag:s12], $0x2000  }
0xee: {  	[sflag:s12] =	ssyncset.done $0x0  }
0xef: {  	s18 =	sadd.s32 $0x38, s18;
	[sflag:s12] =	ssyncadd.s32 $0xFFFFE000  }
0xf0: {  	[tilespmem:s14], [sflag:$0x3] =	stream.linear.gather [hbm4b:s18+s11], $0x40, $0x38;
	[tilespmem:$0x18200] =	vst v63  }
0xf1: {  	_ =	swait.ge [sflag:s31], $0x40  }
0xf2: {  	[sflag:s31] =	ssyncset.done $0x0  }
0xf3: {  	s25 =	sadd.s32 $0x38, s20;
	[sflag:s31] =	ssyncadd.s32 $0xFFFFFFC0  }
0xf4: {  	[tilespmem:s15], [sflag:$0x3] =	stream.linear.gather [hbm4b:s25+s11], $0x40, $0x38;
	[tilespmem:$0x18200] =	vst v63  }
0xf5: {  	_ =	swait.ge [sflag:s31], $0x40  }
0xf6: {  	[sflag:s31] =	ssyncset.done $0x0  }
0xf7: {  	[sflag:s31] =	ssyncadd.s32 $0xFFFFFFC0  }
0xf8: {  	[tilespmem:s16], [sflag:$0x1] =	stream.indirect.gather [hbm4b:s24+s0], $0x80, s15, s0, $0xb8;
	[tilespmem:$0x18200] =	vst v63  }
0xf9: {  	_ = 	snop  }
0xfa: {  	[spmem:s21] =	stream.indirect.scatter.add.f32 [tilespmem:s30], [sflag:$0x2], $0x80, s19, s0, $0xb8;
	[tilespmem:$0x18200] =	vst v63  }
0xfb: {  	_ =	swait.ge [sflag:s13], $0x2000  }
0xfc: {  	[sflag:s13] =	ssyncset.done $0x0  }
0xfd: {  	[sflag:s13] =	ssyncadd.s32 $0xFFFFE000  }
0xfe: {  	_ =	swait.ge [sflag:s12], $0x2000  }
0xff: {  	[sflag:s12] =	ssyncset.done $0x0  }
0x100: {  	[sflag:s12] =	ssyncadd.s32 $0xFFFFE000  }
0x101: {  	[spmem:s21] =	stream.indirect.scatter.add.f32 [tilespmem:s16], [sflag:$0x2], $0x80, s14, s0, $0xb8;
	[tilespmem:$0x18200] =	vst v63  }
0x102: {  	_ =	swait.ge [sflag:s12], $0x2000  }
0x103: {  	s23 =	simm.s32 $0x80;
	s18 =	simm.s32 $0x40;
	[sflag:s12] =	ssyncset.done $0x0  }
.LBB2_2:
0x104: {  	s22 =	sadd.s32 s18, s29  }
0x105: {  	[sflag:s12] =	ssyncadd.s32 $0xFFFFE000;
	s25 =	smov.u32 s23;
	s20 =	sadd.s32 $0x40, s23  }
0x106: {  	[tilespmem:s19], [sflag:$0x3] =	stream.linear.gather [hbm4b:s22+s11], $0x40, $0x38;
	[tilespmem:$0x18200] =	vst v63  }
0x107: {  	p0 =	sne.s32 s23, $0x4C0;
	_ =	swait.ge [sflag:s31], $0x40  }
0x108: {  	[sflag:s31] =	ssyncset.done $0x0  }
0x109: {  	s23 =	sadd.s32 s18, s28;
	s18 =	smov.u32 s25;
	[sflag:s31] =	ssyncadd.s32 $0xFFFFFFC0  }
0x10a: {  	[tilespmem:s11], [sflag:$0x3] =	stream.linear.gather [hbm4b:s23+s11], $0x40, $0x38;
	[tilespmem:$0x18200] =	vst v63  }
0x10b: {  	_ =	swait.ge [sflag:s31], $0x40  }
0x10c: {  	[sflag:s31] =	ssyncset.done $0x0  }
0x10d: {  	[sflag:s31] =	ssyncadd.s32 $0xFFFFFFC0  }
0x10e: {  	[tilespmem:s30], [sflag:$0x1] =	stream.indirect.gather [hbm4b:s24+s0], $0x80, s11, s0, $0xb8;
	[tilespmem:$0x18200] =	vst v63  }
0x10f: {  	_ =	swait.ge [sflag:s13], $0x2000  }
0x110: {  	[sflag:s13] =	ssyncset.done $0x0  }
0x111: {  	s25 =	sadd.s32 $0x8, s22;
	[sflag:s13] =	ssyncadd.s32 $0xFFFFE000  }
0x112: {  	[tilespmem:s14], [sflag:$0x3] =	stream.linear.gather [hbm4b:s25+s11], $0x40, $0x38;
	[tilespmem:$0x18200] =	vst v63  }
0x113: {  	_ =	swait.ge [sflag:s31], $0x40  }
0x114: {  	[sflag:s31] =	ssyncset.done $0x0  }
0x115: {  	s25 =	sadd.s32 $0x8, s23;
	[sflag:s31] =	ssyncadd.s32 $0xFFFFFFC0  }
0x116: {  	[tilespmem:s15], [sflag:$0x3] =	stream.linear.gather [hbm4b:s25+s11], $0x40, $0x38;
	[tilespmem:$0x18200] =	vst v63  }
0x117: {  	_ =	swait.ge [sflag:s31], $0x40  }
0x118: {  	[sflag:s31] =	ssyncset.done $0x0  }
0x119: {  	[sflag:s31] =	ssyncadd.s32 $0xFFFFFFC0  }
0x11a: {  	[tilespmem:s16], [sflag:$0x1] =	stream.indirect.gather [hbm4b:s24+s0], $0x80, s15, s0, $0xb8;
	[tilespmem:$0x18200] =	vst v63  }
0x11b: {  	_ = 	snop  }
0x11c: {  	[spmem:s21] =	stream.indirect.scatter.add.f32 [tilespmem:s30], [sflag:$0x2], $0x80, s19, s0, $0xb8;
	[tilespmem:$0x18200] =	vst v63  }
0x11d: {  	_ =	swait.ge [sflag:s13], $0x2000  }
0x11e: {  	[sflag:s13] =	ssyncset.done $0x0  }
0x11f: {  	[sflag:s13] =	ssyncadd.s32 $0xFFFFE000  }
0x120: {  	_ =	swait.ge [sflag:s12], $0x2000  }
0x121: {  	[sflag:s12] =	ssyncset.done $0x0  }
0x122: {  	s25 =	sadd.s32 $0x10, s22;
	[sflag:s12] =	ssyncadd.s32 $0xFFFFE000  }
0x123: {  	[tilespmem:s19], [sflag:$0x3] =	stream.linear.gather [hbm4b:s25+s11], $0x40, $0x38;
	[tilespmem:$0x18200] =	vst v63  }
0x124: {  	_ =	swait.ge [sflag:s31], $0x40  }
0x125: {  	[sflag:s31] =	ssyncset.done $0x0  }
0x126: {  	s25 =	sadd.s32 $0x10, s23;
	[sflag:s31] =	ssyncadd.s32 $0xFFFFFFC0  }
0x127: {  	[tilespmem:s11], [sflag:$0x3] =	stream.linear.gather [hbm4b:s25+s11], $0x40, $0x38;
	[tilespmem:$0x18200] =	vst v63  }
0x128: {  	_ =	swait.ge [sflag:s31], $0x40  }
0x129: {  	[sflag:s31] =	ssyncset.done $0x0  }
0x12a: {  	[sflag:s31] =	ssyncadd.s32 $0xFFFFFFC0  }
0x12b: {  	[tilespmem:s30], [sflag:$0x1] =	stream.indirect.gather [hbm4b:s24+s0], $0x80, s11, s0, $0xb8;
	[tilespmem:$0x18200] =	vst v63  }
0x12c: {  	_ = 	snop  }
0x12d: {  	[spmem:s21] =	stream.indirect.scatter.add.f32 [tilespmem:s16], [sflag:$0x2], $0x80, s14, s0, $0xb8;
	[tilespmem:$0x18200] =	vst v63  }
0x12e: {  	_ =	swait.ge [sflag:s13], $0x2000  }
0x12f: {  	[sflag:s13] =	ssyncset.done $0x0  }
0x130: {  	[sflag:s13] =	ssyncadd.s32 $0xFFFFE000  }
0x131: {  	_ =	swait.ge [sflag:s12], $0x2000  }
0x132: {  	[sflag:s12] =	ssyncset.done $0x0  }
0x133: {  	s25 =	sadd.s32 $0x18, s22;
	[sflag:s12] =	ssyncadd.s32 $0xFFFFE000  }
0x134: {  	[tilespmem:s14], [sflag:$0x3] =	stream.linear.gather [hbm4b:s25+s11], $0x40, $0x38;
	[tilespmem:$0x18200] =	vst v63  }
0x135: {  	_ =	swait.ge [sflag:s31], $0x40  }
0x136: {  	[sflag:s31] =	ssyncset.done $0x0  }
0x137: {  	s25 =	sadd.s32 $0x18, s23;
	[sflag:s31] =	ssyncadd.s32 $0xFFFFFFC0  }
0x138: {  	[tilespmem:s15], [sflag:$0x3] =	stream.linear.gather [hbm4b:s25+s11], $0x40, $0x38;
	[tilespmem:$0x18200] =	vst v63  }
0x139: {  	_ =	swait.ge [sflag:s31], $0x40  }
0x13a: {  	[sflag:s31] =	ssyncset.done $0x0  }
0x13b: {  	[sflag:s31] =	ssyncadd.s32 $0xFFFFFFC0  }
0x13c: {  	[tilespmem:s16], [sflag:$0x1] =	stream.indirect.gather [hbm4b:s24+s0], $0x80, s15, s0, $0xb8;
	[tilespmem:$0x18200] =	vst v63  }
0x13d: {  	_ = 	snop  }
0x13e: {  	[spmem:s21] =	stream.indirect.scatter.add.f32 [tilespmem:s30], [sflag:$0x2], $0x80, s19, s0, $0xb8;
	[tilespmem:$0x18200] =	vst v63  }
0x13f: {  	_ =	swait.ge [sflag:s13], $0x2000  }
0x140: {  	[sflag:s13] =	ssyncset.done $0x0  }
0x141: {  	[sflag:s13] =	ssyncadd.s32 $0xFFFFE000  }
0x142: {  	_ =	swait.ge [sflag:s12], $0x2000  }
0x143: {  	[sflag:s12] =	ssyncset.done $0x0  }
0x144: {  	s25 =	sadd.s32 $0x20, s22;
	[sflag:s12] =	ssyncadd.s32 $0xFFFFE000  }
0x145: {  	[tilespmem:s19], [sflag:$0x3] =	stream.linear.gather [hbm4b:s25+s11], $0x40, $0x38;
	[tilespmem:$0x18200] =	vst v63  }
0x146: {  	_ =	swait.ge [sflag:s31], $0x40  }
0x147: {  	[sflag:s31] =	ssyncset.done $0x0  }
0x148: {  	s25 =	sadd.s32 $0x20, s23;
	[sflag:s31] =	ssyncadd.s32 $0xFFFFFFC0  }
0x149: {  	[tilespmem:s11], [sflag:$0x3] =	stream.linear.gather [hbm4b:s25+s11], $0x40, $0x38;
	[tilespmem:$0x18200] =	vst v63  }
0x14a: {  	_ =	swait.ge [sflag:s31], $0x40  }
0x14b: {  	[sflag:s31] =	ssyncset.done $0x0  }
0x14c: {  	[sflag:s31] =	ssyncadd.s32 $0xFFFFFFC0  }
0x14d: {  	[tilespmem:s30], [sflag:$0x1] =	stream.indirect.gather [hbm4b:s24+s0], $0x80, s11, s0, $0xb8;
	[tilespmem:$0x18200] =	vst v63  }
0x14e: {  	_ = 	snop  }
0x14f: {  	[spmem:s21] =	stream.indirect.scatter.add.f32 [tilespmem:s16], [sflag:$0x2], $0x80, s14, s0, $0xb8;
	[tilespmem:$0x18200] =	vst v63  }
0x150: {  	_ =	swait.ge [sflag:s13], $0x2000  }
0x151: {  	[sflag:s13] =	ssyncset.done $0x0  }
0x152: {  	[sflag:s13] =	ssyncadd.s32 $0xFFFFE000  }
0x153: {  	_ =	swait.ge [sflag:s12], $0x2000  }
0x154: {  	[sflag:s12] =	ssyncset.done $0x0  }
0x155: {  	s25 =	sadd.s32 $0x28, s22;
	[sflag:s12] =	ssyncadd.s32 $0xFFFFE000  }
0x156: {  	[tilespmem:s14], [sflag:$0x3] =	stream.linear.gather [hbm4b:s25+s11], $0x40, $0x38;
	[tilespmem:$0x18200] =	vst v63  }
0x157: {  	_ =	swait.ge [sflag:s31], $0x40  }
0x158: {  	[sflag:s31] =	ssyncset.done $0x0  }
0x159: {  	s25 =	sadd.s32 $0x28, s23;
	[sflag:s31] =	ssyncadd.s32 $0xFFFFFFC0  }
0x15a: {  	[tilespmem:s15], [sflag:$0x3] =	stream.linear.gather [hbm4b:s25+s11], $0x40, $0x38;
	[tilespmem:$0x18200] =	vst v63  }
0x15b: {  	_ =	swait.ge [sflag:s31], $0x40  }
0x15c: {  	[sflag:s31] =	ssyncset.done $0x0  }
0x15d: {  	[sflag:s31] =	ssyncadd.s32 $0xFFFFFFC0  }
0x15e: {  	[tilespmem:s16], [sflag:$0x1] =	stream.indirect.gather [hbm4b:s24+s0], $0x80, s15, s0, $0xb8;
	[tilespmem:$0x18200] =	vst v63  }
0x15f: {  	_ = 	snop  }
0x160: {  	[spmem:s21] =	stream.indirect.scatter.add.f32 [tilespmem:s30], [sflag:$0x2], $0x80, s19, s0, $0xb8;
	[tilespmem:$0x18200] =	vst v63  }
0x161: {  	_ =	swait.ge [sflag:s13], $0x2000  }
0x162: {  	[sflag:s13] =	ssyncset.done $0x0  }
0x163: {  	[sflag:s13] =	ssyncadd.s32 $0xFFFFE000  }
0x164: {  	_ =	swait.ge [sflag:s12], $0x2000  }
0x165: {  	[sflag:s12] =	ssyncset.done $0x0  }
0x166: {  	s25 =	sadd.s32 $0x30, s22;
	[sflag:s12] =	ssyncadd.s32 $0xFFFFE000  }
0x167: {  	[tilespmem:s19], [sflag:$0x3] =	stream.linear.gather [hbm4b:s25+s11], $0x40, $0x38;
	[tilespmem:$0x18200] =	vst v63  }
0x168: {  	_ =	swait.ge [sflag:s31], $0x40  }
0x169: {  	[sflag:s31] =	ssyncset.done $0x0  }
0x16a: {  	s25 =	sadd.s32 $0x30, s23;
	[sflag:s31] =	ssyncadd.s32 $0xFFFFFFC0  }
0x16b: {  	[tilespmem:s11], [sflag:$0x3] =	stream.linear.gather [hbm4b:s25+s11], $0x40, $0x38;
	[tilespmem:$0x18200] =	vst v63  }
0x16c: {  	_ =	swait.ge [sflag:s31], $0x40  }
0x16d: {  	[sflag:s31] =	ssyncset.done $0x0  }
0x16e: {  	[sflag:s31] =	ssyncadd.s32 $0xFFFFFFC0  }
0x16f: {  	[tilespmem:s30], [sflag:$0x1] =	stream.indirect.gather [hbm4b:s24+s0], $0x80, s11, s0, $0xb8;
	[tilespmem:$0x18200] =	vst v63  }
0x170: {  	_ = 	snop  }
0x171: {  	[spmem:s21] =	stream.indirect.scatter.add.f32 [tilespmem:s16], [sflag:$0x2], $0x80, s14, s0, $0xb8;
	[tilespmem:$0x18200] =	vst v63  }
0x172: {  	_ =	swait.ge [sflag:s13], $0x2000  }
0x173: {  	[sflag:s13] =	ssyncset.done $0x0  }
0x174: {  	[sflag:s13] =	ssyncadd.s32 $0xFFFFE000  }
0x175: {  	_ =	swait.ge [sflag:s12], $0x2000  }
0x176: {  	[sflag:s12] =	ssyncset.done $0x0  }
0x177: {  	s22 =	sadd.s32 $0x38, s22;
	[sflag:s12] =	ssyncadd.s32 $0xFFFFE000  }
0x178: {  	[tilespmem:s14], [sflag:$0x3] =	stream.linear.gather [hbm4b:s22+s11], $0x40, $0x38;
	[tilespmem:$0x18200] =	vst v63  }
0x179: {  	_ =	swait.ge [sflag:s31], $0x40  }
0x17a: {  	[sflag:s31] =	ssyncset.done $0x0  }
0x17b: {  	s22 =	sadd.s32 $0x38, s23;
	[sflag:s31] =	ssyncadd.s32 $0xFFFFFFC0  }
0x17c: {  	[tilespmem:s15], [sflag:$0x3] =	stream.linear.gather [hbm4b:s22+s11], $0x40, $0x38;
	[tilespmem:$0x18200] =	vst v63  }
0x17d: {  	_ =	swait.ge [sflag:s31], $0x40  }
0x17e: {  	[sflag:s31] =	ssyncset.done $0x0  }
0x17f: {  	[sflag:s31] =	ssyncadd.s32 $0xFFFFFFC0  }
0x180: {  	[tilespmem:s16], [sflag:$0x1] =	stream.indirect.gather [hbm4b:s24+s0], $0x80, s15, s0, $0xb8;
	[tilespmem:$0x18200] =	vst v63  }
0x181: {  	_ = 	snop  }
0x182: {  	[spmem:s21] =	stream.indirect.scatter.add.f32 [tilespmem:s30], [sflag:$0x2], $0x80, s19, s0, $0xb8;
	[tilespmem:$0x18200] =	vst v63  }
0x183: {  	_ =	swait.ge [sflag:s13], $0x2000  }
0x184: {  	[sflag:s13] =	ssyncset.done $0x0  }
0x185: {  	[sflag:s13] =	ssyncadd.s32 $0xFFFFE000  }
0x186: {  	_ =	swait.ge [sflag:s12], $0x2000  }
.Ltmp0:
0x187: {  	[sflag:s12] =	ssyncset.done $0x0;
	(pc) =	sbr.rel @p0 .LBB2_2-.Ltmp0, $4  }
0x188: {  	[sflag:s12] =	ssyncadd.s32 $0xFFFFE000  }
0x189: {  	[spmem:s21] =	stream.indirect.scatter.add.f32 [tilespmem:s16], [sflag:$0x2], $0x80, s14, s0, $0xb8;
	[tilespmem:$0x18200] =	vst v63  }
0x18a: {  	_ =	swait.ge [sflag:s12], $0x2000  }
0x18b: {  	s23 =	smov.u32 s20;
	[sflag:s12] =	ssyncset.done $0x0  }
0x18c: {  	s20 =	sadd.s32 s18, s29;
	[sflag:s12] =	ssyncadd.s32 $0xFFFFE000  }
0x18d: {  	[tilespmem:s19], [sflag:$0x3] =	stream.linear.gather [hbm4b:s20+s11], $0x40, $0x38;
	[tilespmem:$0x18200] =	vst v63  }
0x18e: {  	_ =	swait.ge [sflag:s31], $0x40  }
0x18f: {  	[sflag:s31] =	ssyncset.done $0x0  }
0x190: {  	s18 =	sadd.s32 s18, s28;
	[sflag:s31] =	ssyncadd.s32 $0xFFFFFFC0  }
0x191: {  	[tilespmem:s11], [sflag:$0x3] =	stream.linear.gather [hbm4b:s18+s11], $0x40, $0x38;
	[tilespmem:$0x18200] =	vst v63  }
0x192: {  	_ =	swait.ge [sflag:s31], $0x40  }
0x193: {  	[sflag:s31] =	ssyncset.done $0x0  }
0x194: {  	[sflag:s31] =	ssyncadd.s32 $0xFFFFFFC0  }
0x195: {  	[tilespmem:s30], [sflag:$0x1] =	stream.indirect.gather [hbm4b:s24+s0], $0x80, s11, s0, $0xb8;
	[tilespmem:$0x18200] =	vst v63  }
0x196: {  	_ =	swait.ge [sflag:s13], $0x2000  }
0x197: {  	[sflag:s13] =	ssyncset.done $0x0  }
0x198: {  	s22 =	sadd.s32 $0x8, s20;
	[sflag:s13] =	ssyncadd.s32 $0xFFFFE000  }
0x199: {  	[tilespmem:s14], [sflag:$0x3] =	stream.linear.gather [hbm4b:s22+s11], $0x40, $0x38;
	[tilespmem:$0x18200] =	vst v63  }
0x19a: {  	_ =	swait.ge [sflag:s31], $0x40  }
0x19b: {  	[sflag:s31] =	ssyncset.done $0x0  }
0x19c: {  	s25 =	sadd.s32 $0x8, s18;
	[sflag:s31] =	ssyncadd.s32 $0xFFFFFFC0  }
0x19d: {  	[tilespmem:s15], [sflag:$0x3] =	stream.linear.gather [hbm4b:s25+s11], $0x40, $0x38;
	[tilespmem:$0x18200] =	vst v63  }
0x19e: {  	_ =	swait.ge [sflag:s31], $0x40  }
0x19f: {  	[sflag:s31] =	ssyncset.done $0x0  }
0x1a0: {  	[sflag:s31] =	ssyncadd.s32 $0xFFFFFFC0  }
0x1a1: {  	[tilespmem:s16], [sflag:$0x1] =	stream.indirect.gather [hbm4b:s24+s0], $0x80, s15, s0, $0xb8;
	[tilespmem:$0x18200] =	vst v63  }
0x1a2: {  	_ = 	snop  }
0x1a3: {  	[spmem:s21] =	stream.indirect.scatter.add.f32 [tilespmem:s30], [sflag:$0x2], $0x80, s19, s0, $0xb8;
	[tilespmem:$0x18200] =	vst v63  }
0x1a4: {  	_ =	swait.ge [sflag:s13], $0x2000  }
0x1a5: {  	[sflag:s13] =	ssyncset.done $0x0  }
0x1a6: {  	[sflag:s13] =	ssyncadd.s32 $0xFFFFE000  }
0x1a7: {  	_ =	swait.ge [sflag:s12], $0x2000  }
0x1a8: {  	[sflag:s12] =	ssyncset.done $0x0  }
0x1a9: {  	s23 =	sadd.s32 $0x10, s20;
	[sflag:s12] =	ssyncadd.s32 $0xFFFFE000  }
0x1aa: {  	[tilespmem:s19], [sflag:$0x3] =	stream.linear.gather [hbm4b:s23+s11], $0x40, $0x38;
	[tilespmem:$0x18200] =	vst v63  }
0x1ab: {  	_ =	swait.ge [sflag:s31], $0x40  }
0x1ac: {  	[sflag:s31] =	ssyncset.done $0x0  }
0x1ad: {  	s25 =	sadd.s32 $0x10, s18;
	[sflag:s31] =	ssyncadd.s32 $0xFFFFFFC0  }
0x1ae: {  	[tilespmem:s11], [sflag:$0x3] =	stream.linear.gather [hbm4b:s25+s11], $0x40, $0x38;
	[tilespmem:$0x18200] =	vst v63  }
0x1af: {  	_ =	swait.ge [sflag:s31], $0x40  }
0x1b0: {  	[sflag:s31] =	ssyncset.done $0x0  }
0x1b1: {  	[sflag:s31] =	ssyncadd.s32 $0xFFFFFFC0  }
0x1b2: {  	[tilespmem:s30], [sflag:$0x1] =	stream.indirect.gather [hbm4b:s24+s0], $0x80, s11, s0, $0xb8;
	[tilespmem:$0x18200] =	vst v63  }
0x1b3: {  	_ = 	snop  }
0x1b4: {  	[spmem:s21] =	stream.indirect.scatter.add.f32 [tilespmem:s16], [sflag:$0x2], $0x80, s14, s0, $0xb8;
	[tilespmem:$0x18200] =	vst v63  }
0x1b5: {  	_ =	swait.ge [sflag:s13], $0x2000  }
0x1b6: {  	[sflag:s13] =	ssyncset.done $0x0  }
0x1b7: {  	[sflag:s13] =	ssyncadd.s32 $0xFFFFE000  }
0x1b8: {  	_ =	swait.ge [sflag:s12], $0x2000  }
0x1b9: {  	[sflag:s12] =	ssyncset.done $0x0  }
0x1ba: {  	s23 =	sadd.s32 $0x18, s20;
	[sflag:s12] =	ssyncadd.s32 $0xFFFFE000  }
0x1bb: {  	[tilespmem:s14], [sflag:$0x3] =	stream.linear.gather [hbm4b:s23+s11], $0x40, $0x38;
	[tilespmem:$0x18200] =	vst v63  }
0x1bc: {  	_ =	swait.ge [sflag:s31], $0x40  }
0x1bd: {  	[sflag:s31] =	ssyncset.done $0x0  }
0x1be: {  	s25 =	sadd.s32 $0x18, s18;
	[sflag:s31] =	ssyncadd.s32 $0xFFFFFFC0  }
0x1bf: {  	[tilespmem:s15], [sflag:$0x3] =	stream.linear.gather [hbm4b:s25+s11], $0x40, $0x38;
	[tilespmem:$0x18200] =	vst v63  }
0x1c0: {  	_ =	swait.ge [sflag:s31], $0x40  }
0x1c1: {  	[sflag:s31] =	ssyncset.done $0x0  }
0x1c2: {  	[sflag:s31] =	ssyncadd.s32 $0xFFFFFFC0  }
0x1c3: {  	[tilespmem:s16], [sflag:$0x1] =	stream.indirect.gather [hbm4b:s24+s0], $0x80, s15, s0, $0xb8;
	[tilespmem:$0x18200] =	vst v63  }
0x1c4: {  	_ = 	snop  }
0x1c5: {  	[spmem:s21] =	stream.indirect.scatter.add.f32 [tilespmem:s30], [sflag:$0x2], $0x80, s19, s0, $0xb8;
	[tilespmem:$0x18200] =	vst v63  }
0x1c6: {  	_ =	swait.ge [sflag:s13], $0x2000  }
0x1c7: {  	[sflag:s13] =	ssyncset.done $0x0  }
0x1c8: {  	[sflag:s13] =	ssyncadd.s32 $0xFFFFE000  }
0x1c9: {  	_ =	swait.ge [sflag:s12], $0x2000  }
0x1ca: {  	[sflag:s12] =	ssyncset.done $0x0  }
0x1cb: {  	s23 =	sadd.s32 $0x20, s20;
	[sflag:s12] =	ssyncadd.s32 $0xFFFFE000  }
0x1cc: {  	[tilespmem:s19], [sflag:$0x3] =	stream.linear.gather [hbm4b:s23+s11], $0x40, $0x38;
	[tilespmem:$0x18200] =	vst v63  }
0x1cd: {  	_ =	swait.ge [sflag:s31], $0x40  }
0x1ce: {  	[sflag:s31] =	ssyncset.done $0x0  }
0x1cf: {  	s25 =	sadd.s32 $0x20, s18;
	[sflag:s31] =	ssyncadd.s32 $0xFFFFFFC0  }
0x1d0: {  	[tilespmem:s11], [sflag:$0x3] =	stream.linear.gather [hbm4b:s25+s11], $0x40, $0x38;
	[tilespmem:$0x18200] =	vst v63  }
0x1d1: {  	_ =	swait.ge [sflag:s31], $0x40  }
0x1d2: {  	[sflag:s31] =	ssyncset.done $0x0  }
0x1d3: {  	[sflag:s31] =	ssyncadd.s32 $0xFFFFFFC0  }
0x1d4: {  	[tilespmem:s30], [sflag:$0x1] =	stream.indirect.gather [hbm4b:s24+s0], $0x80, s11, s0, $0xb8;
	[tilespmem:$0x18200] =	vst v63  }
0x1d5: {  	_ = 	snop  }
0x1d6: {  	[spmem:s21] =	stream.indirect.scatter.add.f32 [tilespmem:s16], [sflag:$0x2], $0x80, s14, s0, $0xb8;
	[tilespmem:$0x18200] =	vst v63  }
0x1d7: {  	_ =	swait.ge [sflag:s13], $0x2000  }
0x1d8: {  	[sflag:s13] =	ssyncset.done $0x0  }
0x1d9: {  	[sflag:s13] =	ssyncadd.s32 $0xFFFFE000  }
0x1da: {  	_ =	swait.ge [sflag:s12], $0x2000  }
0x1db: {  	[sflag:s12] =	ssyncset.done $0x0  }
0x1dc: {  	s23 =	sadd.s32 $0x28, s20;
	[sflag:s12] =	ssyncadd.s32 $0xFFFFE000  }
0x1dd: {  	[tilespmem:s14], [sflag:$0x3] =	stream.linear.gather [hbm4b:s23+s11], $0x40, $0x38;
	[tilespmem:$0x18200] =	vst v63  }
0x1de: {  	_ =	swait.ge [sflag:s31], $0x40  }
0x1df: {  	[sflag:s31] =	ssyncset.done $0x0  }
0x1e0: {  	s25 =	sadd.s32 $0x28, s18;
	[sflag:s31] =	ssyncadd.s32 $0xFFFFFFC0  }
0x1e1: {  	[tilespmem:s15], [sflag:$0x3] =	stream.linear.gather [hbm4b:s25+s11], $0x40, $0x38;
	[tilespmem:$0x18200] =	vst v63  }
0x1e2: {  	_ =	swait.ge [sflag:s31], $0x40  }
0x1e3: {  	[sflag:s31] =	ssyncset.done $0x0  }
0x1e4: {  	[sflag:s31] =	ssyncadd.s32 $0xFFFFFFC0  }
0x1e5: {  	[tilespmem:s16], [sflag:$0x1] =	stream.indirect.gather [hbm4b:s24+s0], $0x80, s15, s0, $0xb8;
	[tilespmem:$0x18200] =	vst v63  }
0x1e6: {  	_ = 	snop  }
0x1e7: {  	[spmem:s21] =	stream.indirect.scatter.add.f32 [tilespmem:s30], [sflag:$0x2], $0x80, s19, s0, $0xb8;
	[tilespmem:$0x18200] =	vst v63  }
0x1e8: {  	_ =	swait.ge [sflag:s13], $0x2000  }
0x1e9: {  	[sflag:s13] =	ssyncset.done $0x0  }
0x1ea: {  	[sflag:s13] =	ssyncadd.s32 $0xFFFFE000  }
0x1eb: {  	_ =	swait.ge [sflag:s12], $0x2000  }
0x1ec: {  	[sflag:s12] =	ssyncset.done $0x0  }
0x1ed: {  	s23 =	sadd.s32 $0x30, s20;
	[sflag:s12] =	ssyncadd.s32 $0xFFFFE000  }
0x1ee: {  	[tilespmem:s19], [sflag:$0x3] =	stream.linear.gather [hbm4b:s23+s11], $0x40, $0x38;
	[tilespmem:$0x18200] =	vst v63  }
0x1ef: {  	_ =	swait.ge [sflag:s31], $0x40  }
0x1f0: {  	[sflag:s31] =	ssyncset.done $0x0  }
0x1f1: {  	s25 =	sadd.s32 $0x30, s18;
	[sflag:s31] =	ssyncadd.s32 $0xFFFFFFC0  }
0x1f2: {  	[tilespmem:s11], [sflag:$0x3] =	stream.linear.gather [hbm4b:s25+s11], $0x40, $0x38;
	[tilespmem:$0x18200] =	vst v63  }
0x1f3: {  	_ =	swait.ge [sflag:s31], $0x40  }
0x1f4: {  	[sflag:s31] =	ssyncset.done $0x0  }
0x1f5: {  	[sflag:s31] =	ssyncadd.s32 $0xFFFFFFC0  }
0x1f6: {  	[tilespmem:s30], [sflag:$0x1] =	stream.indirect.gather [hbm4b:s24+s0], $0x80, s11, s0, $0xb8;
	[tilespmem:$0x18200] =	vst v63  }
0x1f7: {  	_ = 	snop  }
0x1f8: {  	[spmem:s21] =	stream.indirect.scatter.add.f32 [tilespmem:s16], [sflag:$0x2], $0x80, s14, s0, $0xb8;
	[tilespmem:$0x18200] =	vst v63  }
0x1f9: {  	_ =	swait.ge [sflag:s13], $0x2000  }
0x1fa: {  	[sflag:s13] =	ssyncset.done $0x0  }
0x1fb: {  	[sflag:s13] =	ssyncadd.s32 $0xFFFFE000  }
0x1fc: {  	_ =	swait.ge [sflag:s12], $0x2000  }
0x1fd: {  	[sflag:s12] =	ssyncset.done $0x0  }
0x1fe: {  	s20 =	sadd.s32 $0x38, s20;
	[sflag:s12] =	ssyncadd.s32 $0xFFFFE000  }
0x1ff: {  	[tilespmem:s14], [sflag:$0x3] =	stream.linear.gather [hbm4b:s20+s11], $0x40, $0x38;
	[tilespmem:$0x18200] =	vst v63  }
0x200: {  	_ =	swait.ge [sflag:s31], $0x40  }
0x201: {  	[sflag:s31] =	ssyncset.done $0x0  }
0x202: {  	s18 =	sadd.s32 $0x38, s18;
	[sflag:s31] =	ssyncadd.s32 $0xFFFFFFC0  }
0x203: {  	[tilespmem:s15], [sflag:$0x3] =	stream.linear.gather [hbm4b:s18+s11], $0x40, $0x38;
	[tilespmem:$0x18200] =	vst v63  }
0x204: {  	_ =	swait.ge [sflag:s31], $0x40  }
0x205: {  	[sflag:s31] =	ssyncset.done $0x0  }
0x206: {  	[sflag:s31] =	ssyncadd.s32 $0xFFFFFFC0  }
0x207: {  	[tilespmem:s16], [sflag:$0x1] =	stream.indirect.gather [hbm4b:s24+s0], $0x80, s15, s0, $0xb8;
	[tilespmem:$0x18200] =	vst v63  }
0x208: {  	_ = 	snop  }
0x209: {  	[spmem:s21] =	stream.indirect.scatter.add.f32 [tilespmem:s30], [sflag:$0x2], $0x80, s19, s0, $0xb8;
	[tilespmem:$0x18200] =	vst v63  }
0x20a: {  	_ =	swait.ge [sflag:s13], $0x2000  }
0x20b: {  	[sflag:s13] =	ssyncset.done $0x0  }
0x20c: {  	[sflag:s13] =	ssyncadd.s32 $0xFFFFE000  }
0x20d: {  	_ =	swait.ge [sflag:s12], $0x2000  }
0x20e: {  	[sflag:s12] =	ssyncset.done $0x0  }
0x20f: {  	[sflag:s12] =	ssyncadd.s32 $0xFFFFE000  }
0x210: {  	[spmem:s21] =	stream.indirect.scatter.add.f32 [tilespmem:s16], [sflag:$0x2], $0x80, s14, s0, $0xb8;
	[tilespmem:$0x18200] =	vst v63  }
0x211: {  	_ =	swait.ge [sflag:s12], $0x2000  }
0x212: {  	[sflag:s12] =	ssyncset.done $0x0  }
0x213: {  	[sflag:s12] =	ssyncadd.s32 $0xFFFFE000  }
0x214: {  	[bflag:$0x0] =	sbarrier.arrive $0xFFFF  }
0x215: {  	[tilespmem:s19], [sflag:$0x3] =	stream.linear.gather [hbm4b:s1+s11], $0x40, $0x38;
	[tilespmem:$0x18200] =	vst v63  }
0x216: {  	_ =	swait.ge [sflag:s31], $0x40  }
0x217: {  	[sflag:s31] =	ssyncset.done $0x0  }
0x218: {  	[sflag:s31] =	ssyncadd.s32 $0xFFFFFFC0  }
0x219: {  	[tilespmem:s30], [sflag:$0x1] =	stream.indirect.gather [spmem:s21], $0x80, s19, s0, $0xb8;
	[tilespmem:$0x18200] =	vst v63  }
0x21a: {  	_ =	swait.ge [sflag:s13], $0x2000  }
0x21b: {  	[sflag:s13] =	ssyncset.done $0x0  }
0x21c: {  	s23 =	rddreg [dreg:$0x4];
	[sflag:s13] =	ssyncadd.s32 $0xFFFFE000  }
0x21d: {  	[hbm4b:s23+s11] =	stream.linear.scatter [tilespmem:s30], [sflag:$0x3], $0x2000, $0x38;
	[tilespmem:$0x18200] =	vst v63  }
0x21e: {  	_ =	swait.ge [sflag:s31], $0x2000  }
0x21f: {  	[sflag:s31] =	ssyncset.done $0x0  }
0x220: {  	[sflag:s31] =	ssyncadd.s32 $0xFFFFE000  }
0x221: {  	[tilespmem:s19], [sflag:$0x3] =	stream.linear.gather [hbm4b:s2+s11], $0x40, $0x38;
	[tilespmem:$0x18200] =	vst v63  }
0x222: {  	_ =	swait.ge [sflag:s31], $0x40  }
0x223: {  	[sflag:s31] =	ssyncset.done $0x0  }
0x224: {  	[sflag:s31] =	ssyncadd.s32 $0xFFFFFFC0  }
0x225: {  	[tilespmem:s30], [sflag:$0x1] =	stream.indirect.gather [spmem:s21], $0x80, s19, s0, $0xb8;
	[tilespmem:$0x18200] =	vst v63  }
0x226: {  	_ =	swait.ge [sflag:s13], $0x2000  }
0x227: {  	[sflag:s13] =	ssyncset.done $0x0  }
0x228: {  	s25 =	rddreg [dreg:$0x5];
	[sflag:s13] =	ssyncadd.s32 $0xFFFFE000  }
0x229: {  	[hbm4b:s25+s11] =	stream.linear.scatter [tilespmem:s30], [sflag:$0x3], $0x2000, $0x38;
	[tilespmem:$0x18200] =	vst v63  }
0x22a: {  	_ =	swait.ge [sflag:s31], $0x2000  }
0x22b: {  	[sflag:s31] =	ssyncset.done $0x0  }
0x22c: {  	[sflag:s31] =	ssyncadd.s32 $0xFFFFE000  }
0x22d: {  	[tilespmem:s19], [sflag:$0x3] =	stream.linear.gather [hbm4b:s3+s11], $0x40, $0x38;
	[tilespmem:$0x18200] =	vst v63  }
0x22e: {  	_ =	swait.ge [sflag:s31], $0x40  }
0x22f: {  	[sflag:s31] =	ssyncset.done $0x0  }
0x230: {  	[sflag:s31] =	ssyncadd.s32 $0xFFFFFFC0  }
0x231: {  	[tilespmem:s30], [sflag:$0x1] =	stream.indirect.gather [spmem:s21], $0x80, s19, s0, $0xb8;
	[tilespmem:$0x18200] =	vst v63  }
0x232: {  	_ =	swait.ge [sflag:s13], $0x2000  }
0x233: {  	[sflag:s13] =	ssyncset.done $0x0  }
0x234: {  	s20 =	rddreg [dreg:$0x6];
	[sflag:s13] =	ssyncadd.s32 $0xFFFFE000  }
0x235: {  	[hbm4b:s20+s11] =	stream.linear.scatter [tilespmem:s30], [sflag:$0x3], $0x2000, $0x38;
	[tilespmem:$0x18200] =	vst v63  }
0x236: {  	_ =	swait.ge [sflag:s31], $0x2000  }
0x237: {  	[sflag:s31] =	ssyncset.done $0x0  }
0x238: {  	[sflag:s31] =	ssyncadd.s32 $0xFFFFE000  }
0x239: {  	[tilespmem:s19], [sflag:$0x3] =	stream.linear.gather [hbm4b:s4+s11], $0x40, $0x38;
	[tilespmem:$0x18200] =	vst v63  }
0x23a: {  	_ =	swait.ge [sflag:s31], $0x40  }
0x23b: {  	[sflag:s31] =	ssyncset.done $0x0  }
0x23c: {  	[sflag:s31] =	ssyncadd.s32 $0xFFFFFFC0  }
0x23d: {  	[tilespmem:s30], [sflag:$0x1] =	stream.indirect.gather [spmem:s21], $0x80, s19, s0, $0xb8;
	[tilespmem:$0x18200] =	vst v63  }
0x23e: {  	_ =	swait.ge [sflag:s13], $0x2000  }
0x23f: {  	[sflag:s13] =	ssyncset.done $0x0  }
0x240: {  	s22 =	rddreg [dreg:$0x7];
	[sflag:s13] =	ssyncadd.s32 $0xFFFFE000  }
0x241: {  	[hbm4b:s22+s11] =	stream.linear.scatter [tilespmem:s30], [sflag:$0x3], $0x2000, $0x38;
	[tilespmem:$0x18200] =	vst v63  }
0x242: {  	_ =	swait.ge [sflag:s31], $0x2000  }
0x243: {  	[sflag:s31] =	ssyncset.done $0x0  }
0x244: {  	[sflag:s31] =	ssyncadd.s32 $0xFFFFE000  }
0x245: {  	[tilespmem:s19], [sflag:$0x3] =	stream.linear.gather [hbm4b:s5+s11], $0x40, $0x38;
	[tilespmem:$0x18200] =	vst v63  }
0x246: {  	_ =	swait.ge [sflag:s31], $0x40  }
0x247: {  	[sflag:s31] =	ssyncset.done $0x0  }
0x248: {  	[sflag:s31] =	ssyncadd.s32 $0xFFFFFFC0  }
0x249: {  	[tilespmem:s30], [sflag:$0x1] =	stream.indirect.gather [spmem:s21], $0x80, s19, s0, $0xb8;
	[tilespmem:$0x18200] =	vst v63  }
0x24a: {  	_ =	swait.ge [sflag:s13], $0x2000  }
0x24b: {  	[sflag:s13] =	ssyncset.done $0x0  }
0x24c: {  	s23 =	rddreg [dreg:$0x8];
	[sflag:s13] =	ssyncadd.s32 $0xFFFFE000  }
0x24d: {  	[hbm4b:s23+s11] =	stream.linear.scatter [tilespmem:s30], [sflag:$0x3], $0x2000, $0x38;
	[tilespmem:$0x18200] =	vst v63  }
0x24e: {  	_ =	swait.ge [sflag:s31], $0x2000  }
0x24f: {  	[sflag:s31] =	ssyncset.done $0x0  }
0x250: {  	[sflag:s31] =	ssyncadd.s32 $0xFFFFE000  }
0x251: {  	[tilespmem:s19], [sflag:$0x3] =	stream.linear.gather [hbm4b:s6+s11], $0x40, $0x38;
	[tilespmem:$0x18200] =	vst v63  }
0x252: {  	_ =	swait.ge [sflag:s31], $0x40  }
0x253: {  	[sflag:s31] =	ssyncset.done $0x0  }
0x254: {  	[sflag:s31] =	ssyncadd.s32 $0xFFFFFFC0  }
0x255: {  	[tilespmem:s30], [sflag:$0x1] =	stream.indirect.gather [spmem:s21], $0x80, s19, s0, $0xb8;
	[tilespmem:$0x18200] =	vst v63  }
0x256: {  	_ =	swait.ge [sflag:s13], $0x2000  }
0x257: {  	[sflag:s13] =	ssyncset.done $0x0  }
0x258: {  	s25 =	rddreg [dreg:$0x9];
	[sflag:s13] =	ssyncadd.s32 $0xFFFFE000  }
0x259: {  	[hbm4b:s25+s11] =	stream.linear.scatter [tilespmem:s30], [sflag:$0x3], $0x2000, $0x38;
	[tilespmem:$0x18200] =	vst v63  }
0x25a: {  	_ =	swait.ge [sflag:s31], $0x2000  }
0x25b: {  	[sflag:s31] =	ssyncset.done $0x0  }
0x25c: {  	[sflag:s31] =	ssyncadd.s32 $0xFFFFE000  }
0x25d: {  	[tilespmem:s19], [sflag:$0x3] =	stream.linear.gather [hbm4b:s7+s11], $0x40, $0x38;
	[tilespmem:$0x18200] =	vst v63  }
0x25e: {  	_ =	swait.ge [sflag:s31], $0x40  }
0x25f: {  	[sflag:s31] =	ssyncset.done $0x0  }
0x260: {  	[sflag:s31] =	ssyncadd.s32 $0xFFFFFFC0  }
0x261: {  	[tilespmem:s30], [sflag:$0x1] =	stream.indirect.gather [spmem:s21], $0x80, s19, s0, $0xb8;
	[tilespmem:$0x18200] =	vst v63  }
0x262: {  	_ =	swait.ge [sflag:s13], $0x2000  }
0x263: {  	[sflag:s13] =	ssyncset.done $0x0  }
0x264: {  	s20 =	rddreg [dreg:$0xa];
	[sflag:s13] =	ssyncadd.s32 $0xFFFFE000  }
0x265: {  	[hbm4b:s20+s11] =	stream.linear.scatter [tilespmem:s30], [sflag:$0x3], $0x2000, $0x38;
	[tilespmem:$0x18200] =	vst v63  }
0x266: {  	_ =	swait.ge [sflag:s31], $0x2000  }
0x267: {  	[sflag:s31] =	ssyncset.done $0x0  }
0x268: {  	[sflag:s31] =	ssyncadd.s32 $0xFFFFE000  }
0x269: {  	[tilespmem:s19], [sflag:$0x3] =	stream.linear.gather [hbm4b:s8+s11], $0x40, $0x38;
	[tilespmem:$0x18200] =	vst v63  }
0x26a: {  	_ =	swait.ge [sflag:s31], $0x40  }
0x26b: {  	[sflag:s31] =	ssyncset.done $0x0  }
0x26c: {  	[sflag:s31] =	ssyncadd.s32 $0xFFFFFFC0  }
0x26d: {  	[tilespmem:s30], [sflag:$0x1] =	stream.indirect.gather [spmem:s21], $0x80, s19, s0, $0xb8;
	[tilespmem:$0x18200] =	vst v63  }
0x26e: {  	_ =	swait.ge [sflag:s13], $0x2000  }
0x26f: {  	[sflag:s13] =	ssyncset.done $0x0  }
0x270: {  	s22 =	rddreg [dreg:$0xb];
	[sflag:s13] =	ssyncadd.s32 $0xFFFFE000  }
0x271: {  	[hbm4b:s22+s11] =	stream.linear.scatter [tilespmem:s30], [sflag:$0x3], $0x2000, $0x38;
	[tilespmem:$0x18200] =	vst v63  }
0x272: {  	_ =	swait.ge [sflag:s31], $0x2000  }
0x273: {  	[sflag:s31] =	ssyncset.done $0x0  }
0x274: {  	[sflag:s31] =	ssyncadd.s32 $0xFFFFE000  }
0x275: {  	[tilespmem:s19], [sflag:$0x3] =	stream.linear.gather [hbm4b:s9+s11], $0x40, $0x38;
	[tilespmem:$0x18200] =	vst v63  }
0x276: {  	_ =	swait.ge [sflag:s31], $0x40  }
0x277: {  	[sflag:s31] =	ssyncset.done $0x0  }
0x278: {  	[sflag:s31] =	ssyncadd.s32 $0xFFFFFFC0  }
0x279: {  	[tilespmem:s30], [sflag:$0x1] =	stream.indirect.gather [spmem:s21], $0x80, s19, s0, $0xb8;
	[tilespmem:$0x18200] =	vst v63  }
0x27a: {  	_ =	swait.ge [sflag:s13], $0x2000  }
0x27b: {  	[sflag:s13] =	ssyncset.done $0x0  }
0x27c: {  	s23 =	rddreg [dreg:$0xc];
	[sflag:s13] =	ssyncadd.s32 $0xFFFFE000  }
0x27d: {  	[hbm4b:s23+s11] =	stream.linear.scatter [tilespmem:s30], [sflag:$0x3], $0x2000, $0x38;
	[tilespmem:$0x18200] =	vst v63  }
0x27e: {  	_ =	swait.ge [sflag:s31], $0x2000  }
0x27f: {  	[sflag:s31] =	ssyncset.done $0x0  }
0x280: {  	[sflag:s31] =	ssyncadd.s32 $0xFFFFE000  }
0x281: {  	[tilespmem:s19], [sflag:$0x3] =	stream.linear.gather [hbm4b:s10+s11], $0x40, $0x38;
	[tilespmem:$0x18200] =	vst v63  }
0x282: {  	_ =	swait.ge [sflag:s31], $0x40  }
0x283: {  	[sflag:s31] =	ssyncset.done $0x0  }
0x284: {  	[sflag:s31] =	ssyncadd.s32 $0xFFFFFFC0  }
0x285: {  	[tilespmem:s30], [sflag:$0x1] =	stream.indirect.gather [spmem:s21], $0x80, s19, s0, $0xb8;
	[tilespmem:$0x18200] =	vst v63  }
0x286: {  	s17 =	sadd.s32 $0x1, s17;
	_ =	swait.ge [sflag:s13], $0x2000  }
0x287: {  	p0 =	sne.s32 s17, s26;
	[sflag:s13] =	ssyncset.done $0x0  }
.Ltmp1:
0x288: {  	s25 =	rddreg [dreg:$0xd];
	[sflag:s13] =	ssyncadd.s32 $0xFFFFE000;
	(pc) =	sbr.rel @p0 .LBB2_1-.Ltmp1, $4  }
0x289: {  	[hbm4b:s25+s11] =	stream.linear.scatter [tilespmem:s30], [sflag:$0x3], $0x2000, $0x38;
	[tilespmem:$0x18200] =	vst v63  }
0x28a: {  	_ =	swait.ge [sflag:s31], $0x2000  }
0x28b: {  	[sflag:s31] =	ssyncset.done $0x0  }
0x28c: {  	[sflag:s31] =	ssyncadd.s32 $0xFFFFE000  }
0x28d: {  	_ =	sfence.sel $0x180000  }
0x28e: {  	[bflag:$0x0] =	sbarrier.arrive $0xFFFF  }
0x28f: {  	_ =	strace $0x9000004D  }
0x290: {  	s0 =	stileid.u32;
	[bflag:$0x2] =	sbarrier.arrive $0xFFFF  }
0x291: {  	p0 =	sne.s32 s0, $0x0;
	s0 =	rddreg [dreg:$0x3]  }
0x292: {  	s0 =	sadd.s32 @!p0 $0x100000, s0  }
0x293: {  	[sflag:s0] =	ssyncadd.tile.s32 @!p0 $0x1;
	_ =	shalt  }
.Lfunc_end2:
_tile_overlayer_lowered:
.L_overlay_start_2:
0x294: {  	(tag) =	ssettag $0x2  }
0x295: {  	s0 =	rddreg [dreg:$0x0];
	s2 =	stileid.u32  }
0x296: {  	s1 =	rddreg [dreg:$0x1];
	p0 =	sne.s32 s2, $0x0  }
0x297: {  	s3 =	rddreg [dreg:$0x2];
	[bflag:$0x3] =	sbarrier.arrive $0xFFFF;
	s2 =	simm.s32 @!p0 $0x1C03  }
0x298: {  	[timem:s3], [sflag:s2] =	dma.local @!p0 [hbm:s0], s1  }
0x299: {  	s0 =	simm.s32 @!p0 $0x3  }
0x29a: {  	_ =	swait.ge @!p0 [sflag:s0], s1  }
0x29b: {  	s1 =	ssub.s32 @!p0 $0x0, s1;
	[sflag:s0] =	ssyncset.done @!p0 $0x0  }
0x29c: {  	[sflag:s0] =	ssyncadd.s32 @!p0 s1  }
0x29d: {  	[bflag:$0x3] =	sbarrier.arrive $0xFFFF  }
0x29e: {  	_ =	shalt  }

// kernel: kernel.13.cloned.1.call-start
scs
__scs_entry_jumppad:
0x0: {  	(pc) =	sbr.rel $0x88, $3  }
0x1: {  	(tag) =	ssettag $0x0;
	lr =	simm.s32 $0x1  }
0x2: {  	[smem:$0x3F9A] =	sst lr;
	_ =	strace $0xD0000000  }
0x3: {  	_ = 	snop  }
0x4: {  	_ = 	snop  }
0x5: {  	_ = 	snop  }
0x6: {  	_ = 	snop  }
0x7: {  	_ = 	snop  }
__scs_overlays_trampoline_lowered:
0x8: {  	[smem:$0x3FA9] =	sst s0  }
0x9: {  	[smem:$0x3FAA] =	sst s1  }
0xa: {  	[smem:$0x3FAB] =	sst s2  }
0xb: {  	[smem:$0x3FAC] =	sst s3  }
0xc: {  	[smem:$0x3FAD] =	sst s4  }
0xd: {  	[smem:$0x3FAE] =	sst s5  }
0xe: {  	[smem:$0x3FAF] =	sst s6  }
0xf: {  	[smem:$0x3FB0] =	sst s7  }
0x10: {  	[smem:$0x3FB1] =	sst s8  }
0x11: {  	[smem:$0x3FB2] =	sst s9;
	s0 =	simm.s32 @!p0 $0x0  }
0x12: {  	s1 =	sld [smem:$0x3F98];
	s0 =	simm.s32 @p0 $0x1  }
0x13: {  	[smem:$0x3FB3] =	sst s0;
	s0 =	simm.s32 @!p1 $0x0  }
0x14: {  	s2 =	sld [smem:$0x3F97];
	s0 =	simm.s32 @p1 $0x1  }
0x15: {  	[smem:$0x3FB4] =	sst s0;
	s0 =	simm.s32 @!p2 $0x0  }
0x16: {  	s3 =	sld [smem:$0x3FDB];
	s0 =	simm.s32 @p2 $0x1  }
0x17: {  	s4 =	simm.s32 $0x1BF5;
	[smem:$0x3FB6] =	sst s0  }
0x18: {  	s0 =	sld [smem:$0x3F99];
	_ =	swait.ge [sflag:s4], $0x0  }
0x19: {  	s7 =	sld [smem:$0x3F9A]  }
0x1a: {  	s8 =	sadd.s32 $0xFFFFE003, lr  }
0x1b: {  	s9 =	sadd.s32 $0xFFFFFEF7, lr;
	s5 =	simm.s32 $0xFFFFFFFF;
	p2 =	slt.u32 s8, $0xFFFFF086  }
0x1c: {  	p1 =	slt.u32 s9, $0xF7A;
	s5 =	simm.s32 @!p2 $0x0  }
0x1d: {  	s5 =	simm.s32 @p1 $0x1;
	p0 =	seq.s32 s7, s2  }
0x1e: {  	s7 =	smul.u32 @!p0 $0xF7A, s2;
	p2 =	seq.s32 @!p0 s5, $0x0  }
0x1f: {  	s9 =	smul.u32 $0xF7A, s1;
	s8 =	simm.s32 @!p0 $0x1BF5;
	p2 =	por !p2, p0  }
0x20: {  	[sflag:s8] =	ssyncset.s32 @!p0 $0xFFFFF086;
	s6 =	sadd.s32 @!p0 s3, s7;
	s7 =	simm.s32 @!p0 $0x108  }
0x21: {  	s3 =	sadd.s32 s3, s9;
	s6 =	sadd.s32 @!p0 $0x88, s6;
	s7 =	simm.s32 @p2 $0x1082  }
0x22: {  	[simem:s7], [sflag:s8] =	dma.local @!p0 [hbm:s6], $0xF7A  }
0x23: {  	s9 =	sor.u32 $0xD0000000, s2;
	s6 =	simm.s32 $0x108;
	_ =	swait.ge @!p0 [sflag:s8], $0x0  }
0x24: {  	s3 =	sadd.s32 $0x88, s3;
	s6 =	simm.s32 @!p1 $0x1082;
	[sflag:s4] =	ssyncset.s32 $0xFFFFF086  }
0x25: {  	[simem:s6], [sflag:s4] =	dma.local [hbm:s3], $0xF7A  }
0x26: {  	[smem:$0x3F9A] =	sst s1;
	(tag) =	ssettag s2;
	_ =	strace s9  }
0x27: {  	s1 =	sld [smem:$0x3FAA]  }
0x28: {  	s2 =	sld [smem:$0x3FAB]  }
0x29: {  	s4 =	sld [smem:$0x3FAD]  }
0x2a: {  	p0 =	seq.s32 s5, $0x0;
	s5 =	sld [smem:$0x3FAE]  }
0x2b: {  	s6 =	sld [smem:$0x3FAF]  }
0x2c: {  	s7 =	sld [smem:$0x3FB0]  }
0x2d: {  	s3 =	simm.s32 $0x108;
	s8 =	sld [smem:$0x3FB1]  }
0x2e: {  	s3 =	simm.s32 @!p0 $0x1082;
	s9 =	sld [smem:$0x3FB2]  }
0x2f: {  	lr =	sadd.s32 s0, s3;
	s0 =	sld [smem:$0x3FA9]  }
0x30: {  	s3 =	sld [smem:$0x3FAC]  }
0x31: {  	[smem:$0x3FB5] =	sst s10  }
0x32: {  	s10 =	sld [smem:$0x3FB3];
	_ =	sdelay $0x3  }
0x33: {  	p0 =	seq.s32 s10, $0x1;
	s10 =	sld [smem:$0x3FB5];
	_ =	sdelay $0x3  }
0x34: {  	[smem:$0x3FB5] =	sst s10  }
0x35: {  	s10 =	sld [smem:$0x3FB4];
	_ =	sdelay $0x3  }
0x36: {  	p1 =	seq.s32 s10, $0x1;
	s10 =	sld [smem:$0x3FB5];
	_ =	sdelay $0x3  }
0x37: {  	[smem:$0x3FB5] =	sst s10  }
0x38: {  	s10 =	sld [smem:$0x3FB6]  }
0x39: {  	_ = 	snop;
	(pc) =	sbr.ind lr, $3  }
0x3a: {  	_ = 	snop  }
0x3b: {  	_ = 	snop  }
0x3c: {  	p2 =	seq.s32 s10, $0x1;
	s10 =	sld [smem:$0x3FB5]  }
0x3d: {  	_ =	shalt  }
0x3e: {  	_ =	shalt  }
0x3f: {  	_ =	shalt  }
0x40: {  	_ =	shalt  }
0x41: {  	_ =	shalt  }
0x42: {  	_ =	shalt  }
0x43: {  	_ =	shalt  }
0x44: {  	_ =	shalt  }
0x45: {  	_ =	shalt  }
0x46: {  	_ =	shalt  }
0x47: {  	_ =	shalt  }
0x48: {  	_ =	shalt  }
0x49: {  	_ =	shalt  }
0x4a: {  	_ =	shalt  }
0x4b: {  	_ =	shalt  }
0x4c: {  	_ =	shalt  }
0x4d: {  	_ =	shalt  }
0x4e: {  	_ =	shalt  }
0x4f: {  	_ =	shalt  }
0x50: {  	_ =	shalt  }
0x51: {  	_ =	shalt  }
0x52: {  	_ =	shalt  }
0x53: {  	_ =	shalt  }
0x54: {  	_ =	shalt  }
0x55: {  	_ =	shalt  }
0x56: {  	_ =	shalt  }
0x57: {  	_ =	shalt  }
0x58: {  	_ =	shalt  }
0x59: {  	_ =	shalt  }
0x5a: {  	_ =	shalt  }
0x5b: {  	_ =	shalt  }
0x5c: {  	_ =	shalt  }
0x5d: {  	_ =	shalt  }
0x5e: {  	_ =	shalt  }
0x5f: {  	_ =	shalt  }
0x60: {  	_ =	shalt  }
0x61: {  	_ =	shalt  }
0x62: {  	_ =	shalt  }
0x63: {  	_ =	shalt  }
0x64: {  	_ =	shalt  }
0x65: {  	_ =	shalt  }
0x66: {  	_ =	shalt  }
0x67: {  	_ =	shalt  }
0x68: {  	_ =	shalt  }
0x69: {  	_ =	shalt  }
0x6a: {  	_ =	shalt  }
0x6b: {  	_ =	shalt  }
0x6c: {  	_ =	shalt  }
0x6d: {  	_ =	shalt  }
0x6e: {  	_ =	shalt  }
0x6f: {  	_ =	shalt  }
0x70: {  	_ =	shalt  }
0x71: {  	_ =	shalt  }
0x72: {  	_ =	shalt  }
0x73: {  	_ =	shalt  }
0x74: {  	_ =	shalt  }
0x75: {  	_ =	shalt  }
0x76: {  	_ =	shalt  }
0x77: {  	_ =	shalt  }
0x78: {  	_ =	shalt  }
0x79: {  	_ =	shalt  }
0x7a: {  	_ =	shalt  }
0x7b: {  	_ =	shalt  }
0x7c: {  	_ =	shalt  }
0x7d: {  	_ =	shalt  }
0x7e: {  	_ =	shalt  }
0x7f: {  	_ =	shalt  }
0x80: {  	_ =	shalt  }
0x81: {  	_ =	shalt  }
0x82: {  	_ =	shalt  }
0x83: {  	_ =	shalt  }
0x84: {  	_ =	shalt  }
0x85: {  	_ =	shalt  }
0x86: {  	_ =	shalt  }
0x87: {  	_ =	shalt  }
.Lfunc_end0:
.L_simem_size_0:
called_computation.2_lowered:
.L_overlay_start_0:
0x88: {  	s2 =	sld [smem:$0x3FD9]  }
0x89: {  	s3 =	sld [smem:$0x3FFE];
	_ =	sdelay $0x1  }
0x8a: {  	s1 =	srdreg.scid  }
0x8b: {  	s0 =	sand.u32 $0x1, s1  }
0x8c: {  	s17 =	sshll.u32 s0, $0xA;
	s2 =	sadd.s32 s3, s2  }
0x8d: {  	s2 =	sadd.s32 s2, s17  }
0x8e: {  	[smem:$0x3FC1] =	sst s2  }
0x8f: {  	_ = 	snop  }
0x90: {  	(tm) =	ssettm $0x1  }
0x91: {  	s18 =	sld [smem:$0x3FFB];
	_ =	sdelay $0x3  }
0x92: {  	_ =	strace s18  }
0x93: {  	s2 =	sld [smem:$0x3FFC];
	_ =	sdelay $0x3  }
0x94: {  	_ =	strace s2  }
0x95: {  	s2 =	sld [smem:$0x3FFD];
	_ =	sdelay $0x3  }
0x96: {  	_ =	strace s2  }
0x97: {  	_ =	strace $0x8FFFFFFF  }
0x98: {  	s19 =	sld [smem:$0x3FDB];
	_ =	sdelay $0x1  }
0x99: {  	s20 =	simm.s32 $_scs_section_size  }
0x9a: {  	s4 =	simm.s32 $_size__tile_overlayer_lowered;
	s5 =	simm.s32 $_tile_overlayer_lowered  }
0x9b: {  	s6 =	simm.s32 $0x1BFF;
	s21 =	sshll.u32 s5, $0x1;
	s3 =	sadd.s32 s20, s19  }
0x9c: {  	s22 =	simm.s32 $0x0;
	s4 =	sshll.u32 s4, $0x1;
	s5 =	sadd.s32 s21, s3  }
0x9d: {  	[timem:s22], [sflag:s6] =	dma.local [hbm:s5], s4  }
0x9e: {  	_ =	swait.ge [sflag:s6], s4  }
0x9f: {  	s4 =	ssub.s32 $0x0, s4;
	[sflag:s6] =	ssyncset.done $0x0  }
0xa0: {  	[sflag:s6] =	ssyncadd.s32 s4;
	_ =	sdelay $0x1  }
0xa1: {  	s23 =	simm.s32 $0x1B8B  }
0xa2: {  	_ =	swait.ge [sflag:s23], $0x1  }
0xa3: {  	[sflag:s23] =	ssyncset.done $0x0  }
0xa4: {  	[sflag:s23] =	ssyncadd.s32 $0xFFFFFFFF  }
0xa5: {  	s4 =	sld [smem:$0x0]  }
0xa6: {  	s5 =	sand.u32 $0xFFFFFFFE, s1  }
0xa7: {  	p0 =	sne.s32 s1, s5  }
0xa8: {  	s5 =	sshll.u32 @p0 s5, $0xE  }
0xa9: {  	s5 =	sadd.s32 @p0 $0x11B8D, s5;
	s6 =	sshll.u32 @p0 s4, $0x11  }
0xaa: {  	s5 =	sor.u32 @p0 s6, s5  }
0xab: {  	[sflag:s5] =	ssyncadd.remote.s32 @p0 $0x1;
	_ =	sdelay $0x1  }
0xac: {  	s5 =	simm.s32 @p0 $0x1B8D  }
0xad: {  	_ =	swait.eq @p0 [sflag:s5], $0x1  }
0xae: {  	[sflag:s5] =	ssyncadd.s32 @p0 $0xFFFFFFFF  }
0xaf: {  	s6 =	sshll.u32 @!p0 s1, $0xE  }
0xb0: {  	s6 =	sor.u32 @!p0 $0x4000, s6;
	s5 =	simm.s32 @!p0 $0x1B8D  }
0xb1: {  	s4 =	sshll.u32 @!p0 s4, $0x11;
	s6 =	sadd.s32 @!p0 $0x11B8D, s6;
	_ =	swait.eq @!p0 [sflag:s5], $0x1  }
0xb2: {  	s4 =	sor.u32 @!p0 s4, s6;
	[sflag:s5] =	ssyncadd.s32 @!p0 $0xFFFFFFFF  }
0xb3: {  	s25 =	simm.s32 $0x1B8E;
	s24 =	sld [smem:$0x3FFE];
	[sflag:s4] =	ssyncadd.remote.s32 @!p0 $0x1  }
0xb4: {  	s26 =	simm.s32 $execute0_lowered;
	[smem:$0x3FD2] =	sst s25  }
0xb5: {  	s5 =	sshll.u32 s26, $0x1;
	_ =	strace $0x80000049;
	[dreg:$0x1] =	wrdreg $0xFFFFFFFF  }
0xb6: {  	s28 =	simm.s32 $_size_execute0_lowered;
	s3 =	sadd.s32 s3, s5;
	[dreg:$0x0] =	wrdreg $0x0  }
0xb7: {  	s5 =	sshll.u32 s28, $0x1;
	[dreg:$0x2] =	wrdreg s3  }
0xb8: {  	[dreg:$0x3] =	wrdreg s5  }
0xb9: {  	[dreg:$0x4] =	wrdreg $0xC0  }
0xba: {  	_ =	task [dreg:s22], $0x5FFFF  }
0xbb: {  	[dreg:$0x1] =	wrdreg $0xFFFFFFFF  }
0xbc: {  	[dreg:$0x0] =	wrdreg $0x60  }
0xbd: {  	[dreg:$0x2] =	wrdreg s24  }
0xbe: {  	[dreg:$0x3] =	wrdreg $0x9  }
0xbf: {  	_ =	task.clear_ibuf [dreg:s22], $0x4FFFF;
	_ =	strace $0x90000049  }
0xc0: {  	s29 =	simm.s32 $0x9;
	_ =	strace $0x8000004B  }
0xc1: {  	_ =	swait.ge [sflag:s29], $0x1  }
0xc2: {  	[sflag:s29] =	ssyncadd.s32 $0xFFFFFFFF  }
0xc3: {  	_ =	strace $0x9000004B  }
0xc4: {  	_ =	sfence  }
0xc5: {  	s30 =	sld [smem:$0x0];
	_ =	sdelay $0x2  }
0xc6: {  	s31 =	sshll.u32 s1, $0xD;
	s1 =	sshrl.u32 s1, $0x2  }
0xc7: {  	s4 =	sand.u32 $0x4000, s31;
	s1 =	sadd.s32 s1, s30  }
0xc8: {  	s0 =	sor.u32 s4, s0;
	s1 =	sshll.u32 s1, $0x11  }
0xc9: {  	s0 =	sor.u32 s1, s0  }
0xca: {  	s0 =	sadd.s32 $0x8F2B, s0  }
0xcb: {  	[sflag:s0] =	ssyncadd.remote.s32 $0x1  }
0xcc: {  	_ =	sfence.sel $0xFFFF  }
0xcd: {  	[dreg:$0x0] =	wrdreg $0xFFFFFFFF;
	(pc) =	sbr.abs _section_cstart, $3  }
0xce: {  	[dreg:$0x1] =	wrdreg $0xFFFFFFFF  }
0xcf: {  	_ =	task.clear_ibuf [dreg:s22], $0x2FFFF;
	_ =	strace $0x9FFFFFFF  }
0xd0: {  	(tm) =	ssettm $0x7FFFFFFF  }
0xd1: {  	_ =	shalt  }
tec
execute0_lowered:
.L_overlay_start_1:
0x0: {  	(tag) =	ssettag $0x1  }
0x1: {  	s1 =	srdreg.scid  }
0x2: {  	s0 =	stileid.u32;
	s4 =	rddreg [dreg:$0x0];
	s2 =	simm.s32 $0x0  }
0x3: {  	s8 =	simm.s32 $0x1;
	s3 =	sand.u32 $0x1, s1;
	s5 =	sshll.u32 s0, $0x1  }
0x4: {  	s9 =	simm.s32 $0x0;
	s1 =	rddreg [dreg:$0x1];
	s5 =	sor.u32 s3, s5  }
0x5: {  	[smem:$0x7FF] =	sst s2;
	s6 =	ssub.s32 $0x2, s3;
	s5 =	smul.u32 $0x500, s5  }
0x6: {  	_ =	strace $0x8000004A;
	s3 =	sadd.s32 $0x33200, s4;
	s7 =	sshrl.u32 s6, $0x1  }
0x7: {  	s6 =	ssub.s32 s6, s7;
	s7 =	simm.s32 $0x2800;
	s5 =	sadd.s32 s5, s4  }
0x8: {  	v0 =	vimm.f32 $1.000000000e+00;
	s6 =	smax.u32 s6, $0x1;
	s4 =	sadd.s32 $0x29200, s5;
	s5 =	sadd.s32 $0x33800, s5  }
.LBB2_1:
0x9: {  	[tilespmem:s7], [sflag:$0x1] =	stream.linear.gather [hbm4b:s3+s2], $0x2800, $0x38;
	[tilespmem:$0x5000] =	vst v63  }
0xa: {  	_ =	swait.ge [sflag:s8], $0x2800  }
0xb: {  	[sflag:s8] =	ssyncset.done $0x0  }
0xc: {  	[sflag:s8] =	ssyncadd.s32 $0xFFFFD800  }
0xd: {  	[tilespmem:s2], [sflag:$0x1] =	stream.linear.gather [hbm4b:s4+s2], $0x2800, $0x38;
	[tilespmem:$0x5000] =	vst v63  }
0xe: {  	_ =	swait.ge [sflag:s8], $0x2800  }
0xf: {  	[sflag:s8] =	ssyncset.done $0x0  }
0x10: {  	s10 =	simm.s32 $0x0;
	[sflag:s8] =	ssyncadd.s32 $0xFFFFD800  }
.LBB2_2:
0x11: {  	s11 =	sshra.s32 s10, $0x2  }
0x12: {  	v1 =	vld [tilespmem:s11+$0x0];
	_ =	sdelay $0x4  }
0x13: {  	v2 =	vshll.u32 v1, $0x3  }
0x14: {  	v3 =	vshrl.u32 v1, $0x1;
	v1 =	vand.u32 $0xFFFFF87F, v1;
	v2 =	vand.u32 $0x400, v2  }
0x15: {  	v3 =	vand.u32 $0x380, v3;
	v1 =	vor.u32 v2, v1  }
0x16: {  	v1 =	vor.u32 v3, v1;
	_ =	sdelay $0x4  }
0x17: {  	[tilespmem:v1+s7+$0x0] =	vst.idx.add.f32.msk $0xffff, v0  }
0x18: {  	v1 =	vld [tilespmem:s11+$0x10];
	_ =	sdelay $0x4  }
0x19: {  	v2 =	vshll.u32 v1, $0x3  }
0x1a: {  	v3 =	vshrl.u32 v1, $0x1;
	v1 =	vand.u32 $0xFFFFF87F, v1;
	v2 =	vand.u32 $0x400, v2  }
0x1b: {  	v3 =	vand.u32 $0x380, v3;
	v1 =	vor.u32 v2, v1  }
0x1c: {  	v1 =	vor.u32 v3, v1;
	_ =	sdelay $0x4  }
0x1d: {  	[tilespmem:v1+s7+$0x0] =	vst.idx.add.f32.msk $0xffff, v0  }
0x1e: {  	v1 =	vld [tilespmem:s11+$0x20];
	_ =	sdelay $0x4  }
0x1f: {  	v2 =	vshll.u32 v1, $0x3  }
0x20: {  	v3 =	vshrl.u32 v1, $0x1;
	v1 =	vand.u32 $0xFFFFF87F, v1;
	v2 =	vand.u32 $0x400, v2  }
0x21: {  	v3 =	vand.u32 $0x380, v3;
	v1 =	vor.u32 v2, v1  }
0x22: {  	v1 =	vor.u32 v3, v1;
	_ =	sdelay $0x4  }
0x23: {  	[tilespmem:v1+s7+$0x0] =	vst.idx.add.f32.msk $0xffff, v0  }
0x24: {  	v1 =	vld [tilespmem:s11+$0x30];
	_ =	sdelay $0x4  }
0x25: {  	v2 =	vshll.u32 v1, $0x3  }
0x26: {  	v3 =	vshrl.u32 v1, $0x1;
	v1 =	vand.u32 $0xFFFFF87F, v1;
	v2 =	vand.u32 $0x400, v2  }
0x27: {  	v3 =	vand.u32 $0x380, v3;
	v1 =	vor.u32 v2, v1  }
0x28: {  	v1 =	vor.u32 v3, v1;
	_ =	sdelay $0x4  }
0x29: {  	[tilespmem:v1+s7+$0x0] =	vst.idx.add.f32.msk $0xffff, v0  }
0x2a: {  	v1 =	vld [tilespmem:s11+$0x40];
	_ =	sdelay $0x4  }
0x2b: {  	v2 =	vshll.u32 v1, $0x3  }
0x2c: {  	v3 =	vshrl.u32 v1, $0x1;
	v1 =	vand.u32 $0xFFFFF87F, v1;
	v2 =	vand.u32 $0x400, v2  }
0x2d: {  	v3 =	vand.u32 $0x380, v3;
	v1 =	vor.u32 v2, v1  }
0x2e: {  	v1 =	vor.u32 v3, v1;
	_ =	sdelay $0x4  }
0x2f: {  	[tilespmem:v1+s7+$0x0] =	vst.idx.add.f32.msk $0xffff, v0  }
0x30: {  	v1 =	vld [tilespmem:s11+$0x50];
	_ =	sdelay $0x4  }
0x31: {  	v2 =	vshll.u32 v1, $0x3  }
0x32: {  	v3 =	vshrl.u32 v1, $0x1;
	v1 =	vand.u32 $0xFFFFF87F, v1;
	v2 =	vand.u32 $0x400, v2  }
0x33: {  	v3 =	vand.u32 $0x380, v3;
	v1 =	vor.u32 v2, v1  }
0x34: {  	v1 =	vor.u32 v3, v1;
	_ =	sdelay $0x4  }
0x35: {  	[tilespmem:v1+s7+$0x0] =	vst.idx.add.f32.msk $0xffff, v0  }
0x36: {  	v1 =	vld [tilespmem:s11+$0x60];
	_ =	sdelay $0x4  }
0x37: {  	v2 =	vshll.u32 v1, $0x3  }
0x38: {  	v3 =	vshrl.u32 v1, $0x1;
	v1 =	vand.u32 $0xFFFFF87F, v1;
	v2 =	vand.u32 $0x400, v2  }
0x39: {  	v3 =	vand.u32 $0x380, v3;
	v1 =	vor.u32 v2, v1  }
0x3a: {  	v1 =	vor.u32 v3, v1;
	_ =	sdelay $0x4  }
0x3b: {  	[tilespmem:v1+s7+$0x0] =	vst.idx.add.f32.msk $0xffff, v0  }
0x3c: {  	v1 =	vld [tilespmem:s11+$0x70];
	_ =	sdelay $0x4  }
0x3d: {  	v2 =	vshll.u32 v1, $0x3  }
0x3e: {  	v3 =	vshrl.u32 v1, $0x1;
	v1 =	vand.u32 $0xFFFFF87F, v1;
	v2 =	vand.u32 $0x400, v2  }
0x3f: {  	v3 =	vand.u32 $0x380, v3;
	v1 =	vor.u32 v2, v1  }
0x40: {  	p0 =	sne.s32 s10, $0x9E00;
	v1 =	vor.u32 v3, v1  }
.Ltmp0:
0x41: {  	_ = 	snop;
	(pc) =	sbr.rel @p0 .LBB2_2-.Ltmp0, $2  }
0x42: {  	_ =	sdelay $0x2  }
0x43: {  	s10 =	sadd.s32 $0x200, s10;
	[tilespmem:v1+s7+$0x0] =	vst.idx.add.f32.msk $0xffff, v0  }
0x44: {  	s9 =	sadd.s32 $0x1, s9  }
0x45: {  	p0 =	sne.s32 s9, s6  }
.Ltmp1:
0x46: {  	_ = 	snop;
	(pc) =	sbr.rel @p0 .LBB2_1-.Ltmp1, $4  }
0x47: {  	[hbm4b:s5+s2] =	stream.linear.scatter [tilespmem:s7], [sflag:$0x1], $0x2800, $0x38;
	[tilespmem:$0x5000] =	vst v63  }
0x48: {  	_ =	swait.ge [sflag:s8], $0x2800  }
0x49: {  	[sflag:s8] =	ssyncset.done $0x0  }
0x4a: {  	[sflag:s8] =	ssyncadd.s32 $0xFFFFD800  }
0x4b: {  	_ =	sfence.sel $0x180000  }
0x4c: {  	[bflag:$0x0] =	sbarrier.arrive $0xFFFF  }
0x4d: {  	p0 =	sne.s32 s0, $0x0;
	_ =	strace $0x9000004A  }
0x4e: {  	s0 =	sadd.s32 @!p0 $0x100000, s1;
	[bflag:$0x2] =	sbarrier.arrive $0xFFFF  }
0x4f: {  	[sflag:s0] =	ssyncadd.tile.s32 @!p0 $0x1;
	_ =	shalt  }
.Lfunc_end2:
_tile_overlayer_lowered:
.L_overlay_start_2:
0x50: {  	(tag) =	ssettag $0x2  }
0x51: {  	s0 =	rddreg [dreg:$0x0];
	s2 =	stileid.u32  }
0x52: {  	s1 =	rddreg [dreg:$0x1];
	p0 =	sne.s32 s2, $0x0  }
0x53: {  	s3 =	rddreg [dreg:$0x2];
	[bflag:$0x3] =	sbarrier.arrive $0xFFFF;
	s2 =	simm.s32 @!p0 $0x1C01  }
0x54: {  	[timem:s3], [sflag:s2] =	dma.local @!p0 [hbm:s0], s1  }
0x55: {  	s0 =	simm.s32 @!p0 $0x1  }
0x56: {  	_ =	swait.ge @!p0 [sflag:s0], s1  }
0x57: {  	s1 =	ssub.s32 @!p0 $0x0, s1;
	[sflag:s0] =	ssyncset.done @!p0 $0x0  }
0x58: {  	[sflag:s0] =	ssyncadd.s32 @!p0 s1  }
0x59: {  	[bflag:$0x3] =	sbarrier.arrive $0xFFFF  }
0x5a: {  	_ =	shalt  }

// kernel: kernel.7.cloned.1.call-start
scs
__scs_entry_jumppad:
0x0: {  	(pc) =	sbr.rel $0x88, $3  }
0x1: {  	(tag) =	ssettag $0x0;
	lr =	simm.s32 $0x1  }
0x2: {  	[smem:$0x3F9A] =	sst lr;
	_ =	strace $0xD0000000  }
0x3: {  	_ = 	snop  }
0x4: {  	_ = 	snop  }
0x5: {  	_ = 	snop  }
0x6: {  	_ = 	snop  }
0x7: {  	_ = 	snop  }
__scs_overlays_trampoline_lowered:
0x8: {  	[smem:$0x3FA9] =	sst s0  }
0x9: {  	[smem:$0x3FAA] =	sst s1  }
0xa: {  	[smem:$0x3FAB] =	sst s2  }
0xb: {  	[smem:$0x3FAC] =	sst s3  }
0xc: {  	[smem:$0x3FAD] =	sst s4  }
0xd: {  	[smem:$0x3FAE] =	sst s5  }
0xe: {  	[smem:$0x3FAF] =	sst s6  }
0xf: {  	[smem:$0x3FB0] =	sst s7  }
0x10: {  	[smem:$0x3FB1] =	sst s8  }
0x11: {  	[smem:$0x3FB2] =	sst s9;
	s0 =	simm.s32 @!p0 $0x0  }
0x12: {  	s1 =	sld [smem:$0x3F98];
	s0 =	simm.s32 @p0 $0x1  }
0x13: {  	[smem:$0x3FB3] =	sst s0;
	s0 =	simm.s32 @!p1 $0x0  }
0x14: {  	s2 =	sld [smem:$0x3F97];
	s0 =	simm.s32 @p1 $0x1  }
0x15: {  	[smem:$0x3FB4] =	sst s0;
	s0 =	simm.s32 @!p2 $0x0  }
0x16: {  	s3 =	sld [smem:$0x3FDB];
	s0 =	simm.s32 @p2 $0x1  }
0x17: {  	s4 =	simm.s32 $0x1BF5;
	[smem:$0x3FB6] =	sst s0  }
0x18: {  	s0 =	sld [smem:$0x3F99];
	_ =	swait.ge [sflag:s4], $0x0  }
0x19: {  	s7 =	sld [smem:$0x3F9A]  }
0x1a: {  	s8 =	sadd.s32 $0xFFFFE003, lr  }
0x1b: {  	s9 =	sadd.s32 $0xFFFFFEF7, lr;
	s5 =	simm.s32 $0xFFFFFFFF;
	p2 =	slt.u32 s8, $0xFFFFF086  }
0x1c: {  	p1 =	slt.u32 s9, $0xF7A;
	s5 =	simm.s32 @!p2 $0x0  }
0x1d: {  	s5 =	simm.s32 @p1 $0x1;
	p0 =	seq.s32 s7, s2  }
0x1e: {  	s7 =	smul.u32 @!p0 $0xF7A, s2;
	p2 =	seq.s32 @!p0 s5, $0x0  }
0x1f: {  	s9 =	smul.u32 $0xF7A, s1;
	s8 =	simm.s32 @!p0 $0x1BF5;
	p2 =	por !p2, p0  }
0x20: {  	[sflag:s8] =	ssyncset.s32 @!p0 $0xFFFFF086;
	s6 =	sadd.s32 @!p0 s3, s7;
	s7 =	simm.s32 @!p0 $0x108  }
0x21: {  	s3 =	sadd.s32 s3, s9;
	s6 =	sadd.s32 @!p0 $0x88, s6;
	s7 =	simm.s32 @p2 $0x1082  }
0x22: {  	[simem:s7], [sflag:s8] =	dma.local @!p0 [hbm:s6], $0xF7A  }
0x23: {  	s9 =	sor.u32 $0xD0000000, s2;
	s6 =	simm.s32 $0x108;
	_ =	swait.ge @!p0 [sflag:s8], $0x0  }
0x24: {  	s3 =	sadd.s32 $0x88, s3;
	s6 =	simm.s32 @!p1 $0x1082;
	[sflag:s4] =	ssyncset.s32 $0xFFFFF086  }
0x25: {  	[simem:s6], [sflag:s4] =	dma.local [hbm:s3], $0xF7A  }
0x26: {  	[smem:$0x3F9A] =	sst s1;
	(tag) =	ssettag s2;
	_ =	strace s9  }
0x27: {  	s1 =	sld [smem:$0x3FAA]  }
0x28: {  	s2 =	sld [smem:$0x3FAB]  }
0x29: {  	s4 =	sld [smem:$0x3FAD]  }
0x2a: {  	p0 =	seq.s32 s5, $0x0;
	s5 =	sld [smem:$0x3FAE]  }
0x2b: {  	s6 =	sld [smem:$0x3FAF]  }
0x2c: {  	s7 =	sld [smem:$0x3FB0]  }
0x2d: {  	s3 =	simm.s32 $0x108;
	s8 =	sld [smem:$0x3FB1]  }
0x2e: {  	s3 =	simm.s32 @!p0 $0x1082;
	s9 =	sld [smem:$0x3FB2]  }
0x2f: {  	lr =	sadd.s32 s0, s3;
	s0 =	sld [smem:$0x3FA9]  }
0x30: {  	s3 =	sld [smem:$0x3FAC]  }
0x31: {  	[smem:$0x3FB5] =	sst s10  }
0x32: {  	s10 =	sld [smem:$0x3FB3];
	_ =	sdelay $0x3  }
0x33: {  	p0 =	seq.s32 s10, $0x1;
	s10 =	sld [smem:$0x3FB5];
	_ =	sdelay $0x3  }
0x34: {  	[smem:$0x3FB5] =	sst s10  }
0x35: {  	s10 =	sld [smem:$0x3FB4];
	_ =	sdelay $0x3  }
0x36: {  	p1 =	seq.s32 s10, $0x1;
	s10 =	sld [smem:$0x3FB5];
	_ =	sdelay $0x3  }
0x37: {  	[smem:$0x3FB5] =	sst s10  }
0x38: {  	s10 =	sld [smem:$0x3FB6]  }
0x39: {  	_ = 	snop;
	(pc) =	sbr.ind lr, $3  }
0x3a: {  	_ = 	snop  }
0x3b: {  	_ = 	snop  }
0x3c: {  	p2 =	seq.s32 s10, $0x1;
	s10 =	sld [smem:$0x3FB5]  }
0x3d: {  	_ =	shalt  }
0x3e: {  	_ =	shalt  }
0x3f: {  	_ =	shalt  }
0x40: {  	_ =	shalt  }
0x41: {  	_ =	shalt  }
0x42: {  	_ =	shalt  }
0x43: {  	_ =	shalt  }
0x44: {  	_ =	shalt  }
0x45: {  	_ =	shalt  }
0x46: {  	_ =	shalt  }
0x47: {  	_ =	shalt  }
0x48: {  	_ =	shalt  }
0x49: {  	_ =	shalt  }
0x4a: {  	_ =	shalt  }
0x4b: {  	_ =	shalt  }
0x4c: {  	_ =	shalt  }
0x4d: {  	_ =	shalt  }
0x4e: {  	_ =	shalt  }
0x4f: {  	_ =	shalt  }
0x50: {  	_ =	shalt  }
0x51: {  	_ =	shalt  }
0x52: {  	_ =	shalt  }
0x53: {  	_ =	shalt  }
0x54: {  	_ =	shalt  }
0x55: {  	_ =	shalt  }
0x56: {  	_ =	shalt  }
0x57: {  	_ =	shalt  }
0x58: {  	_ =	shalt  }
0x59: {  	_ =	shalt  }
0x5a: {  	_ =	shalt  }
0x5b: {  	_ =	shalt  }
0x5c: {  	_ =	shalt  }
0x5d: {  	_ =	shalt  }
0x5e: {  	_ =	shalt  }
0x5f: {  	_ =	shalt  }
0x60: {  	_ =	shalt  }
0x61: {  	_ =	shalt  }
0x62: {  	_ =	shalt  }
0x63: {  	_ =	shalt  }
0x64: {  	_ =	shalt  }
0x65: {  	_ =	shalt  }
0x66: {  	_ =	shalt  }
0x67: {  	_ =	shalt  }
0x68: {  	_ =	shalt  }
0x69: {  	_ =	shalt  }
0x6a: {  	_ =	shalt  }
0x6b: {  	_ =	shalt  }
0x6c: {  	_ =	shalt  }
0x6d: {  	_ =	shalt  }
0x6e: {  	_ =	shalt  }
0x6f: {  	_ =	shalt  }
0x70: {  	_ =	shalt  }
0x71: {  	_ =	shalt  }
0x72: {  	_ =	shalt  }
0x73: {  	_ =	shalt  }
0x74: {  	_ =	shalt  }
0x75: {  	_ =	shalt  }
0x76: {  	_ =	shalt  }
0x77: {  	_ =	shalt  }
0x78: {  	_ =	shalt  }
0x79: {  	_ =	shalt  }
0x7a: {  	_ =	shalt  }
0x7b: {  	_ =	shalt  }
0x7c: {  	_ =	shalt  }
0x7d: {  	_ =	shalt  }
0x7e: {  	_ =	shalt  }
0x7f: {  	_ =	shalt  }
0x80: {  	_ =	shalt  }
0x81: {  	_ =	shalt  }
0x82: {  	_ =	shalt  }
0x83: {  	_ =	shalt  }
0x84: {  	_ =	shalt  }
0x85: {  	_ =	shalt  }
0x86: {  	_ =	shalt  }
0x87: {  	_ =	shalt  }
.Lfunc_end0:
.L_simem_size_0:
called_computation_lowered:
.L_overlay_start_0:
0x88: {  	s2 =	sld [smem:$0x3FD9]  }
0x89: {  	s3 =	sld [smem:$0x3FFE];
	_ =	sdelay $0x1  }
0x8a: {  	s1 =	srdreg.scid  }
0x8b: {  	s0 =	sand.u32 $0x1, s1  }
0x8c: {  	s17 =	sshll.u32 s0, $0xA;
	s2 =	sadd.s32 s3, s2  }
0x8d: {  	s2 =	sadd.s32 s2, s17  }
0x8e: {  	[smem:$0x3FC1] =	sst s2  }
0x8f: {  	_ = 	snop  }
0x90: {  	s2 =	sld [smem:$0x3FC6]  }
0x91: {  	s18 =	sld [smem:$0x3FD0];
	(tm) =	ssettm $0x1  }
0x92: {  	s4 =	sld [smem:$0x3FFB];
	_ =	sdelay $0x3  }
0x93: {  	_ =	strace s4  }
0x94: {  	s4 =	sld [smem:$0x3FFC];
	_ =	sdelay $0x3  }
0x95: {  	_ =	strace s4  }
0x96: {  	s4 =	sld [smem:$0x3FFD];
	_ =	sdelay $0x3  }
0x97: {  	_ =	strace s4  }
0x98: {  	_ =	strace $0x8FFFFFFF  }
0x99: {  	s19 =	sld [smem:$0x3FDB];
	_ =	sdelay $0x1  }
0x9a: {  	s5 =	simm.s32 $_scs_section_size  }
0x9b: {  	s6 =	simm.s32 $_size__tile_overlayer_lowered;
	s7 =	simm.s32 $_tile_overlayer_lowered  }
0x9c: {  	s22 =	simm.s32 $0x1BFF;
	s21 =	sshll.u32 s7, $0x1;
	s4 =	sadd.s32 s5, s19  }
0x9d: {  	s8 =	simm.s32 $0x0;
	s20 =	sshll.u32 s6, $0x1;
	s6 =	sadd.s32 s21, s4  }
0x9e: {  	[timem:s8], [sflag:s22] =	dma.local [hbm:s6], s20  }
0x9f: {  	_ =	swait.ge [sflag:s22], s20  }
0xa0: {  	s5 =	ssub.s32 $0x0, s20;
	[sflag:s22] =	ssyncset.done $0x0  }
0xa1: {  	[sflag:s22] =	ssyncadd.s32 s5;
	_ =	sdelay $0x1  }
0xa2: {  	s23 =	simm.s32 $0x1B8B  }
0xa3: {  	_ =	swait.ge [sflag:s23], $0x1  }
0xa4: {  	[sflag:s23] =	ssyncset.done $0x0  }
0xa5: {  	s25 =	simm.s32 $0x1B8E;
	s24 =	sld [smem:$0x3FFE];
	[sflag:s23] =	ssyncadd.s32 $0xFFFFFFFF  }
0xa6: {  	s26 =	simm.s32 $execute0_lowered;
	[smem:$0x3FD2] =	sst s25  }
0xa7: {  	s6 =	sshll.u32 s26, $0x1;
	_ =	strace $0x80000046;
	[dreg:$0x1] =	wrdreg $0xFFFFFFFF  }
0xa8: {  	s28 =	simm.s32 $_size_execute0_lowered;
	s4 =	sadd.s32 s4, s6;
	[dreg:$0x0] =	wrdreg $0x0  }
0xa9: {  	s6 =	sshll.u32 s28, $0x1;
	[dreg:$0x2] =	wrdreg s4  }
0xaa: {  	[dreg:$0x3] =	wrdreg s6  }
0xab: {  	[dreg:$0x4] =	wrdreg $0xC0  }
0xac: {  	_ =	task [dreg:s8], $0x5FFFF  }
0xad: {  	[dreg:$0x1] =	wrdreg $0xFFFFFFFF  }
0xae: {  	[dreg:$0x0] =	wrdreg $0x60  }
0xaf: {  	[dreg:$0x2] =	wrdreg s2  }
0xb0: {  	[dreg:$0x3] =	wrdreg s18  }
0xb1: {  	[dreg:$0x4] =	wrdreg s24  }
0xb2: {  	[dreg:$0x5] =	wrdreg $0xA  }
0xb3: {  	_ =	task.clear_ibuf [dreg:s8], $0x6FFFF;
	_ =	strace $0x90000046  }
0xb4: {  	s29 =	simm.s32 $0xA;
	_ =	strace $0x80000048  }
0xb5: {  	_ =	swait.ge [sflag:s29], $0x1  }
0xb6: {  	[sflag:s29] =	ssyncadd.s32 $0xFFFFFFFF  }
0xb7: {  	_ =	strace $0x90000048  }
0xb8: {  	_ =	sfence  }
0xb9: {  	s30 =	sld [smem:$0x0];
	_ =	sdelay $0x2  }
0xba: {  	s31 =	sshll.u32 s1, $0xD;
	s1 =	sshrl.u32 s1, $0x2  }
0xbb: {  	s3 =	sand.u32 $0x4000, s31;
	s1 =	sadd.s32 s1, s30  }
0xbc: {  	s0 =	sor.u32 s3, s0;
	s1 =	sshll.u32 s1, $0x11  }
0xbd: {  	s0 =	sor.u32 s1, s0  }
0xbe: {  	s0 =	sadd.s32 $0x8F2B, s0  }
0xbf: {  	[sflag:s0] =	ssyncadd.remote.s32 $0x1  }
0xc0: {  	_ =	sfence.sel $0xFFFF  }
0xc1: {  	[dreg:$0x0] =	wrdreg $0xFFFFFFFF;
	(pc) =	sbr.abs _section_cstart, $3  }
0xc2: {  	[dreg:$0x1] =	wrdreg $0xFFFFFFFF  }
0xc3: {  	_ =	task.clear_ibuf [dreg:s8], $0x2FFFF;
	_ =	strace $0x9FFFFFFF  }
0xc4: {  	(tm) =	ssettm $0x7FFFFFFF  }
0xc5: {  	_ =	shalt  }
tec
execute0_lowered:
.L_overlay_start_1:
0x0: {  	(tag) =	ssettag $0x1  }
0x1: {  	s1 =	rddreg [dreg:$0x0]  }
0x2: {  	s2 =	srdreg.scid;
	s0 =	stileid.u32  }
0x3: {  	s4 =	rddreg [dreg:$0x1];
	s6 =	sand.u32 $0x1, s2;
	s30 =	sshll.u32 s0, $0x1  }
0x4: {  	s9 =	rddreg [dreg:$0x2];
	s3 =	simm.s32 $0x0;
	s7 =	sor.u32 s6, s30  }
0x5: {  	s8 =	simm.s32 $0x1;
	[smem:$0x7FF] =	sst s3;
	s5 =	smul.u32 $0x28, s7  }
0x6: {  	s2 =	rddreg [dreg:$0x3];
	_ =	strace $0x80000047;
	s11 =	ssub.s32 $0x2, s6  }
0x7: {  	s6 =	simm.s32 $0x140;
	s5 =	sadd.s32 s4, s5;
	s4 =	simm.s32 $0x2  }
0x8: {  	[tilespmem:s3], [sflag:$0x2] =	stream.linear.gather [hbm4b:s5+s3], $0x140, $0x38;
	[tilespmem:$0xA180] =	vst v63  }
0x9: {  	s10 =	smul.u32 $0x1400, s7;
	s12 =	sshrl.u32 s11, $0x1;
	_ =	swait.ge [sflag:s4], $0x140  }
0xa: {  	s7 =	simm.s32 $0x180;
	s31 =	ssub.s32 s11, s12;
	[sflag:s4] =	ssyncset.done $0x0  }
0xb: {  	s9 =	sadd.s32 s10, s9;
	s10 =	smax.u32 s31, $0x1;
	[sflag:s4] =	ssyncadd.s32 $0xFFFFFEC0  }
0xc: {  	[tilespmem:s7], [sflag:$0x1] =	stream.indirect.gather [hbm4b:s1+s6], $0x80, s3, s6, $0xb8;
	[tilespmem:$0xA180] =	vst v63  }
0xd: {  	p0 =	sne.s32 s10, $0x1;
	_ =	swait.ge [sflag:s8], $0xA000  }
.Ltmp0:
0xe: {  	[sflag:s8] =	ssyncset.done $0x0;
	(pc) =	sbr.rel @!p0 .LBB2_2-.Ltmp0, $4  }
0xf: {  	s9 =	sadd.s32 $0x1200, s9;
	[sflag:s8] =	ssyncadd.s32 $0xFFFF6000  }
0x10: {  	[hbm4b:s9+s3] =	stream.linear.scatter [tilespmem:s7], [sflag:$0x2], $0xA000, $0x38;
	[tilespmem:$0xA180] =	vst v63  }
0x11: {  	_ =	swait.ge [sflag:s4], $0xA000  }
0x12: {  	s10 =	sadd.s32 $0xFFFFFFFF, s10;
	[sflag:s4] =	ssyncset.done $0x0  }
.LBB2_1:
0x13: {  	p0 =	sne.s32 s10, $0x1;
	s10 =	sadd.s32 $0xFFFFFFFF, s10;
	[sflag:s4] =	ssyncadd.s32 $0xFFFF6000  }
0x14: {  	[tilespmem:s3], [sflag:$0x2] =	stream.linear.gather [hbm4b:s5+s3], $0x140, $0x38;
	[tilespmem:$0xA180] =	vst v63  }
0x15: {  	_ =	swait.ge [sflag:s4], $0x140  }
0x16: {  	[sflag:s4] =	ssyncset.done $0x0  }
0x17: {  	[sflag:s4] =	ssyncadd.s32 $0xFFFFFEC0  }
0x18: {  	[tilespmem:s7], [sflag:$0x1] =	stream.indirect.gather [hbm4b:s1+s6], $0x80, s3, s6, $0xb8;
	[tilespmem:$0xA180] =	vst v63  }
0x19: {  	_ =	swait.ge [sflag:s8], $0xA000  }
.Ltmp1:
0x1a: {  	[sflag:s8] =	ssyncset.done $0x0;
	(pc) =	sbr.rel @p0 .LBB2_1-.Ltmp1, $4  }
0x1b: {  	[sflag:s8] =	ssyncadd.s32 $0xFFFF6000  }
0x1c: {  	[hbm4b:s9+s3] =	stream.linear.scatter [tilespmem:s7], [sflag:$0x2], $0xA000, $0x38;
	[tilespmem:$0xA180] =	vst v63  }
0x1d: {  	_ =	swait.ge [sflag:s4], $0xA000  }
0x1e: {  	[sflag:s4] =	ssyncset.done $0x0  }
.LBB2_2:
0x1f: {  	[sflag:s4] =	ssyncadd.s32 $0xFFFF6000  }
0x20: {  	_ =	sfence.sel $0x180000  }
0x21: {  	[bflag:$0x0] =	sbarrier.arrive $0xFFFF  }
0x22: {  	p0 =	sne.s32 s0, $0x0;
	_ =	strace $0x90000047  }
0x23: {  	s0 =	sadd.s32 @!p0 $0x100000, s2;
	[bflag:$0x2] =	sbarrier.arrive $0xFFFF  }
0x24: {  	[sflag:s0] =	ssyncadd.tile.s32 @!p0 $0x1;
	_ =	shalt  }
.Lfunc_end2:
_tile_overlayer_lowered:
.L_overlay_start_2:
0x25: {  	(tag) =	ssettag $0x2  }
0x26: {  	s0 =	rddreg [dreg:$0x0];
	s2 =	stileid.u32  }
0x27: {  	s1 =	rddreg [dreg:$0x1];
	p0 =	sne.s32 s2, $0x0  }
0x28: {  	s3 =	rddreg [dreg:$0x2];
	[bflag:$0x3] =	sbarrier.arrive $0xFFFF;
	s2 =	simm.s32 @!p0 $0x1C02  }
0x29: {  	[timem:s3], [sflag:s2] =	dma.local @!p0 [hbm:s0], s1  }
0x2a: {  	s0 =	simm.s32 @!p0 $0x2  }
0x2b: {  	_ =	swait.ge @!p0 [sflag:s0], s1  }
0x2c: {  	s1 =	ssub.s32 @!p0 $0x0, s1;
	[sflag:s0] =	ssyncset.done @!p0 $0x0  }
0x2d: {  	[sflag:s0] =	ssyncadd.s32 @!p0 s1  }
0x2e: {  	[bflag:$0x3] =	sbarrier.arrive $0xFFFF  }
0x2f: {  	_ =	shalt  }

</sc_bundles>
